<compile_context>
chip_gen: v7x
topology: tpu7x:2x2x1
jax: 0.10.2.dev20260603
libtpu: 0.0.44.dev20260713+nightly
codegen_flags: <defaults>
</compile_context>

<pallas_src>
import functools

import jax
import jax.numpy as jnp
from jax import lax
from jax.experimental import pallas as pl
from jax.experimental.pallas import tpu as pltpu
from jax.experimental.pallas import tpu_sc as plsc

_LANES = 16


def _pos_embed_sc(emb_z, embs_x, embs_y, B, levels):
    L, HID = emb_z.shape
    _, W, HX = embs_x.shape
    _, H, HY = embs_y.shape
    assert HX + HY == HID
    assert HX % _LANES == 0 and HY % _LANES == 0

    info = plsc.get_sparse_core_info()
    NC, NS = 1, info.num_subcores
    NW = NC * NS
    assert H % NW == 0
    RPW = H // NW

    nxj = HX // _LANES
    nyj = HY // _LANES

    mesh = plsc.VectorSubcoreMesh(
        core_axis_name="c", subcore_axis_name="s", num_cores=NC)
    out_types = tuple(
        jax.ShapeDtypeStruct((B, H, W, HID), jnp.float32) for _ in levels
    )

    @functools.partial(
        pl.kernel,
        mesh=mesh,
        out_type=out_types,
        scratch_types=[
            pltpu.VMEM((W, HX), jnp.float32),
            pltpu.VMEM((RPW, HY), jnp.float32),
            pltpu.VMEM((HID,), jnp.float32),
            pltpu.VMEM((W, HID), jnp.float32),
            pltpu.VMEM((W, HID), jnp.float32),
            pltpu.SemaphoreType.DMA,
            pltpu.SemaphoreType.DMA,
        ],
    )
    def k(z_hbm, x_hbm, y_hbm, *rest):
        outs = rest[:len(levels)]
        xbuf, ybuf, zbuf, rb0, rb1, sem0, sem1 = rest[len(levels):]
        bufs, sems = (rb0, rb1), (sem0, sem1)
        wid = lax.axis_index("s") * NC + lax.axis_index("c")
        h0 = wid * RPW

        pending = {0: [], 1: []}

        def drain(i):
            for hnd in pending[i]:
                hnd.wait()
            pending[i] = []

        t = 0
        for li, l in enumerate(levels):
            pltpu.sync_copy(x_hbm.at[l], xbuf)
            pltpu.sync_copy(y_hbm.at[l, pl.ds(h0, RPW)], ybuf)
            pltpu.sync_copy(z_hbm.at[l], zbuf)
            zx = [zbuf[pl.ds(j * _LANES, _LANES)] for j in range(nxj)]
            zy = [zbuf[pl.ds(HX + j * _LANES, _LANES)] for j in range(nyj)]

            @pl.loop(0, W)
            def _(w):
                for j in range(nxj):
                    sl = pl.ds(j * _LANES, _LANES)
                    xbuf[w, sl] = xbuf[w, sl] + zx[j]

            for r in range(RPW):
                i = t % 2
                buf, sem = bufs[i], sems[i]
                drain(i)
                install_x = r < 2

                yv = [ybuf[r, pl.ds(j * _LANES, _LANES)] + zy[j]
                      for j in range(nyj)]

                @pl.loop(0, W)
                def _(w):
                    if install_x:
                        for j in range(nxj):
                            sl = pl.ds(j * _LANES, _LANES)
                            buf[w, sl] = xbuf[w, sl]
                    for j in range(nyj):
                        buf[w, pl.ds(HX + j * _LANES, _LANES)] = yv[j]

                for b in range(B):
                    pending[i].append(
                        pltpu.async_copy(buf, outs[li].at[b, h0 + r], sem))
                t += 1

        drain(0)
        drain(1)

    return k(emb_z, embs_x, embs_y)


def _pos_embed_tc_level(xa, ya, B):
    W, HX = xa.shape
    H, HY = ya.shape
    HID = HX + HY
    BH = 32
    assert H % BH == 0

    def body(xa_ref, ya_ref, out_ref):
        xv = xa_ref[...]
        for h in range(BH):
            out_ref[0, h, :, 0:HX] = xv
            out_ref[0, h, :, HX:HID] = jnp.broadcast_to(
                ya_ref[h, :][None, :], (W, HY))

    return pl.pallas_call(
        body,
        grid=(B, H // BH),
        in_specs=[
            pl.BlockSpec((W, HX), lambda b, j: (0, 0)),
            pl.BlockSpec((BH, HY), lambda b, j: (j, 0)),
        ],
        out_specs=pl.BlockSpec((1, BH, W, HID), lambda b, j: (b, j, 0, 0)),
        out_shape=jax.ShapeDtypeStruct((B, H, W, HID), jnp.float32),
    )(xa, ya)


def kernel(feature_maps, emb_z, embs_x, embs_y):
    L = emb_z.shape[0]
    HX = embs_x.shape[2]
    B = feature_maps.shape[1]
    LSC = 1
    sc_outs = _pos_embed_sc(emb_z, embs_x, embs_y, B, tuple(range(LSC)))
    tc_outs = []
    for l in range(LSC, L):
        xa = embs_x[l] + emb_z[l, :HX][None, :]
        ya = embs_y[l] + emb_z[l, HX:][None, :]
        tc_outs.append(_pos_embed_tc_level(xa, ya, B))
    return tuple(sc_outs) + tuple(tc_outs)

# --- scband reference (transcript-rebuilt; emitter-appended) ---
"""Pipeline reference for scband-positional-embedder-62852551409947 (READ-ONLY COPY).

The authoritative reference and input builder live on the scoring server;
editing this copy changes nothing except your own understanding.
"""

import jax, jax.numpy as jnp
import numpy as np

L, B, H, W, C = 4, 2, 128, 128, 256
HID = 256

def setup_inputs(seed: int = 0) -> dict:
    key = jax.random.key(seed)
    k1, k2, k3 = jax.random.split(key, 3)
    # feature maps: only shapes are consumed by the module, values unused
    feature_maps = jnp.zeros((L, B, H, W, C), dtype=jnp.float32)
    # learned parameters per init_kwargs: emb_z[L, HID]; per-level embs_x[W, HID//2], embs_y[H, HID//2]
    # (all levels have the same H, W, so tables are stacked along the level axis)
    emb_z = jax.random.normal(k1, (L, HID), dtype=jnp.float32)
    embs_x = jax.random.normal(k2, (L, W, HID // 2), dtype=jnp.float32)
    embs_y = jax.random.normal(k3, (L, H, HID // 2), dtype=jnp.float32)
    return {"feature_maps": feature_maps, "emb_z": emb_z, "embs_x": embs_x, "embs_y": embs_y}

def reference(feature_maps, emb_z, embs_x, embs_y):
    Ln, Bn, Hn, Wn, Cn = feature_maps.shape
    # z_pos = emb_z(arange(L))  -> embedding gather
    z_pos = jnp.take(emb_z, jnp.arange(Ln), axis=0)
    pos = []
    for i in range(Ln):
        # x_pos = embs_x[i](arange(W)); y_pos = embs_y[i](arange(H))
        x_pos = jnp.take(embs_x[i], jnp.arange(Wn), axis=0)  # [W, HID//2]
        y_pos = jnp.take(embs_y[i], jnp.arange(Hn), axis=0)  # [H, HID//2]
        # torch: cat([x_pos.unsqueeze(0).repeat(H,1,1), y_pos.unsqueeze(1).repeat(1,W,1)], -1)
        x_rep = jnp.broadcast_to(x_pos[None, :, :], (Hn, Wn, x_pos.shape[-1]))
        y_rep = jnp.broadcast_to(y_pos[:, None, :], (Hn, Wn, y_pos.shape[-1]))
        lvl_pos = jnp.concatenate([x_rep, y_rep], axis=-1)  # [H, W, HID]
        # .unsqueeze(0).repeat(B,1,1,1)
        lvl_pos = jnp.broadcast_to(lvl_pos[None, :, :, :], (Bn, Hn, Wn, lvl_pos.shape[-1]))
        lvl_pos = lvl_pos + z_pos[i]
        pos.append(lvl_pos)
    return tuple(pos)

if __name__ == "__main__":
    import jax
    _d = setup_inputs()
    print(jax.jit(kernel)(*tuple(_d.values())))

</pallas_src>

<mosaic_0001>
#map = affine_map<(d0, d1) -> (0, 0)>
#map1 = affine_map<(d0, d1) -> (0, 0, 0)>
#map2 = affine_map<(d0, d1) -> (0, 0, 0, 0)>
module attributes {stable_mosaic.version = 14 : i64} {
  func.func @k(%arg0: i32, %arg1: i32, %arg2: memref<4x256xf32, #tpu.memory_space<hbm>>, %arg3: memref<4x128x128xf32, #tpu.memory_space<hbm>>, %arg4: memref<4x128x128xf32, #tpu.memory_space<hbm>>, %arg5: memref<2x128x128x256xf32, #tpu.memory_space<hbm>>, %arg6: memref<128x128xf32, #tpu.memory_space<vmem>>, %arg7: memref<8x128xf32, #tpu.memory_space<vmem>>, %arg8: memref<256xf32, #tpu.memory_space<vmem>>, %arg9: memref<128x256xf32, #tpu.memory_space<vmem>>, %arg10: memref<128x256xf32, #tpu.memory_space<vmem>>, %arg11: memref<!tpu.dma_semaphore, #tpu.memory_space<semaphore_mem>>, %arg12: memref<!tpu.dma_semaphore, #tpu.memory_space<semaphore_mem>>) attributes {dimension_semantics = [#tpu.dimension_semantics<core_parallel>, #tpu.dimension_semantics<subcore_parallel>], iteration_bounds = array<i64: 1, 16>, scalar_prefetch = 0 : i64, scratch_operands = 7 : i64, tpu.core_type = #tpu.core_type<sc_vector_subcore>, window_params = [{transform_indices = #map}, {transform_indices = #map1}, {transform_indices = #map1}, {transform_indices = #map2}]} {
    %mul3A = arith.constant 1 : i32
    %mul3A_0 = arith.muli %arg1, %mul3A : i32
    %add3A = arith.addi %mul3A_0, %arg0 : i32
    %mul3A_1 = arith.constant 8 : i32
    %mul3A_2 = arith.muli %add3A, %mul3A_1 : i32
    %run_scoped3A = arith.constant 0 : i32
    "tpu.region"() ({
      %run_scoped3A_798 = tpu.sem_alloc : memref<!tpu.dma_semaphore, #tpu.memory_space<semaphore_mem>>
      %dma_start3A_799 = arith.constant 0 : i32
      %dma_start3A_800 = arith.constant 0 : i32
      %dma_start3A_801 = tpu.memref_slice %arg3[%run_scoped3A, %dma_start3A_799, %dma_start3A_800] : memref<4x128x128xf32, #tpu.memory_space<hbm>> -> memref<1x128x128xf32, #tpu.memory_space<hbm>>
      %dma_start3A_802 = tpu.memref_squeeze %dma_start3A_801 : memref<1x128x128xf32, #tpu.memory_space<hbm>> -> memref<128x128xf32, #tpu.memory_space<hbm>>
      %dma_start3A_803 = arith.constant 0 : i32
      %dma_start3A_804 = arith.constant 0 : i32
      %dma_start3A_805 = tpu.memref_slice %arg3[%run_scoped3A, %dma_start3A_803, %dma_start3A_804] : memref<4x128x128xf32, #tpu.memory_space<hbm>> -> memref<1x128x128xf32, #tpu.memory_space<hbm>>
      %dma_start3A_806 = tpu.memref_squeeze %dma_start3A_805 : memref<1x128x128xf32, #tpu.memory_space<hbm>> -> memref<128x128xf32, #tpu.memory_space<hbm>>
      tpu.enqueue_dma source(%dma_start3A_806 : memref<128x128xf32, #tpu.memory_space<hbm>>) target(%arg6 : memref<128x128xf32, #tpu.memory_space<vmem>>) target_semaphore(%run_scoped3A_798 : memref<!tpu.dma_semaphore, #tpu.memory_space<semaphore_mem>>)
      %dma_wait3A_807 = arith.constant 0 : i32
      %dma_wait3A_808 = arith.constant 0 : i32
      %dma_wait3A_809 = tpu.memref_slice %arg3[%run_scoped3A, %dma_wait3A_807, %dma_wait3A_808] : memref<4x128x128xf32, #tpu.memory_space<hbm>> -> memref<1x128x128xf32, #tpu.memory_space<hbm>>
      %dma_wait3A_810 = tpu.memref_squeeze %dma_wait3A_809 : memref<1x128x128xf32, #tpu.memory_space<hbm>> -> memref<128x128xf32, #tpu.memory_space<hbm>>
      %dma_wait3A_811 = arith.constant 0 : i32
      %dma_wait3A_812 = arith.constant 0 : i32
      %dma_wait3A_813 = tpu.memref_slice %arg3[%run_scoped3A, %dma_wait3A_811, %dma_wait3A_812] : memref<4x128x128xf32, #tpu.memory_space<hbm>> -> memref<1x128x128xf32, #tpu.memory_space<hbm>>
      %dma_wait3A_814 = tpu.memref_squeeze %dma_wait3A_813 : memref<1x128x128xf32, #tpu.memory_space<hbm>> -> memref<128x128xf32, #tpu.memory_space<hbm>>
      tpu.wait_dma2 semaphore(%run_scoped3A_798 : memref<!tpu.dma_semaphore, #tpu.memory_space<semaphore_mem>>) src(%dma_wait3A_814 : memref<128x128xf32, #tpu.memory_space<hbm>>) dst(%arg6 : memref<128x128xf32, #tpu.memory_space<vmem>>)
      tpu.yield
    }) : () -> ()
    %run_scoped3A_3 = arith.constant 0 : i32
    "tpu.region"() ({
      %run_scoped3A_798 = tpu.sem_alloc : memref<!tpu.dma_semaphore, #tpu.memory_space<semaphore_mem>>
      %dma_start3A_799 = arith.constant 0 : i32
      %dma_start3A_800 = tpu.memref_slice %arg4[%run_scoped3A_3, %mul3A_2, %dma_start3A_799] : memref<4x128x128xf32, #tpu.memory_space<hbm>> -> memref<1x8x128xf32, #tpu.memory_space<hbm>>
      %dma_start3A_801 = tpu.memref_squeeze %dma_start3A_800 : memref<1x8x128xf32, #tpu.memory_space<hbm>> -> memref<8x128xf32, #tpu.memory_space<hbm>>
      %dma_start3A_802 = arith.constant 0 : i32
      %dma_start3A_803 = tpu.memref_slice %arg4[%run_scoped3A_3, %mul3A_2, %dma_start3A_802] : memref<4x128x128xf32, #tpu.memory_space<hbm>> -> memref<1x8x128xf32, #tpu.memory_space<hbm>>
      %dma_start3A_804 = tpu.memref_squeeze %dma_start3A_803 : memref<1x8x128xf32, #tpu.memory_space<hbm>> -> memref<8x128xf32, #tpu.memory_space<hbm>>
      tpu.enqueue_dma source(%dma_start3A_804 : memref<8x128xf32, #tpu.memory_space<hbm>>) target(%arg7 : memref<8x128xf32, #tpu.memory_space<vmem>>) target_semaphore(%run_scoped3A_798 : memref<!tpu.dma_semaphore, #tpu.memory_space<semaphore_mem>>)
      %dma_wait3A_805 = arith.constant 0 : i32
      %dma_wait3A_806 = tpu.memref_slice %arg4[%run_scoped3A_3, %mul3A_2, %dma_wait3A_805] : memref<4x128x128xf32, #tpu.memory_space<hbm>> -> memref<1x8x128xf32, #tpu.memory_space<hbm>>
      %dma_wait3A_807 = tpu.memref_squeeze %dma_wait3A_806 : memref<1x8x128xf32, #tpu.memory_space<hbm>> -> memref<8x128xf32, #tpu.memory_space<hbm>>
      %dma_wait3A_808 = arith.constant 0 : i32
      %dma_wait3A_809 = tpu.memref_slice %arg4[%run_scoped3A_3, %mul3A_2, %dma_wait3A_808] : memref<4x128x128xf32, #tpu.memory_space<hbm>> -> memref<1x8x128xf32, #tpu.memory_space<hbm>>
      %dma_wait3A_810 = tpu.memref_squeeze %dma_wait3A_809 : memref<1x8x128xf32, #tpu.memory_space<hbm>> -> memref<8x128xf32, #tpu.memory_space<hbm>>
      tpu.wait_dma2 semaphore(%run_scoped3A_798 : memref<!tpu.dma_semaphore, #tpu.memory_space<semaphore_mem>>) src(%dma_wait3A_810 : memref<8x128xf32, #tpu.memory_space<hbm>>) dst(%arg7 : memref<8x128xf32, #tpu.memory_space<vmem>>)
      tpu.yield
    }) : () -> ()
    %run_scoped3A_4 = arith.constant 0 : i32
    "tpu.region"() ({
      %run_scoped3A_798 = tpu.sem_alloc : memref<!tpu.dma_semaphore, #tpu.memory_space<semaphore_mem>>
      %dma_start3A_799 = arith.constant 0 : i32
      %dma_start3A_800 = tpu.memref_slice %arg2[%run_scoped3A_4, %dma_start3A_799] : memref<4x256xf32, #tpu.memory_space<hbm>> -> memref<1x256xf32, #tpu.memory_space<hbm>>
      %dma_start3A_801 = tpu.memref_squeeze %dma_start3A_800 : memref<1x256xf32, #tpu.memory_space<hbm>> -> memref<256xf32, #tpu.memory_space<hbm>>
      %dma_start3A_802 = arith.constant 0 : i32
      %dma_start3A_803 = tpu.memref_slice %arg2[%run_scoped3A_4, %dma_start3A_802] : memref<4x256xf32, #tpu.memory_space<hbm>> -> memref<1x256xf32, #tpu.memory_space<hbm>>
      %dma_start3A_804 = tpu.memref_squeeze %dma_start3A_803 : memref<1x256xf32, #tpu.memory_space<hbm>> -> memref<256xf32, #tpu.memory_space<hbm>>
      tpu.enqueue_dma source(%dma_start3A_804 : memref<256xf32, #tpu.memory_space<hbm>>) target(%arg8 : memref<256xf32, #tpu.memory_space<vmem>>) target_semaphore(%run_scoped3A_798 : memref<!tpu.dma_semaphore, #tpu.memory_space<semaphore_mem>>)
      %dma_wait3A_805 = arith.constant 0 : i32
      %dma_wait3A_806 = tpu.memref_slice %arg2[%run_scoped3A_4, %dma_wait3A_805] : memref<4x256xf32, #tpu.memory_space<hbm>> -> memref<1x256xf32, #tpu.memory_space<hbm>>
      %dma_wait3A_807 = tpu.memref_squeeze %dma_wait3A_806 : memref<1x256xf32, #tpu.memory_space<hbm>> -> memref<256xf32, #tpu.memory_space<hbm>>
      %dma_wait3A_808 = arith.constant 0 : i32
      %dma_wait3A_809 = tpu.memref_slice %arg2[%run_scoped3A_4, %dma_wait3A_808] : memref<4x256xf32, #tpu.memory_space<hbm>> -> memref<1x256xf32, #tpu.memory_space<hbm>>
      %dma_wait3A_810 = tpu.memref_squeeze %dma_wait3A_809 : memref<1x256xf32, #tpu.memory_space<hbm>> -> memref<256xf32, #tpu.memory_space<hbm>>
      tpu.wait_dma2 semaphore(%run_scoped3A_798 : memref<!tpu.dma_semaphore, #tpu.memory_space<semaphore_mem>>) src(%dma_wait3A_810 : memref<256xf32, #tpu.memory_space<hbm>>) dst(%arg8 : memref<256xf32, #tpu.memory_space<vmem>>)
      tpu.yield
    }) : () -> ()
    %get3A = arith.constant 0 : index
    %get3A_5 = tpu.vector_load %arg8[%get3A] {strides = array<i32>} : memref<256xf32, #tpu.memory_space<vmem>>, vector<16xf32>,
    %get3A_6 = vector.shape_cast %get3A_5 : vector<16xf32> to vector<16xf32>
    %get3A_7 = arith.constant 16 : index
    %get3A_8 = tpu.vector_load %arg8[%get3A_7] {strides = array<i32>} : memref<256xf32, #tpu.memory_space<vmem>>, vector<16xf32>,
    %get3A_9 = vector.shape_cast %get3A_8 : vector<16xf32> to vector<16xf32>
    %get3A_10 = arith.constant 32 : index
    %get3A_11 = tpu.vector_load %arg8[%get3A_10] {strides = array<i32>} : memref<256xf32, #tpu.memory_space<vmem>>, vector<16xf32>,
    %get3A_12 = vector.shape_cast %get3A_11 : vector<16xf32> to vector<16xf32>
    %get3A_13 = arith.constant 48 : index
    %get3A_14 = tpu.vector_load %arg8[%get3A_13] {strides = array<i32>} : memref<256xf32, #tpu.memory_space<vmem>>, vector<16xf32>,
    %get3A_15 = vector.shape_cast %get3A_14 : vector<16xf32> to vector<16xf32>
    %get3A_16 = arith.constant 64 : index
    %get3A_17 = tpu.vector_load %arg8[%get3A_16] {strides = array<i32>} : memref<256xf32, #tpu.memory_space<vmem>>, vector<16xf32>,
    %get3A_18 = vector.shape_cast %get3A_17 : vector<16xf32> to vector<16xf32>
    %get3A_19 = arith.constant 80 : index
    %get3A_20 = tpu.vector_load %arg8[%get3A_19] {strides = array<i32>} : memref<256xf32, #tpu.memory_space<vmem>>, vector<16xf32>,
    %get3A_21 = vector.shape_cast %get3A_20 : vector<16xf32> to vector<16xf32>
    %get3A_22 = arith.constant 96 : index
    %get3A_23 = tpu.vector_load %arg8[%get3A_22] {strides = array<i32>} : memref<256xf32, #tpu.memory_space<vmem>>, vector<16xf32>,
    %get3A_24 = vector.shape_cast %get3A_23 : vector<16xf32> to vector<16xf32>
    %get3A_25 = arith.constant 112 : index
    %get3A_26 = tpu.vector_load %arg8[%get3A_25] {strides = array<i32>} : memref<256xf32, #tpu.memory_space<vmem>>, vector<16xf32>,
    %get3A_27 = vector.shape_cast %get3A_26 : vector<16xf32> to vector<16xf32>
    %get3A_28 = arith.constant 128 : index
    %get3A_29 = tpu.vector_load %arg8[%get3A_28] {strides = array<i32>} : memref<256xf32, #tpu.memory_space<vmem>>, vector<16xf32>,
    %get3A_30 = vector.shape_cast %get3A_29 : vector<16xf32> to vector<16xf32>
    %get3A_31 = arith.constant 144 : index
    %get3A_32 = tpu.vector_load %arg8[%get3A_31] {strides = array<i32>} : memref<256xf32, #tpu.memory_space<vmem>>, vector<16xf32>,
    %get3A_33 = vector.shape_cast %get3A_32 : vector<16xf32> to vector<16xf32>
    %get3A_34 = arith.constant 160 : index
    %get3A_35 = tpu.vector_load %arg8[%get3A_34] {strides = array<i32>} : memref<256xf32, #tpu.memory_space<vmem>>, vector<16xf32>,
    %get3A_36 = vector.shape_cast %get3A_35 : vector<16xf32> to vector<16xf32>
    %get3A_37 = arith.constant 176 : index
    %get3A_38 = tpu.vector_load %arg8[%get3A_37] {strides = array<i32>} : memref<256xf32, #tpu.memory_space<vmem>>, vector<16xf32>,
    %get3A_39 = vector.shape_cast %get3A_38 : vector<16xf32> to vector<16xf32>
    %get3A_40 = arith.constant 192 : index
    %get3A_41 = tpu.vector_load %arg8[%get3A_40] {strides = array<i32>} : memref<256xf32, #tpu.memory_space<vmem>>, vector<16xf32>,
    %get3A_42 = vector.shape_cast %get3A_41 : vector<16xf32> to vector<16xf32>
    %get3A_43 = arith.constant 208 : index
    %get3A_44 = tpu.vector_load %arg8[%get3A_43] {strides = array<i32>} : memref<256xf32, #tpu.memory_space<vmem>>, vector<16xf32>,
    %get3A_45 = vector.shape_cast %get3A_44 : vector<16xf32> to vector<16xf32>
    %get3A_46 = arith.constant 224 : index
    %get3A_47 = tpu.vector_load %arg8[%get3A_46] {strides = array<i32>} : memref<256xf32, #tpu.memory_space<vmem>>, vector<16xf32>,
    %get3A_48 = vector.shape_cast %get3A_47 : vector<16xf32> to vector<16xf32>
    %get3A_49 = arith.constant 240 : index
    %get3A_50 = tpu.vector_load %arg8[%get3A_49] {strides = array<i32>} : memref<256xf32, #tpu.memory_space<vmem>>, vector<16xf32>,
    %get3A_51 = vector.shape_cast %get3A_50 : vector<16xf32> to vector<16xf32>
    %scan3A = arith.constant 0 : i32
    %scan3A_52 = arith.constant 128 : i32
    %scan3A_53 = arith.addi %scan3A, %scan3A_52 : i32
    %scan3A_54 = arith.constant 1 : i32
    scf.for %scan3A_798 = %scan3A to %scan3A_53 step %scan3A_54  : i32 {
      %mul3A_799 = arith.constant 1 : i32
      %mul3A_800 = arith.muli %scan3A_798, %mul3A_799 : i32
      %add3A_801 = arith.constant 0 : i32
      %add3A_802 = arith.addi %add3A_801, %mul3A_800 : i32
      %get3A_803 = arith.index_cast %add3A_802 : i32 to index
      %get3A_804 = arith.constant 0 : index
      %get3A_805 = tpu.vector_load %arg6[%get3A_803, %get3A_804] {strides = array<i32>} : memref<128x128xf32, #tpu.memory_space<vmem>>, vector<1x16xf32>,
      %get3A_806 = vector.shape_cast %get3A_805 : vector<1x16xf32> to vector<16xf32>
      %add3A_807 = arith.addf %get3A_806, %get3A_6 : vector<16xf32>
      %swap3A = arith.index_cast %add3A_802 : i32 to index
      %swap3A_808 = arith.constant 0 : index
      %swap3A_809 = tpu.vector_load %arg6[%swap3A, %swap3A_808] {strides = array<i32>} : memref<128x128xf32, #tpu.memory_space<vmem>>, vector<1x16xf32>,
      %swap3A_810 = vector.shape_cast %swap3A_809 : vector<1x16xf32> to vector<16xf32>
      %swap3A_811 = vector.shape_cast %add3A_807 : vector<16xf32> to vector<1x16xf32>
      tpu.vector_store %arg6[%swap3A, %swap3A_808], %swap3A_811 {strides = array<i32>} : memref<128x128xf32, #tpu.memory_space<vmem>>, vector<1x16xf32>,
      %get3A_812 = arith.index_cast %add3A_802 : i32 to index
      %get3A_813 = arith.constant 16 : index
      %get3A_814 = tpu.vector_load %arg6[%get3A_812, %get3A_813] {strides = array<i32>} : memref<128x128xf32, #tpu.memory_space<vmem>>, vector<1x16xf32>,
      %get3A_815 = vector.shape_cast %get3A_814 : vector<1x16xf32> to vector<16xf32>
      %add3A_816 = arith.addf %get3A_815, %get3A_9 : vector<16xf32>
      %swap3A_817 = arith.index_cast %add3A_802 : i32 to index
      %swap3A_818 = arith.constant 16 : index
      %swap3A_819 = tpu.vector_load %arg6[%swap3A_817, %swap3A_818] {strides = array<i32>} : memref<128x128xf32, #tpu.memory_space<vmem>>, vector<1x16xf32>,
      %swap3A_820 = vector.shape_cast %swap3A_819 : vector<1x16xf32> to vector<16xf32>
      %swap3A_821 = vector.shape_cast %add3A_816 : vector<16xf32> to vector<1x16xf32>
      tpu.vector_store %arg6[%swap3A_817, %swap3A_818], %swap3A_821 {strides = array<i32>} : memref<128x128xf32, #tpu.memory_space<vmem>>, vector<1x16xf32>,
      %get3A_822 = arith.index_cast %add3A_802 : i32 to index
      %get3A_823 = arith.constant 32 : index
      %get3A_824 = tpu.vector_load %arg6[%get3A_822, %get3A_823] {strides = array<i32>} : memref<128x128xf32, #tpu.memory_space<vmem>>, vector<1x16xf32>,
      %get3A_825 = vector.shape_cast %get3A_824 : vector<1x16xf32> to vector<16xf32>
      %add3A_826 = arith.addf %get3A_825, %get3A_12 : vector<16xf32>
      %swap3A_827 = arith.index_cast %add3A_802 : i32 to index
      %swap3A_828 = arith.constant 32 : index
      %swap3A_829 = tpu.vector_load %arg6[%swap3A_827, %swap3A_828] {strides = array<i32>} : memref<128x128xf32, #tpu.memory_space<vmem>>, vector<1x16xf32>,
      %swap3A_830 = vector.shape_cast %swap3A_829 : vector<1x16xf32> to vector<16xf32>
      %swap3A_831 = vector.shape_cast %add3A_826 : vector<16xf32> to vector<1x16xf32>
      tpu.vector_store %arg6[%swap3A_827, %swap3A_828], %swap3A_831 {strides = array<i32>} : memref<128x128xf32, #tpu.memory_space<vmem>>, vector<1x16xf32>,
      %get3A_832 = arith.index_cast %add3A_802 : i32 to index
      %get3A_833 = arith.constant 48 : index
      %get3A_834 = tpu.vector_load %arg6[%get3A_832, %get3A_833] {strides = array<i32>} : memref<128x128xf32, #tpu.memory_space<vmem>>, vector<1x16xf32>,
      %get3A_835 = vector.shape_cast %get3A_834 : vector<1x16xf32> to vector<16xf32>
      %add3A_836 = arith.addf %get3A_835, %get3A_15 : vector<16xf32>
      %swap3A_837 = arith.index_cast %add3A_802 : i32 to index
      %swap3A_838 = arith.constant 48 : index
      %swap3A_839 = tpu.vector_load %arg6[%swap3A_837, %swap3A_838] {strides = array<i32>} : memref<128x128xf32, #tpu.memory_space<vmem>>, vector<1x16xf32>,
      %swap3A_840 = vector.shape_cast %swap3A_839 : vector<1x16xf32> to vector<16xf32>
      %swap3A_841 = vector.shape_cast %add3A_836 : vector<16xf32> to vector<1x16xf32>
      tpu.vector_store %arg6[%swap3A_837, %swap3A_838], %swap3A_841 {strides = array<i32>} : memref<128x128xf32, #tpu.memory_space<vmem>>, vector<1x16xf32>,
      %get3A_842 = arith.index_cast %add3A_802 : i32 to index
      %get3A_843 = arith.constant 64 : index
      %get3A_844 = tpu.vector_load %arg6[%get3A_842, %get3A_843] {strides = array<i32>} : memref<128x128xf32, #tpu.memory_space<vmem>>, vector<1x16xf32>,
      %get3A_845 = vector.shape_cast %get3A_844 : vector<1x16xf32> to vector<16xf32>
      %add3A_846 = arith.addf %get3A_845, %get3A_18 : vector<16xf32>
      %swap3A_847 = arith.index_cast %add3A_802 : i32 to index
      %swap3A_848 = arith.constant 64 : index
      %swap3A_849 = tpu.vector_load %arg6[%swap3A_847, %swap3A_848] {strides = array<i32>} : memref<128x128xf32, #tpu.memory_space<vmem>>, vector<1x16xf32>,
      %swap3A_850 = vector.shape_cast %swap3A_849 : vector<1x16xf32> to vector<16xf32>
      %swap3A_851 = vector.shape_cast %add3A_846 : vector<16xf32> to vector<1x16xf32>
      tpu.vector_store %arg6[%swap3A_847, %swap3A_848], %swap3A_851 {strides = array<i32>} : memref<128x128xf32, #tpu.memory_space<vmem>>, vector<1x16xf32>,
      %get3A_852 = arith.index_cast %add3A_802 : i32 to index
      %get3A_853 = arith.constant 80 : index
      %get3A_854 = tpu.vector_load %arg6[%get3A_852, %get3A_853] {strides = array<i32>} : memref<128x128xf32, #tpu.memory_space<vmem>>, vector<1x16xf32>,
      %get3A_855 = vector.shape_cast %get3A_854 : vector<1x16xf32> to vector<16xf32>
      %add3A_856 = arith.addf %get3A_855, %get3A_21 : vector<16xf32>
      %swap3A_857 = arith.index_cast %add3A_802 : i32 to index
      %swap3A_858 = arith.constant 80 : index
      %swap3A_859 = tpu.vector_load %arg6[%swap3A_857, %swap3A_858] {strides = array<i32>} : memref<128x128xf32, #tpu.memory_space<vmem>>, vector<1x16xf32>,
      %swap3A_860 = vector.shape_cast %swap3A_859 : vector<1x16xf32> to vector<16xf32>
      %swap3A_861 = vector.shape_cast %add3A_856 : vector<16xf32> to vector<1x16xf32>
      tpu.vector_store %arg6[%swap3A_857, %swap3A_858], %swap3A_861 {strides = array<i32>} : memref<128x128xf32, #tpu.memory_space<vmem>>, vector<1x16xf32>,
      %get3A_862 = arith.index_cast %add3A_802 : i32 to index
      %get3A_863 = arith.constant 96 : index
      %get3A_864 = tpu.vector_load %arg6[%get3A_862, %get3A_863] {strides = array<i32>} : memref<128x128xf32, #tpu.memory_space<vmem>>, vector<1x16xf32>,
      %get3A_865 = vector.shape_cast %get3A_864 : vector<1x16xf32> to vector<16xf32>
      %add3A_866 = arith.addf %get3A_865, %get3A_24 : vector<16xf32>
      %swap3A_867 = arith.index_cast %add3A_802 : i32 to index
      %swap3A_868 = arith.constant 96 : index
      %swap3A_869 = tpu.vector_load %arg6[%swap3A_867, %swap3A_868] {strides = array<i32>} : memref<128x128xf32, #tpu.memory_space<vmem>>, vector<1x16xf32>,
      %swap3A_870 = vector.shape_cast %swap3A_869 : vector<1x16xf32> to vector<16xf32>
      %swap3A_871 = vector.shape_cast %add3A_866 : vector<16xf32> to vector<1x16xf32>
      tpu.vector_store %arg6[%swap3A_867, %swap3A_868], %swap3A_871 {strides = array<i32>} : memref<128x128xf32, #tpu.memory_space<vmem>>, vector<1x16xf32>,
      %get3A_872 = arith.index_cast %add3A_802 : i32 to index
      %get3A_873 = arith.constant 112 : index
      %get3A_874 = tpu.vector_load %arg6[%get3A_872, %get3A_873] {strides = array<i32>} : memref<128x128xf32, #tpu.memory_space<vmem>>, vector<1x16xf32>,
      %get3A_875 = vector.shape_cast %get3A_874 : vector<1x16xf32> to vector<16xf32>
      %add3A_876 = arith.addf %get3A_875, %get3A_27 : vector<16xf32>
      %swap3A_877 = arith.index_cast %add3A_802 : i32 to index
      %swap3A_878 = arith.constant 112 : index
      %swap3A_879 = tpu.vector_load %arg6[%swap3A_877, %swap3A_878] {strides = array<i32>} : memref<128x128xf32, #tpu.memory_space<vmem>>, vector<1x16xf32>,
      %swap3A_880 = vector.shape_cast %swap3A_879 : vector<1x16xf32> to vector<16xf32>
      %swap3A_881 = vector.shape_cast %add3A_876 : vector<16xf32> to vector<1x16xf32>
      tpu.vector_store %arg6[%swap3A_877, %swap3A_878], %swap3A_881 {strides = array<i32>} : memref<128x128xf32, #tpu.memory_space<vmem>>, vector<1x16xf32>,
    }
    %scan3A_55 = arith.constant 128 : i32
    %get3A_56 = arith.constant 0 : i32
    %get3A_57 = arith.index_cast %get3A_56 : i32 to index
    %get3A_58 = arith.constant 0 : index
    %get3A_59 = tpu.vector_load %arg7[%get3A_57, %get3A_58] {strides = array<i32>} : memref<8x128xf32, #tpu.memory_space<vmem>>, vector<1x16xf32>,
    %get3A_60 = vector.shape_cast %get3A_59 : vector<1x16xf32> to vector<16xf32>
    %add3A_61 = arith.addf %get3A_60, %get3A_30 : vector<16xf32>
    %get3A_62 = arith.constant 0 : i32
    %get3A_63 = arith.index_cast %get3A_62 : i32 to index
    %get3A_64 = arith.constant 16 : index
    %get3A_65 = tpu.vector_load %arg7[%get3A_63, %get3A_64] {strides = array<i32>} : memref<8x128xf32, #tpu.memory_space<vmem>>, vector<1x16xf32>,
    %get3A_66 = vector.shape_cast %get3A_65 : vector<1x16xf32> to vector<16xf32>
    %add3A_67 = arith.addf %get3A_66, %get3A_33 : vector<16xf32>
    %get3A_68 = arith.constant 0 : i32
    %get3A_69 = arith.index_cast %get3A_68 : i32 to index
    %get3A_70 = arith.constant 32 : index
    %get3A_71 = tpu.vector_load %arg7[%get3A_69, %get3A_70] {strides = array<i32>} : memref<8x128xf32, #tpu.memory_space<vmem>>, vector<1x16xf32>,
    %get3A_72 = vector.shape_cast %get3A_71 : vector<1x16xf32> to vector<16xf32>
    %add3A_73 = arith.addf %get3A_72, %get3A_36 : vector<16xf32>
    %get3A_74 = arith.constant 0 : i32
    %get3A_75 = arith.index_cast %get3A_74 : i32 to index
    %get3A_76 = arith.constant 48 : index
    %get3A_77 = tpu.vector_load %arg7[%get3A_75, %get3A_76] {strides = array<i32>} : memref<8x128xf32, #tpu.memory_space<vmem>>, vector<1x16xf32>,
    %get3A_78 = vector.shape_cast %get3A_77 : vector<1x16xf32> to vector<16xf32>
    %add3A_79 = arith.addf %get3A_78, %get3A_39 : vector<16xf32>
    %get3A_80 = arith.constant 0 : i32
    %get3A_81 = arith.index_cast %get3A_80 : i32 to index
    %get3A_82 = arith.constant 64 : index
    %get3A_83 = tpu.vector_load %arg7[%get3A_81, %get3A_82] {strides = array<i32>} : memref<8x128xf32, #tpu.memory_space<vmem>>, vector<1x16xf32>,
    %get3A_84 = vector.shape_cast %get3A_83 : vector<1x16xf32> to vector<16xf32>
    %add3A_85 = arith.addf %get3A_84, %get3A_42 : vector<16xf32>
    %get3A_86 = arith.constant 0 : i32
    %get3A_87 = arith.index_cast %get3A_86 : i32 to index
    %get3A_88 = arith.constant 80 : index
    %get3A_89 = tpu.vector_load %arg7[%get3A_87, %get3A_88] {strides = array<i32>} : memref<8x128xf32, #tpu.memory_space<vmem>>, vector<1x16xf32>,
    %get3A_90 = vector.shape_cast %get3A_89 : vector<1x16xf32> to vector<16xf32>
    %add3A_91 = arith.addf %get3A_90, %get3A_45 : vector<16xf32>
    %get3A_92 = arith.constant 0 : i32
    %get3A_93 = arith.index_cast %get3A_92 : i32 to index
    %get3A_94 = arith.constant 96 : index
    %get3A_95 = tpu.vector_load %arg7[%get3A_93, %get3A_94] {strides = array<i32>} : memref<8x128xf32, #tpu.memory_space<vmem>>, vector<1x16xf32>,
    %get3A_96 = vector.shape_cast %get3A_95 : vector<1x16xf32> to vector<16xf32>
    %add3A_97 = arith.addf %get3A_96, %get3A_48 : vector<16xf32>
    %get3A_98 = arith.constant 0 : i32
    %get3A_99 = arith.index_cast %get3A_98 : i32 to index
    %get3A_100 = arith.constant 112 : index
    %get3A_101 = tpu.vector_load %arg7[%get3A_99, %get3A_100] {strides = array<i32>} : memref<8x128xf32, #tpu.memory_space<vmem>>, vector<1x16xf32>,
    %get3A_102 = vector.shape_cast %get3A_101 : vector<1x16xf32> to vector<16xf32>
    %add3A_103 = arith.addf %get3A_102, %get3A_51 : vector<16xf32>
    %scan3A_104 = arith.constant 0 : i32
    %scan3A_105 = arith.constant 128 : i32
    %scan3A_106 = arith.addi %scan3A_104, %scan3A_105 : i32
    %scan3A_107 = arith.constant 1 : i32
    scf.for %scan3A_798 = %scan3A_104 to %scan3A_106 step %scan3A_107  : i32 {
      %mul3A_799 = arith.constant 1 : i32
      %mul3A_800 = arith.muli %scan3A_798, %mul3A_799 : i32
      %add3A_801 = arith.constant 0 : i32
      %add3A_802 = arith.addi %add3A_801, %mul3A_800 : i32
      %get3A_803 = arith.index_cast %add3A_802 : i32 to index
      %get3A_804 = arith.constant 0 : index
      %get3A_805 = tpu.vector_load %arg6[%get3A_803, %get3A_804] {strides = array<i32>} : memref<128x128xf32, #tpu.memory_space<vmem>>, vector<1x16xf32>,
      %get3A_806 = vector.shape_cast %get3A_805 : vector<1x16xf32> to vector<16xf32>
      %swap3A = arith.index_cast %add3A_802 : i32 to index
      %swap3A_807 = arith.constant 0 : index
      %swap3A_808 = tpu.vector_load %arg9[%swap3A, %swap3A_807] {strides = array<i32>} : memref<128x256xf32, #tpu.memory_space<vmem>>, vector<1x16xf32>,
      %swap3A_809 = vector.shape_cast %swap3A_808 : vector<1x16xf32> to vector<16xf32>
      %swap3A_810 = vector.shape_cast %get3A_806 : vector<16xf32> to vector<1x16xf32>
      tpu.vector_store %arg9[%swap3A, %swap3A_807], %swap3A_810 {strides = array<i32>} : memref<128x256xf32, #tpu.memory_space<vmem>>, vector<1x16xf32>,
      %get3A_811 = arith.index_cast %add3A_802 : i32 to index
      %get3A_812 = arith.constant 16 : index
      %get3A_813 = tpu.vector_load %arg6[%get3A_811, %get3A_812] {strides = array<i32>} : memref<128x128xf32, #tpu.memory_space<vmem>>, vector<1x16xf32>,
      %get3A_814 = vector.shape_cast %get3A_813 : vector<1x16xf32> to vector<16xf32>
      %swap3A_815 = arith.index_cast %add3A_802 : i32 to index
      %swap3A_816 = arith.constant 16 : index
      %swap3A_817 = tpu.vector_load %arg9[%swap3A_815, %swap3A_816] {strides = array<i32>} : memref<128x256xf32, #tpu.memory_space<vmem>>, vector<1x16xf32>,
      %swap3A_818 = vector.shape_cast %swap3A_817 : vector<1x16xf32> to vector<16xf32>
      %swap3A_819 = vector.shape_cast %get3A_814 : vector<16xf32> to vector<1x16xf32>
      tpu.vector_store %arg9[%swap3A_815, %swap3A_816], %swap3A_819 {strides = array<i32>} : memref<128x256xf32, #tpu.memory_space<vmem>>, vector<1x16xf32>,
      %get3A_820 = arith.index_cast %add3A_802 : i32 to index
      %get3A_821 = arith.constant 32 : index
      %get3A_822 = tpu.vector_load %arg6[%get3A_820, %get3A_821] {strides = array<i32>} : memref<128x128xf32, #tpu.memory_space<vmem>>, vector<1x16xf32>,
      %get3A_823 = vector.shape_cast %get3A_822 : vector<1x16xf32> to vector<16xf32>
      %swap3A_824 = arith.index_cast %add3A_802 : i32 to index
      %swap3A_825 = arith.constant 32 : index
      %swap3A_826 = tpu.vector_load %arg9[%swap3A_824, %swap3A_825] {strides = array<i32>} : memref<128x256xf32, #tpu.memory_space<vmem>>, vector<1x16xf32>,
      %swap3A_827 = vector.shape_cast %swap3A_826 : vector<1x16xf32> to vector<16xf32>
      %swap3A_828 = vector.shape_cast %get3A_823 : vector<16xf32> to vector<1x16xf32>
      tpu.vector_store %arg9[%swap3A_824, %swap3A_825], %swap3A_828 {strides = array<i32>} : memref<128x256xf32, #tpu.memory_space<vmem>>, vector<1x16xf32>,
      %get3A_829 = arith.index_cast %add3A_802 : i32 to index
      %get3A_830 = arith.constant 48 : index
      %get3A_831 = tpu.vector_load %arg6[%get3A_829, %get3A_830] {strides = array<i32>} : memref<128x128xf32, #tpu.memory_space<vmem>>, vector<1x16xf32>,
      %get3A_832 = vector.shape_cast %get3A_831 : vector<1x16xf32> to vector<16xf32>
      %swap3A_833 = arith.index_cast %add3A_802 : i32 to index
      %swap3A_834 = arith.constant 48 : index
      %swap3A_835 = tpu.vector_load %arg9[%swap3A_833, %swap3A_834] {strides = array<i32>} : memref<128x256xf32, #tpu.memory_space<vmem>>, vector<1x16xf32>,
      %swap3A_836 = vector.shape_cast %swap3A_835 : vector<1x16xf32> to vector<16xf32>
      %swap3A_837 = vector.shape_cast %get3A_832 : vector<16xf32> to vector<1x16xf32>
      tpu.vector_store %arg9[%swap3A_833, %swap3A_834], %swap3A_837 {strides = array<i32>} : memref<128x256xf32, #tpu.memory_space<vmem>>, vector<1x16xf32>,
      %get3A_838 = arith.index_cast %add3A_802 : i32 to index
      %get3A_839 = arith.constant 64 : index
      %get3A_840 = tpu.vector_load %arg6[%get3A_838, %get3A_839] {strides = array<i32>} : memref<128x128xf32, #tpu.memory_space<vmem>>, vector<1x16xf32>,
      %get3A_841 = vector.shape_cast %get3A_840 : vector<1x16xf32> to vector<16xf32>
      %swap3A_842 = arith.index_cast %add3A_802 : i32 to index
      %swap3A_843 = arith.constant 64 : index
      %swap3A_844 = tpu.vector_load %arg9[%swap3A_842, %swap3A_843] {strides = array<i32>} : memref<128x256xf32, #tpu.memory_space<vmem>>, vector<1x16xf32>,
      %swap3A_845 = vector.shape_cast %swap3A_844 : vector<1x16xf32> to vector<16xf32>
      %swap3A_846 = vector.shape_cast %get3A_841 : vector<16xf32> to vector<1x16xf32>
      tpu.vector_store %arg9[%swap3A_842, %swap3A_843], %swap3A_846 {strides = array<i32>} : memref<128x256xf32, #tpu.memory_space<vmem>>, vector<1x16xf32>,
      %get3A_847 = arith.index_cast %add3A_802 : i32 to index
      %get3A_848 = arith.constant 80 : index
      %get3A_849 = tpu.vector_load %arg6[%get3A_847, %get3A_848] {strides = array<i32>} : memref<128x128xf32, #tpu.memory_space<vmem>>, vector<1x16xf32>,
      %get3A_850 = vector.shape_cast %get3A_849 : vector<1x16xf32> to vector<16xf32>
      %swap3A_851 = arith.index_cast %add3A_802 : i32 to index
      %swap3A_852 = arith.constant 80 : index
      %swap3A_853 = tpu.vector_load %arg9[%swap3A_851, %swap3A_852] {strides = array<i32>} : memref<128x256xf32, #tpu.memory_space<vmem>>, vector<1x16xf32>,
      %swap3A_854 = vector.shape_cast %swap3A_853 : vector<1x16xf32> to vector<16xf32>
      %swap3A_855 = vector.shape_cast %get3A_850 : vector<16xf32> to vector<1x16xf32>
      tpu.vector_store %arg9[%swap3A_851, %swap3A_852], %swap3A_855 {strides = array<i32>} : memref<128x256xf32, #tpu.memory_space<vmem>>, vector<1x16xf32>,
      %get3A_856 = arith.index_cast %add3A_802 : i32 to index
      %get3A_857 = arith.constant 96 : index
      %get3A_858 = tpu.vector_load %arg6[%get3A_856, %get3A_857] {strides = array<i32>} : memref<128x128xf32, #tpu.memory_space<vmem>>, vector<1x16xf32>,
      %get3A_859 = vector.shape_cast %get3A_858 : vector<1x16xf32> to vector<16xf32>
      %swap3A_860 = arith.index_cast %add3A_802 : i32 to index
      %swap3A_861 = arith.constant 96 : index
      %swap3A_862 = tpu.vector_load %arg9[%swap3A_860, %swap3A_861] {strides = array<i32>} : memref<128x256xf32, #tpu.memory_space<vmem>>, vector<1x16xf32>,
      %swap3A_863 = vector.shape_cast %swap3A_862 : vector<1x16xf32> to vector<16xf32>
      %swap3A_864 = vector.shape_cast %get3A_859 : vector<16xf32> to vector<1x16xf32>
      tpu.vector_store %arg9[%swap3A_860, %swap3A_861], %swap3A_864 {strides = array<i32>} : memref<128x256xf32, #tpu.memory_space<vmem>>, vector<1x16xf32>,
      %get3A_865 = arith.index_cast %add3A_802 : i32 to index
      %get3A_866 = arith.constant 112 : index
      %get3A_867 = tpu.vector_load %arg6[%get3A_865, %get3A_866] {strides = array<i32>} : memref<128x128xf32, #tpu.memory_space<vmem>>, vector<1x16xf32>,
      %get3A_868 = vector.shape_cast %get3A_867 : vector<1x16xf32> to vector<16xf32>
      %swap3A_869 = arith.index_cast %add3A_802 : i32 to index
      %swap3A_870 = arith.constant 112 : index
      %swap3A_871 = tpu.vector_load %arg9[%swap3A_869, %swap3A_870] {strides = array<i32>} : memref<128x256xf32, #tpu.memory_space<vmem>>, vector<1x16xf32>,
      %swap3A_872 = vector.shape_cast %swap3A_871 : vector<1x16xf32> to vector<16xf32>
      %swap3A_873 = vector.shape_cast %get3A_868 : vector<16xf32> to vector<1x16xf32>
      tpu.vector_store %arg9[%swap3A_869, %swap3A_870], %swap3A_873 {strides = array<i32>} : memref<128x256xf32, #tpu.memory_space<vmem>>, vector<1x16xf32>,
      %swap3A_874 = arith.index_cast %add3A_802 : i32 to index
      %swap3A_875 = arith.constant 128 : index
      %swap3A_876 = tpu.vector_load %arg9[%swap3A_874, %swap3A_875] {strides = array<i32>} : memref<128x256xf32, #tpu.memory_space<vmem>>, vector<1x16xf32>,
      %swap3A_877 = vector.shape_cast %swap3A_876 : vector<1x16xf32> to vector<16xf32>
      %swap3A_878 = vector.shape_cast %add3A_61 : vector<16xf32> to vector<1x16xf32>
      tpu.vector_store %arg9[%swap3A_874, %swap3A_875], %swap3A_878 {strides = array<i32>} : memref<128x256xf32, #tpu.memory_space<vmem>>, vector<1x16xf32>,
      %swap3A_879 = arith.index_cast %add3A_802 : i32 to index
      %swap3A_880 = arith.constant 144 : index
      %swap3A_881 = tpu.vector_load %arg9[%swap3A_879, %swap3A_880] {strides = array<i32>} : memref<128x256xf32, #tpu.memory_space<vmem>>, vector<1x16xf32>,
      %swap3A_882 = vector.shape_cast %swap3A_881 : vector<1x16xf32> to vector<16xf32>
      %swap3A_883 = vector.shape_cast %add3A_67 : vector<16xf32> to vector<1x16xf32>
      tpu.vector_store %arg9[%swap3A_879, %swap3A_880], %swap3A_883 {strides = array<i32>} : memref<128x256xf32, #tpu.memory_space<vmem>>, vector<1x16xf32>,
      %swap3A_884 = arith.index_cast %add3A_802 : i32 to index
      %swap3A_885 = arith.constant 160 : index
      %swap3A_886 = tpu.vector_load %arg9[%swap3A_884, %swap3A_885] {strides = array<i32>} : memref<128x256xf32, #tpu.memory_space<vmem>>, vector<1x16xf32>,
      %swap3A_887 = vector.shape_cast %swap3A_886 : vector<1x16xf32> to vector<16xf32>
      %swap3A_888 = vector.shape_cast %add3A_73 : vector<16xf32> to vector<1x16xf32>
      tpu.vector_store %arg9[%swap3A_884, %swap3A_885], %swap3A_888 {strides = array<i32>} : memref<128x256xf32, #tpu.memory_space<vmem>>, vector<1x16xf32>,
      %swap3A_889 = arith.index_cast %add3A_802 : i32 to index
      %swap3A_890 = arith.constant 176 : index
      %swap3A_891 = tpu.vector_load %arg9[%swap3A_889, %swap3A_890] {strides = array<i32>} : memref<128x256xf32, #tpu.memory_space<vmem>>, vector<1x16xf32>,
      %swap3A_892 = vector.shape_cast %swap3A_891 : vector<1x16xf32> to vector<16xf32>
      %swap3A_893 = vector.shape_cast %add3A_79 : vector<16xf32> to vector<1x16xf32>
      tpu.vector_store %arg9[%swap3A_889, %swap3A_890], %swap3A_893 {strides = array<i32>} : memref<128x256xf32, #tpu.memory_space<vmem>>, vector<1x16xf32>,
      %swap3A_894 = arith.index_cast %add3A_802 : i32 to index
      %swap3A_895 = arith.constant 192 : index
      %swap3A_896 = tpu.vector_load %arg9[%swap3A_894, %swap3A_895] {strides = array<i32>} : memref<128x256xf32, #tpu.memory_space<vmem>>, vector<1x16xf32>,
      %swap3A_897 = vector.shape_cast %swap3A_896 : vector<1x16xf32> to vector<16xf32>
      %swap3A_898 = vector.shape_cast %add3A_85 : vector<16xf32> to vector<1x16xf32>
      tpu.vector_store %arg9[%swap3A_894, %swap3A_895], %swap3A_898 {strides = array<i32>} : memref<128x256xf32, #tpu.memory_space<vmem>>, vector<1x16xf32>,
      %swap3A_899 = arith.index_cast %add3A_802 : i32 to index
      %swap3A_900 = arith.constant 208 : index
      %swap3A_901 = tpu.vector_load %arg9[%swap3A_899, %swap3A_900] {strides = array<i32>} : memref<128x256xf32, #tpu.memory_space<vmem>>, vector<1x16xf32>,
      %swap3A_902 = vector.shape_cast %swap3A_901 : vector<1x16xf32> to vector<16xf32>
      %swap3A_903 = vector.shape_cast %add3A_91 : vector<16xf32> to vector<1x16xf32>
      tpu.vector_store %arg9[%swap3A_899, %swap3A_900], %swap3A_903 {strides = array<i32>} : memref<128x256xf32, #tpu.memory_space<vmem>>, vector<1x16xf32>,
      %swap3A_904 = arith.index_cast %add3A_802 : i32 to index
      %swap3A_905 = arith.constant 224 : index
      %swap3A_906 = tpu.vector_load %arg9[%swap3A_904, %swap3A_905] {strides = array<i32>} : memref<128x256xf32, #tpu.memory_space<vmem>>, vector<1x16xf32>,
      %swap3A_907 = vector.shape_cast %swap3A_906 : vector<1x16xf32> to vector<16xf32>
      %swap3A_908 = vector.shape_cast %add3A_97 : vector<16xf32> to vector<1x16xf32>
      tpu.vector_store %arg9[%swap3A_904, %swap3A_905], %swap3A_908 {strides = array<i32>} : memref<128x256xf32, #tpu.memory_space<vmem>>, vector<1x16xf32>,
      %swap3A_909 = arith.index_cast %add3A_802 : i32 to index
      %swap3A_910 = arith.constant 240 : index
      %swap3A_911 = tpu.vector_load %arg9[%swap3A_909, %swap3A_910] {strides = array<i32>} : memref<128x256xf32, #tpu.memory_space<vmem>>, vector<1x16xf32>,
      %swap3A_912 = vector.shape_cast %swap3A_911 : vector<1x16xf32> to vector<16xf32>
      %swap3A_913 = vector.shape_cast %add3A_103 : vector<16xf32> to vector<1x16xf32>
      tpu.vector_store %arg9[%swap3A_909, %swap3A_910], %swap3A_913 {strides = array<i32>} : memref<128x256xf32, #tpu.memory_space<vmem>>, vector<1x16xf32>,
    }
    %scan3A_108 = arith.constant 128 : i32
    %add3A_109 = arith.constant 0 : i32
    %add3A_110 = arith.addi %mul3A_2, %add3A_109 : i32
    %dma_start3A = arith.constant 0 : i32
    %dma_start3A_111 = arith.constant 0 : i32
    %dma_start3A_112 = arith.constant 0 : i32
    %dma_start3A_113 = tpu.memref_slice %arg5[%dma_start3A, %add3A_110, %dma_start3A_111, %dma_start3A_112] : memref<2x128x128x256xf32, #tpu.memory_space<hbm>> -> memref<1x1x128x256xf32, #tpu.memory_space<hbm>>
    %dma_start3A_114 = tpu.memref_squeeze %dma_start3A_113 : memref<1x1x128x256xf32, #tpu.memory_space<hbm>> -> memref<128x256xf32, #tpu.memory_space<hbm>>
    %dma_start3A_115 = arith.constant 0 : i32
    %dma_start3A_116 = arith.constant 0 : i32
    %dma_start3A_117 = tpu.memref_slice %arg5[%dma_start3A, %add3A_110, %dma_start3A_115, %dma_start3A_116] : memref<2x128x128x256xf32, #tpu.memory_space<hbm>> -> memref<1x1x128x256xf32, #tpu.memory_space<hbm>>
    %dma_start3A_118 = tpu.memref_squeeze %dma_start3A_117 : memref<1x1x128x256xf32, #tpu.memory_space<hbm>> -> memref<128x256xf32, #tpu.memory_space<hbm>>
    tpu.enqueue_dma source(%arg9 : memref<128x256xf32, #tpu.memory_space<vmem>>) target(%dma_start3A_118 : memref<128x256xf32, #tpu.memory_space<hbm>>) target_semaphore(%arg11 : memref<!tpu.dma_semaphore, #tpu.memory_space<semaphore_mem>>)
    %add3A_119 = arith.constant 0 : i32
    %add3A_120 = arith.addi %mul3A_2, %add3A_119 : i32
    %dma_start3A_121 = arith.constant 1 : i32
    %dma_start3A_122 = arith.constant 0 : i32
    %dma_start3A_123 = arith.constant 0 : i32
    %dma_start3A_124 = tpu.memref_slice %arg5[%dma_start3A_121, %add3A_120, %dma_start3A_122, %dma_start3A_123] : memref<2x128x128x256xf32, #tpu.memory_space<hbm>> -> memref<1x1x128x256xf32, #tpu.memory_space<hbm>>
    %dma_start3A_125 = tpu.memref_squeeze %dma_start3A_124 : memref<1x1x128x256xf32, #tpu.memory_space<hbm>> -> memref<128x256xf32, #tpu.memory_space<hbm>>
    %dma_start3A_126 = arith.constant 0 : i32
    %dma_start3A_127 = arith.constant 0 : i32
    %dma_start3A_128 = tpu.memref_slice %arg5[%dma_start3A_121, %add3A_120, %dma_start3A_126, %dma_start3A_127] : memref<2x128x128x256xf32, #tpu.memory_space<hbm>> -> memref<1x1x128x256xf32, #tpu.memory_space<hbm>>
    %dma_start3A_129 = tpu.memref_squeeze %dma_start3A_128 : memref<1x1x128x256xf32, #tpu.memory_space<hbm>> -> memref<128x256xf32, #tpu.memory_space<hbm>>
    tpu.enqueue_dma source(%arg9 : memref<128x256xf32, #tpu.memory_space<vmem>>) target(%dma_start3A_129 : memref<128x256xf32, #tpu.memory_space<hbm>>) target_semaphore(%arg11 : memref<!tpu.dma_semaphore, #tpu.memory_space<semaphore_mem>>)
    %get3A_130 = arith.constant 1 : i32
    %get3A_131 = arith.index_cast %get3A_130 : i32 to index
    %get3A_132 = arith.constant 0 : index
    %get3A_133 = tpu.vector_load %arg7[%get3A_131, %get3A_132] {strides = array<i32>} : memref<8x128xf32, #tpu.memory_space<vmem>>, vector<1x16xf32>,
    %get3A_134 = vector.shape_cast %get3A_133 : vector<1x16xf32> to vector<16xf32>
    %add3A_135 = arith.addf %get3A_134, %get3A_30 : vector<16xf32>
    %get3A_136 = arith.constant 1 : i32
    %get3A_137 = arith.index_cast %get3A_136 : i32 to index
    %get3A_138 = arith.constant 16 : index
    %get3A_139 = tpu.vector_load %arg7[%get3A_137, %get3A_138] {strides = array<i32>} : memref<8x128xf32, #tpu.memory_space<vmem>>, vector<1x16xf32>,
    %get3A_140 = vector.shape_cast %get3A_139 : vector<1x16xf32> to vector<16xf32>
    %add3A_141 = arith.addf %get3A_140, %get3A_33 : vector<16xf32>
    %get3A_142 = arith.constant 1 : i32
    %get3A_143 = arith.index_cast %get3A_142 : i32 to index
    %get3A_144 = arith.constant 32 : index
    %get3A_145 = tpu.vector_load %arg7[%get3A_143, %get3A_144] {strides = array<i32>} : memref<8x128xf32, #tpu.memory_space<vmem>>, vector<1x16xf32>,
    %get3A_146 = vector.shape_cast %get3A_145 : vector<1x16xf32> to vector<16xf32>
    %add3A_147 = arith.addf %get3A_146, %get3A_36 : vector<16xf32>
    %get3A_148 = arith.constant 1 : i32
    %get3A_149 = arith.index_cast %get3A_148 : i32 to index
    %get3A_150 = arith.constant 48 : index
    %get3A_151 = tpu.vector_load %arg7[%get3A_149, %get3A_150] {strides = array<i32>} : memref<8x128xf32, #tpu.memory_space<vmem>>, vector<1x16xf32>,
    %get3A_152 = vector.shape_cast %get3A_151 : vector<1x16xf32> to vector<16xf32>
    %add3A_153 = arith.addf %get3A_152, %get3A_39 : vector<16xf32>
    %get3A_154 = arith.constant 1 : i32
    %get3A_155 = arith.index_cast %get3A_154 : i32 to index
    %get3A_156 = arith.constant 64 : index
    %get3A_157 = tpu.vector_load %arg7[%get3A_155, %get3A_156] {strides = array<i32>} : memref<8x128xf32, #tpu.memory_space<vmem>>, vector<1x16xf32>,
    %get3A_158 = vector.shape_cast %get3A_157 : vector<1x16xf32> to vector<16xf32>
    %add3A_159 = arith.addf %get3A_158, %get3A_42 : vector<16xf32>
    %get3A_160 = arith.constant 1 : i32
    %get3A_161 = arith.index_cast %get3A_160 : i32 to index
    %get3A_162 = arith.constant 80 : index
    %get3A_163 = tpu.vector_load %arg7[%get3A_161, %get3A_162] {strides = array<i32>} : memref<8x128xf32, #tpu.memory_space<vmem>>, vector<1x16xf32>,
    %get3A_164 = vector.shape_cast %get3A_163 : vector<1x16xf32> to vector<16xf32>
    %add3A_165 = arith.addf %get3A_164, %get3A_45 : vector<16xf32>
    %get3A_166 = arith.constant 1 : i32
    %get3A_167 = arith.index_cast %get3A_166 : i32 to index
    %get3A_168 = arith.constant 96 : index
    %get3A_169 = tpu.vector_load %arg7[%get3A_167, %get3A_168] {strides = array<i32>} : memref<8x128xf32, #tpu.memory_space<vmem>>, vector<1x16xf32>,
    %get3A_170 = vector.shape_cast %get3A_169 : vector<1x16xf32> to vector<16xf32>
    %add3A_171 = arith.addf %get3A_170, %get3A_48 : vector<16xf32>
    %get3A_172 = arith.constant 1 : i32
    %get3A_173 = arith.index_cast %get3A_172 : i32 to index
    %get3A_174 = arith.constant 112 : index
    %get3A_175 = tpu.vector_load %arg7[%get3A_173, %get3A_174] {strides = array<i32>} : memref<8x128xf32, #tpu.memory_space<vmem>>, vector<1x16xf32>,
    %get3A_176 = vector.shape_cast %get3A_175 : vector<1x16xf32> to vector<16xf32>
    %add3A_177 = arith.addf %get3A_176, %get3A_51 : vector<16xf32>
    %scan3A_178 = arith.constant 0 : i32
    %scan3A_179 = arith.constant 128 : i32
    %scan3A_180 = arith.addi %scan3A_178, %scan3A_179 : i32
    %scan3A_181 = arith.constant 1 : i32
    scf.for %scan3A_798 = %scan3A_178 to %scan3A_180 step %scan3A_181  : i32 {
      %mul3A_799 = arith.constant 1 : i32
      %mul3A_800 = arith.muli %scan3A_798, %mul3A_799 : i32
      %add3A_801 = arith.constant 0 : i32
      %add3A_802 = arith.addi %add3A_801, %mul3A_800 : i32
      %get3A_803 = arith.index_cast %add3A_802 : i32 to index
      %get3A_804 = arith.constant 0 : index
      %get3A_805 = tpu.vector_load %arg6[%get3A_803, %get3A_804] {strides = array<i32>} : memref<128x128xf32, #tpu.memory_space<vmem>>, vector<1x16xf32>,
      %get3A_806 = vector.shape_cast %get3A_805 : vector<1x16xf32> to vector<16xf32>
      %swap3A = arith.index_cast %add3A_802 : i32 to index
      %swap3A_807 = arith.constant 0 : index
      %swap3A_808 = tpu.vector_load %arg10[%swap3A, %swap3A_807] {strides = array<i32>} : memref<128x256xf32, #tpu.memory_space<vmem>>, vector<1x16xf32>,
      %swap3A_809 = vector.shape_cast %swap3A_808 : vector<1x16xf32> to vector<16xf32>
      %swap3A_810 = vector.shape_cast %get3A_806 : vector<16xf32> to vector<1x16xf32>
      tpu.vector_store %arg10[%swap3A, %swap3A_807], %swap3A_810 {strides = array<i32>} : memref<128x256xf32, #tpu.memory_space<vmem>>, vector<1x16xf32>,
      %get3A_811 = arith.index_cast %add3A_802 : i32 to index
      %get3A_812 = arith.constant 16 : index
      %get3A_813 = tpu.vector_load %arg6[%get3A_811, %get3A_812] {strides = array<i32>} : memref<128x128xf32, #tpu.memory_space<vmem>>, vector<1x16xf32>,
      %get3A_814 = vector.shape_cast %get3A_813 : vector<1x16xf32> to vector<16xf32>
      %swap3A_815 = arith.index_cast %add3A_802 : i32 to index
      %swap3A_816 = arith.constant 16 : index
      %swap3A_817 = tpu.vector_load %arg10[%swap3A_815, %swap3A_816] {strides = array<i32>} : memref<128x256xf32, #tpu.memory_space<vmem>>, vector<1x16xf32>,
      %swap3A_818 = vector.shape_cast %swap3A_817 : vector<1x16xf32> to vector<16xf32>
      %swap3A_819 = vector.shape_cast %get3A_814 : vector<16xf32> to vector<1x16xf32>
      tpu.vector_store %arg10[%swap3A_815, %swap3A_816], %swap3A_819 {strides = array<i32>} : memref<128x256xf32, #tpu.memory_space<vmem>>, vector<1x16xf32>,
      %get3A_820 = arith.index_cast %add3A_802 : i32 to index
      %get3A_821 = arith.constant 32 : index
      %get3A_822 = tpu.vector_load %arg6[%get3A_820, %get3A_821] {strides = array<i32>} : memref<128x128xf32, #tpu.memory_space<vmem>>, vector<1x16xf32>,
      %get3A_823 = vector.shape_cast %get3A_822 : vector<1x16xf32> to vector<16xf32>
      %swap3A_824 = arith.index_cast %add3A_802 : i32 to index
      %swap3A_825 = arith.constant 32 : index
      %swap3A_826 = tpu.vector_load %arg10[%swap3A_824, %swap3A_825] {strides = array<i32>} : memref<128x256xf32, #tpu.memory_space<vmem>>, vector<1x16xf32>,
      %swap3A_827 = vector.shape_cast %swap3A_826 : vector<1x16xf32> to vector<16xf32>
      %swap3A_828 = vector.shape_cast %get3A_823 : vector<16xf32> to vector<1x16xf32>
      tpu.vector_store %arg10[%swap3A_824, %swap3A_825], %swap3A_828 {strides = array<i32>} : memref<128x256xf32, #tpu.memory_space<vmem>>, vector<1x16xf32>,
      %get3A_829 = arith.index_cast %add3A_802 : i32 to index
      %get3A_830 = arith.constant 48 : index
      %get3A_831 = tpu.vector_load %arg6[%get3A_829, %get3A_830] {strides = array<i32>} : memref<128x128xf32, #tpu.memory_space<vmem>>, vector<1x16xf32>,
      %get3A_832 = vector.shape_cast %get3A_831 : vector<1x16xf32> to vector<16xf32>
      %swap3A_833 = arith.index_cast %add3A_802 : i32 to index
      %swap3A_834 = arith.constant 48 : index
      %swap3A_835 = tpu.vector_load %arg10[%swap3A_833, %swap3A_834] {strides = array<i32>} : memref<128x256xf32, #tpu.memory_space<vmem>>, vector<1x16xf32>,
      %swap3A_836 = vector.shape_cast %swap3A_835 : vector<1x16xf32> to vector<16xf32>
      %swap3A_837 = vector.shape_cast %get3A_832 : vector<16xf32> to vector<1x16xf32>
      tpu.vector_store %arg10[%swap3A_833, %swap3A_834], %swap3A_837 {strides = array<i32>} : memref<128x256xf32, #tpu.memory_space<vmem>>, vector<1x16xf32>,
      %get3A_838 = arith.index_cast %add3A_802 : i32 to index
      %get3A_839 = arith.constant 64 : index
      %get3A_840 = tpu.vector_load %arg6[%get3A_838, %get3A_839] {strides = array<i32>} : memref<128x128xf32, #tpu.memory_space<vmem>>, vector<1x16xf32>,
      %get3A_841 = vector.shape_cast %get3A_840 : vector<1x16xf32> to vector<16xf32>
      %swap3A_842 = arith.index_cast %add3A_802 : i32 to index
      %swap3A_843 = arith.constant 64 : index
      %swap3A_844 = tpu.vector_load %arg10[%swap3A_842, %swap3A_843] {strides = array<i32>} : memref<128x256xf32, #tpu.memory_space<vmem>>, vector<1x16xf32>,
      %swap3A_845 = vector.shape_cast %swap3A_844 : vector<1x16xf32> to vector<16xf32>
      %swap3A_846 = vector.shape_cast %get3A_841 : vector<16xf32> to vector<1x16xf32>
      tpu.vector_store %arg10[%swap3A_842, %swap3A_843], %swap3A_846 {strides = array<i32>} : memref<128x256xf32, #tpu.memory_space<vmem>>, vector<1x16xf32>,
      %get3A_847 = arith.index_cast %add3A_802 : i32 to index
      %get3A_848 = arith.constant 80 : index
      %get3A_849 = tpu.vector_load %arg6[%get3A_847, %get3A_848] {strides = array<i32>} : memref<128x128xf32, #tpu.memory_space<vmem>>, vector<1x16xf32>,
      %get3A_850 = vector.shape_cast %get3A_849 : vector<1x16xf32> to vector<16xf32>
      %swap3A_851 = arith.index_cast %add3A_802 : i32 to index
      %swap3A_852 = arith.constant 80 : index
      %swap3A_853 = tpu.vector_load %arg10[%swap3A_851, %swap3A_852] {strides = array<i32>} : memref<128x256xf32, #tpu.memory_space<vmem>>, vector<1x16xf32>,
      %swap3A_854 = vector.shape_cast %swap3A_853 : vector<1x16xf32> to vector<16xf32>
      %swap3A_855 = vector.shape_cast %get3A_850 : vector<16xf32> to vector<1x16xf32>
      tpu.vector_store %arg10[%swap3A_851, %swap3A_852], %swap3A_855 {strides = array<i32>} : memref<128x256xf32, #tpu.memory_space<vmem>>, vector<1x16xf32>,
      %get3A_856 = arith.index_cast %add3A_802 : i32 to index
      %get3A_857 = arith.constant 96 : index
      %get3A_858 = tpu.vector_load %arg6[%get3A_856, %get3A_857] {strides = array<i32>} : memref<128x128xf32, #tpu.memory_space<vmem>>, vector<1x16xf32>,
      %get3A_859 = vector.shape_cast %get3A_858 : vector<1x16xf32> to vector<16xf32>
      %swap3A_860 = arith.index_cast %add3A_802 : i32 to index
      %swap3A_861 = arith.constant 96 : index
      %swap3A_862 = tpu.vector_load %arg10[%swap3A_860, %swap3A_861] {strides = array<i32>} : memref<128x256xf32, #tpu.memory_space<vmem>>, vector<1x16xf32>,
      %swap3A_863 = vector.shape_cast %swap3A_862 : vector<1x16xf32> to vector<16xf32>
      %swap3A_864 = vector.shape_cast %get3A_859 : vector<16xf32> to vector<1x16xf32>
      tpu.vector_store %arg10[%swap3A_860, %swap3A_861], %swap3A_864 {strides = array<i32>} : memref<128x256xf32, #tpu.memory_space<vmem>>, vector<1x16xf32>,
      %get3A_865 = arith.index_cast %add3A_802 : i32 to index
      %get3A_866 = arith.constant 112 : index
      %get3A_867 = tpu.vector_load %arg6[%get3A_865, %get3A_866] {strides = array<i32>} : memref<128x128xf32, #tpu.memory_space<vmem>>, vector<1x16xf32>,
      %get3A_868 = vector.shape_cast %get3A_867 : vector<1x16xf32> to vector<16xf32>
      %swap3A_869 = arith.index_cast %add3A_802 : i32 to index
      %swap3A_870 = arith.constant 112 : index
      %swap3A_871 = tpu.vector_load %arg10[%swap3A_869, %swap3A_870] {strides = array<i32>} : memref<128x256xf32, #tpu.memory_space<vmem>>, vector<1x16xf32>,
      %swap3A_872 = vector.shape_cast %swap3A_871 : vector<1x16xf32> to vector<16xf32>
      %swap3A_873 = vector.shape_cast %get3A_868 : vector<16xf32> to vector<1x16xf32>
      tpu.vector_store %arg10[%swap3A_869, %swap3A_870], %swap3A_873 {strides = array<i32>} : memref<128x256xf32, #tpu.memory_space<vmem>>, vector<1x16xf32>,
      %swap3A_874 = arith.index_cast %add3A_802 : i32 to index
      %swap3A_875 = arith.constant 128 : index
      %swap3A_876 = tpu.vector_load %arg10[%swap3A_874, %swap3A_875] {strides = array<i32>} : memref<128x256xf32, #tpu.memory_space<vmem>>, vector<1x16xf32>,
      %swap3A_877 = vector.shape_cast %swap3A_876 : vector<1x16xf32> to vector<16xf32>
      %swap3A_878 = vector.shape_cast %add3A_135 : vector<16xf32> to vector<1x16xf32>
      tpu.vector_store %arg10[%swap3A_874, %swap3A_875], %swap3A_878 {strides = array<i32>} : memref<128x256xf32, #tpu.memory_space<vmem>>, vector<1x16xf32>,
      %swap3A_879 = arith.index_cast %add3A_802 : i32 to index
      %swap3A_880 = arith.constant 144 : index
      %swap3A_881 = tpu.vector_load %arg10[%swap3A_879, %swap3A_880] {strides = array<i32>} : memref<128x256xf32, #tpu.memory_space<vmem>>, vector<1x16xf32>,
      %swap3A_882 = vector.shape_cast %swap3A_881 : vector<1x16xf32> to vector<16xf32>
      %swap3A_883 = vector.shape_cast %add3A_141 : vector<16xf32> to vector<1x16xf32>
      tpu.vector_store %arg10[%swap3A_879, %swap3A_880], %swap3A_883 {strides = array<i32>} : memref<128x256xf32, #tpu.memory_space<vmem>>, vector<1x16xf32>,
      %swap3A_884 = arith.index_cast %add3A_802 : i32 to index
      %swap3A_885 = arith.constant 160 : index
      %swap3A_886 = tpu.vector_load %arg10[%swap3A_884, %swap3A_885] {strides = array<i32>} : memref<128x256xf32, #tpu.memory_space<vmem>>, vector<1x16xf32>,
      %swap3A_887 = vector.shape_cast %swap3A_886 : vector<1x16xf32> to vector<16xf32>
      %swap3A_888 = vector.shape_cast %add3A_147 : vector<16xf32> to vector<1x16xf32>
      tpu.vector_store %arg10[%swap3A_884, %swap3A_885], %swap3A_888 {strides = array<i32>} : memref<128x256xf32, #tpu.memory_space<vmem>>, vector<1x16xf32>,
      %swap3A_889 = arith.index_cast %add3A_802 : i32 to index
      %swap3A_890 = arith.constant 176 : index
      %swap3A_891 = tpu.vector_load %arg10[%swap3A_889, %swap3A_890] {strides = array<i32>} : memref<128x256xf32, #tpu.memory_space<vmem>>, vector<1x16xf32>,
      %swap3A_892 = vector.shape_cast %swap3A_891 : vector<1x16xf32> to vector<16xf32>
      %swap3A_893 = vector.shape_cast %add3A_153 : vector<16xf32> to vector<1x16xf32>
      tpu.vector_store %arg10[%swap3A_889, %swap3A_890], %swap3A_893 {strides = array<i32>} : memref<128x256xf32, #tpu.memory_space<vmem>>, vector<1x16xf32>,
      %swap3A_894 = arith.index_cast %add3A_802 : i32 to index
      %swap3A_895 = arith.constant 192 : index
      %swap3A_896 = tpu.vector_load %arg10[%swap3A_894, %swap3A_895] {strides = array<i32>} : memref<128x256xf32, #tpu.memory_space<vmem>>, vector<1x16xf32>,
      %swap3A_897 = vector.shape_cast %swap3A_896 : vector<1x16xf32> to vector<16xf32>
      %swap3A_898 = vector.shape_cast %add3A_159 : vector<16xf32> to vector<1x16xf32>
      tpu.vector_store %arg10[%swap3A_894, %swap3A_895], %swap3A_898 {strides = array<i32>} : memref<128x256xf32, #tpu.memory_space<vmem>>, vector<1x16xf32>,
      %swap3A_899 = arith.index_cast %add3A_802 : i32 to index
      %swap3A_900 = arith.constant 208 : index
      %swap3A_901 = tpu.vector_load %arg10[%swap3A_899, %swap3A_900] {strides = array<i32>} : memref<128x256xf32, #tpu.memory_space<vmem>>, vector<1x16xf32>,
      %swap3A_902 = vector.shape_cast %swap3A_901 : vector<1x16xf32> to vector<16xf32>
      %swap3A_903 = vector.shape_cast %add3A_165 : vector<16xf32> to vector<1x16xf32>
      tpu.vector_store %arg10[%swap3A_899, %swap3A_900], %swap3A_903 {strides = array<i32>} : memref<128x256xf32, #tpu.memory_space<vmem>>, vector<1x16xf32>,
      %swap3A_904 = arith.index_cast %add3A_802 : i32 to index
      %swap3A_905 = arith.constant 224 : index
      %swap3A_906 = tpu.vector_load %arg10[%swap3A_904, %swap3A_905] {strides = array<i32>} : memref<128x256xf32, #tpu.memory_space<vmem>>, vector<1x16xf32>,
      %swap3A_907 = vector.shape_cast %swap3A_906 : vector<1x16xf32> to vector<16xf32>
      %swap3A_908 = vector.shape_cast %add3A_171 : vector<16xf32> to vector<1x16xf32>
      tpu.vector_store %arg10[%swap3A_904, %swap3A_905], %swap3A_908 {strides = array<i32>} : memref<128x256xf32, #tpu.memory_space<vmem>>, vector<1x16xf32>,
      %swap3A_909 = arith.index_cast %add3A_802 : i32 to index
      %swap3A_910 = arith.constant 240 : index
      %swap3A_911 = tpu.vector_load %arg10[%swap3A_909, %swap3A_910] {strides = array<i32>} : memref<128x256xf32, #tpu.memory_space<vmem>>, vector<1x16xf32>,
      %swap3A_912 = vector.shape_cast %swap3A_911 : vector<1x16xf32> to vector<16xf32>
      %swap3A_913 = vector.shape_cast %add3A_177 : vector<16xf32> to vector<1x16xf32>
      tpu.vector_store %arg10[%swap3A_909, %swap3A_910], %swap3A_913 {strides = array<i32>} : memref<128x256xf32, #tpu.memory_space<vmem>>, vector<1x16xf32>,
    }
    %scan3A_182 = arith.constant 128 : i32
    %add3A_183 = arith.constant 1 : i32
    %add3A_184 = arith.addi %mul3A_2, %add3A_183 : i32
    %dma_start3A_185 = arith.constant 0 : i32
    %dma_start3A_186 = arith.constant 0 : i32
    %dma_start3A_187 = arith.constant 0 : i32
    %dma_start3A_188 = tpu.memref_slice %arg5[%dma_start3A_185, %add3A_184, %dma_start3A_186, %dma_start3A_187] : memref<2x128x128x256xf32, #tpu.memory_space<hbm>> -> memref<1x1x128x256xf32, #tpu.memory_space<hbm>>
    %dma_start3A_189 = tpu.memref_squeeze %dma_start3A_188 : memref<1x1x128x256xf32, #tpu.memory_space<hbm>> -> memref<128x256xf32, #tpu.memory_space<hbm>>
    %dma_start3A_190 = arith.constant 0 : i32
    %dma_start3A_191 = arith.constant 0 : i32
    %dma_start3A_192 = tpu.memref_slice %arg5[%dma_start3A_185, %add3A_184, %dma_start3A_190, %dma_start3A_191] : memref<2x128x128x256xf32, #tpu.memory_space<hbm>> -> memref<1x1x128x256xf32, #tpu.memory_space<hbm>>
    %dma_start3A_193 = tpu.memref_squeeze %dma_start3A_192 : memref<1x1x128x256xf32, #tpu.memory_space<hbm>> -> memref<128x256xf32, #tpu.memory_space<hbm>>
    tpu.enqueue_dma source(%arg10 : memref<128x256xf32, #tpu.memory_space<vmem>>) target(%dma_start3A_193 : memref<128x256xf32, #tpu.memory_space<hbm>>) target_semaphore(%arg12 : memref<!tpu.dma_semaphore, #tpu.memory_space<semaphore_mem>>)
    %add3A_194 = arith.constant 1 : i32
    %add3A_195 = arith.addi %mul3A_2, %add3A_194 : i32
    %dma_start3A_196 = arith.constant 1 : i32
    %dma_start3A_197 = arith.constant 0 : i32
    %dma_start3A_198 = arith.constant 0 : i32
    %dma_start3A_199 = tpu.memref_slice %arg5[%dma_start3A_196, %add3A_195, %dma_start3A_197, %dma_start3A_198] : memref<2x128x128x256xf32, #tpu.memory_space<hbm>> -> memref<1x1x128x256xf32, #tpu.memory_space<hbm>>
    %dma_start3A_200 = tpu.memref_squeeze %dma_start3A_199 : memref<1x1x128x256xf32, #tpu.memory_space<hbm>> -> memref<128x256xf32, #tpu.memory_space<hbm>>
    %dma_start3A_201 = arith.constant 0 : i32
    %dma_start3A_202 = arith.constant 0 : i32
    %dma_start3A_203 = tpu.memref_slice %arg5[%dma_start3A_196, %add3A_195, %dma_start3A_201, %dma_start3A_202] : memref<2x128x128x256xf32, #tpu.memory_space<hbm>> -> memref<1x1x128x256xf32, #tpu.memory_space<hbm>>
    %dma_start3A_204 = tpu.memref_squeeze %dma_start3A_203 : memref<1x1x128x256xf32, #tpu.memory_space<hbm>> -> memref<128x256xf32, #tpu.memory_space<hbm>>
    tpu.enqueue_dma source(%arg10 : memref<128x256xf32, #tpu.memory_space<vmem>>) target(%dma_start3A_204 : memref<128x256xf32, #tpu.memory_space<hbm>>) target_semaphore(%arg12 : memref<!tpu.dma_semaphore, #tpu.memory_space<semaphore_mem>>)
    %dma_wait3A = arith.constant 0 : i32
    %dma_wait3A_205 = arith.constant 0 : i32
    %dma_wait3A_206 = arith.constant 0 : i32
    %dma_wait3A_207 = tpu.memref_slice %arg5[%dma_wait3A, %add3A_110, %dma_wait3A_205, %dma_wait3A_206] : memref<2x128x128x256xf32, #tpu.memory_space<hbm>> -> memref<1x1x128x256xf32, #tpu.memory_space<hbm>>
    %dma_wait3A_208 = tpu.memref_squeeze %dma_wait3A_207 : memref<1x1x128x256xf32, #tpu.memory_space<hbm>> -> memref<128x256xf32, #tpu.memory_space<hbm>>
    %dma_wait3A_209 = arith.constant 0 : i32
    %dma_wait3A_210 = arith.constant 0 : i32
    %dma_wait3A_211 = tpu.memref_slice %arg5[%dma_wait3A, %add3A_110, %dma_wait3A_209, %dma_wait3A_210] : memref<2x128x128x256xf32, #tpu.memory_space<hbm>> -> memref<1x1x128x256xf32, #tpu.memory_space<hbm>>
    %dma_wait3A_212 = tpu.memref_squeeze %dma_wait3A_211 : memref<1x1x128x256xf32, #tpu.memory_space<hbm>> -> memref<128x256xf32, #tpu.memory_space<hbm>>
    tpu.wait_dma2 semaphore(%arg11 : memref<!tpu.dma_semaphore, #tpu.memory_space<semaphore_mem>>) src(%arg9 : memref<128x256xf32, #tpu.memory_space<vmem>>) dst(%dma_wait3A_212 : memref<128x256xf32, #tpu.memory_space<hbm>>)
    %dma_wait3A_213 = arith.constant 1 : i32
    %dma_wait3A_214 = arith.constant 0 : i32
    %dma_wait3A_215 = arith.constant 0 : i32
    %dma_wait3A_216 = tpu.memref_slice %arg5[%dma_wait3A_213, %add3A_120, %dma_wait3A_214, %dma_wait3A_215] : memref<2x128x128x256xf32, #tpu.memory_space<hbm>> -> memref<1x1x128x256xf32, #tpu.memory_space<hbm>>
    %dma_wait3A_217 = tpu.memref_squeeze %dma_wait3A_216 : memref<1x1x128x256xf32, #tpu.memory_space<hbm>> -> memref<128x256xf32, #tpu.memory_space<hbm>>
    %dma_wait3A_218 = arith.constant 0 : i32
    %dma_wait3A_219 = arith.constant 0 : i32
    %dma_wait3A_220 = tpu.memref_slice %arg5[%dma_wait3A_213, %add3A_120, %dma_wait3A_218, %dma_wait3A_219] : memref<2x128x128x256xf32, #tpu.memory_space<hbm>> -> memref<1x1x128x256xf32, #tpu.memory_space<hbm>>
    %dma_wait3A_221 = tpu.memref_squeeze %dma_wait3A_220 : memref<1x1x128x256xf32, #tpu.memory_space<hbm>> -> memref<128x256xf32, #tpu.memory_space<hbm>>
    tpu.wait_dma2 semaphore(%arg11 : memref<!tpu.dma_semaphore, #tpu.memory_space<semaphore_mem>>) src(%arg9 : memref<128x256xf32, #tpu.memory_space<vmem>>) dst(%dma_wait3A_221 : memref<128x256xf32, #tpu.memory_space<hbm>>)
    %get3A_222 = arith.constant 2 : i32
    %get3A_223 = arith.index_cast %get3A_222 : i32 to index
    %get3A_224 = arith.constant 0 : index
    %get3A_225 = tpu.vector_load %arg7[%get3A_223, %get3A_224] {strides = array<i32>} : memref<8x128xf32, #tpu.memory_space<vmem>>, vector<1x16xf32>,
    %get3A_226 = vector.shape_cast %get3A_225 : vector<1x16xf32> to vector<16xf32>
    %add3A_227 = arith.addf %get3A_226, %get3A_30 : vector<16xf32>
    %get3A_228 = arith.constant 2 : i32
    %get3A_229 = arith.index_cast %get3A_228 : i32 to index
    %get3A_230 = arith.constant 16 : index
    %get3A_231 = tpu.vector_load %arg7[%get3A_229, %get3A_230] {strides = array<i32>} : memref<8x128xf32, #tpu.memory_space<vmem>>, vector<1x16xf32>,
    %get3A_232 = vector.shape_cast %get3A_231 : vector<1x16xf32> to vector<16xf32>
    %add3A_233 = arith.addf %get3A_232, %get3A_33 : vector<16xf32>
    %get3A_234 = arith.constant 2 : i32
    %get3A_235 = arith.index_cast %get3A_234 : i32 to index
    %get3A_236 = arith.constant 32 : index
    %get3A_237 = tpu.vector_load %arg7[%get3A_235, %get3A_236] {strides = array<i32>} : memref<8x128xf32, #tpu.memory_space<vmem>>, vector<1x16xf32>,
    %get3A_238 = vector.shape_cast %get3A_237 : vector<1x16xf32> to vector<16xf32>
    %add3A_239 = arith.addf %get3A_238, %get3A_36 : vector<16xf32>
    %get3A_240 = arith.constant 2 : i32
    %get3A_241 = arith.index_cast %get3A_240 : i32 to index
    %get3A_242 = arith.constant 48 : index
    %get3A_243 = tpu.vector_load %arg7[%get3A_241, %get3A_242] {strides = array<i32>} : memref<8x128xf32, #tpu.memory_space<vmem>>, vector<1x16xf32>,
    %get3A_244 = vector.shape_cast %get3A_243 : vector<1x16xf32> to vector<16xf32>
    %add3A_245 = arith.addf %get3A_244, %get3A_39 : vector<16xf32>
    %get3A_246 = arith.constant 2 : i32
    %get3A_247 = arith.index_cast %get3A_246 : i32 to index
    %get3A_248 = arith.constant 64 : index
    %get3A_249 = tpu.vector_load %arg7[%get3A_247, %get3A_248] {strides = array<i32>} : memref<8x128xf32, #tpu.memory_space<vmem>>, vector<1x16xf32>,
    %get3A_250 = vector.shape_cast %get3A_249 : vector<1x16xf32> to vector<16xf32>
    %add3A_251 = arith.addf %get3A_250, %get3A_42 : vector<16xf32>
    %get3A_252 = arith.constant 2 : i32
    %get3A_253 = arith.index_cast %get3A_252 : i32 to index
    %get3A_254 = arith.constant 80 : index
    %get3A_255 = tpu.vector_load %arg7[%get3A_253, %get3A_254] {strides = array<i32>} : memref<8x128xf32, #tpu.memory_space<vmem>>, vector<1x16xf32>,
    %get3A_256 = vector.shape_cast %get3A_255 : vector<1x16xf32> to vector<16xf32>
    %add3A_257 = arith.addf %get3A_256, %get3A_45 : vector<16xf32>
    %get3A_258 = arith.constant 2 : i32
    %get3A_259 = arith.index_cast %get3A_258 : i32 to index
    %get3A_260 = arith.constant 96 : index
    %get3A_261 = tpu.vector_load %arg7[%get3A_259, %get3A_260] {strides = array<i32>} : memref<8x128xf32, #tpu.memory_space<vmem>>, vector<1x16xf32>,
    %get3A_262 = vector.shape_cast %get3A_261 : vector<1x16xf32> to vector<16xf32>
    %add3A_263 = arith.addf %get3A_262, %get3A_48 : vector<16xf32>
    %get3A_264 = arith.constant 2 : i32
    %get3A_265 = arith.index_cast %get3A_264 : i32 to index
    %get3A_266 = arith.constant 112 : index
    %get3A_267 = tpu.vector_load %arg7[%get3A_265, %get3A_266] {strides = array<i32>} : memref<8x128xf32, #tpu.memory_space<vmem>>, vector<1x16xf32>,
    %get3A_268 = vector.shape_cast %get3A_267 : vector<1x16xf32> to vector<16xf32>
    %add3A_269 = arith.addf %get3A_268, %get3A_51 : vector<16xf32>
    %scan3A_270 = arith.constant 0 : i32
    %scan3A_271 = arith.constant 128 : i32
    %scan3A_272 = arith.addi %scan3A_270, %scan3A_271 : i32
    %scan3A_273 = arith.constant 1 : i32
    scf.for %scan3A_798 = %scan3A_270 to %scan3A_272 step %scan3A_273  : i32 {
      %mul3A_799 = arith.constant 1 : i32
      %mul3A_800 = arith.muli %scan3A_798, %mul3A_799 : i32
      %add3A_801 = arith.constant 0 : i32
      %add3A_802 = arith.addi %add3A_801, %mul3A_800 : i32
      %swap3A = arith.index_cast %add3A_802 : i32 to index
      %swap3A_803 = arith.constant 128 : index
      %swap3A_804 = tpu.vector_load %arg9[%swap3A, %swap3A_803] {strides = array<i32>} : memref<128x256xf32, #tpu.memory_space<vmem>>, vector<1x16xf32>,
      %swap3A_805 = vector.shape_cast %swap3A_804 : vector<1x16xf32> to vector<16xf32>
      %swap3A_806 = vector.shape_cast %add3A_227 : vector<16xf32> to vector<1x16xf32>
      tpu.vector_store %arg9[%swap3A, %swap3A_803], %swap3A_806 {strides = array<i32>} : memref<128x256xf32, #tpu.memory_space<vmem>>, vector<1x16xf32>,
      %swap3A_807 = arith.index_cast %add3A_802 : i32 to index
      %swap3A_808 = arith.constant 144 : index
      %swap3A_809 = tpu.vector_load %arg9[%swap3A_807, %swap3A_808] {strides = array<i32>} : memref<128x256xf32, #tpu.memory_space<vmem>>, vector<1x16xf32>,
      %swap3A_810 = vector.shape_cast %swap3A_809 : vector<1x16xf32> to vector<16xf32>
      %swap3A_811 = vector.shape_cast %add3A_233 : vector<16xf32> to vector<1x16xf32>
      tpu.vector_store %arg9[%swap3A_807, %swap3A_808], %swap3A_811 {strides = array<i32>} : memref<128x256xf32, #tpu.memory_space<vmem>>, vector<1x16xf32>,
      %swap3A_812 = arith.index_cast %add3A_802 : i32 to index
      %swap3A_813 = arith.constant 160 : index
      %swap3A_814 = tpu.vector_load %arg9[%swap3A_812, %swap3A_813] {strides = array<i32>} : memref<128x256xf32, #tpu.memory_space<vmem>>, vector<1x16xf32>,
      %swap3A_815 = vector.shape_cast %swap3A_814 : vector<1x16xf32> to vector<16xf32>
      %swap3A_816 = vector.shape_cast %add3A_239 : vector<16xf32> to vector<1x16xf32>
      tpu.vector_store %arg9[%swap3A_812, %swap3A_813], %swap3A_816 {strides = array<i32>} : memref<128x256xf32, #tpu.memory_space<vmem>>, vector<1x16xf32>,
      %swap3A_817 = arith.index_cast %add3A_802 : i32 to index
      %swap3A_818 = arith.constant 176 : index
      %swap3A_819 = tpu.vector_load %arg9[%swap3A_817, %swap3A_818] {strides = array<i32>} : memref<128x256xf32, #tpu.memory_space<vmem>>, vector<1x16xf32>,
      %swap3A_820 = vector.shape_cast %swap3A_819 : vector<1x16xf32> to vector<16xf32>
      %swap3A_821 = vector.shape_cast %add3A_245 : vector<16xf32> to vector<1x16xf32>
      tpu.vector_store %arg9[%swap3A_817, %swap3A_818], %swap3A_821 {strides = array<i32>} : memref<128x256xf32, #tpu.memory_space<vmem>>, vector<1x16xf32>,
      %swap3A_822 = arith.index_cast %add3A_802 : i32 to index
      %swap3A_823 = arith.constant 192 : index
      %swap3A_824 = tpu.vector_load %arg9[%swap3A_822, %swap3A_823] {strides = array<i32>} : memref<128x256xf32, #tpu.memory_space<vmem>>, vector<1x16xf32>,
      %swap3A_825 = vector.shape_cast %swap3A_824 : vector<1x16xf32> to vector<16xf32>
      %swap3A_826 = vector.shape_cast %add3A_251 : vector<16xf32> to vector<1x16xf32>
      tpu.vector_store %arg9[%swap3A_822, %swap3A_823], %swap3A_826 {strides = array<i32>} : memref<128x256xf32, #tpu.memory_space<vmem>>, vector<1x16xf32>,
      %swap3A_827 = arith.index_cast %add3A_802 : i32 to index
      %swap3A_828 = arith.constant 208 : index
      %swap3A_829 = tpu.vector_load %arg9[%swap3A_827, %swap3A_828] {strides = array<i32>} : memref<128x256xf32, #tpu.memory_space<vmem>>, vector<1x16xf32>,
      %swap3A_830 = vector.shape_cast %swap3A_829 : vector<1x16xf32> to vector<16xf32>
      %swap3A_831 = vector.shape_cast %add3A_257 : vector<16xf32> to vector<1x16xf32>
      tpu.vector_store %arg9[%swap3A_827, %swap3A_828], %swap3A_831 {strides = array<i32>} : memref<128x256xf32, #tpu.memory_space<vmem>>, vector<1x16xf32>,
      %swap3A_832 = arith.index_cast %add3A_802 : i32 to index
      %swap3A_833 = arith.constant 224 : index
      %swap3A_834 = tpu.vector_load %arg9[%swap3A_832, %swap3A_833] {strides = array<i32>} : memref<128x256xf32, #tpu.memory_space<vmem>>, vector<1x16xf32>,
      %swap3A_835 = vector.shape_cast %swap3A_834 : vector<1x16xf32> to vector<16xf32>
      %swap3A_836 = vector.shape_cast %add3A_263 : vector<16xf32> to vector<1x16xf32>
      tpu.vector_store %arg9[%swap3A_832, %swap3A_833], %swap3A_836 {strides = array<i32>} : memref<128x256xf32, #tpu.memory_space<vmem>>, vector<1x16xf32>,
      %swap3A_837 = arith.index_cast %add3A_802 : i32 to index
      %swap3A_838 = arith.constant 240 : index
      %swap3A_839 = tpu.vector_load %arg9[%swap3A_837, %swap3A_838] {strides = array<i32>} : memref<128x256xf32, #tpu.memory_space<vmem>>, vector<1x16xf32>,
      %swap3A_840 = vector.shape_cast %swap3A_839 : vector<1x16xf32> to vector<16xf32>
      %swap3A_841 = vector.shape_cast %add3A_269 : vector<16xf32> to vector<1x16xf32>
      tpu.vector_store %arg9[%swap3A_837, %swap3A_838], %swap3A_841 {strides = array<i32>} : memref<128x256xf32, #tpu.memory_space<vmem>>, vector<1x16xf32>,
    }
    %scan3A_274 = arith.constant 128 : i32
    %add3A_275 = arith.constant 2 : i32
    %add3A_276 = arith.addi %mul3A_2, %add3A_275 : i32
    %dma_start3A_277 = arith.constant 0 : i32
    %dma_start3A_278 = arith.constant 0 : i32
    %dma_start3A_279 = arith.constant 0 : i32
    %dma_start3A_280 = tpu.memref_slice %arg5[%dma_start3A_277, %add3A_276, %dma_start3A_278, %dma_start3A_279] : memref<2x128x128x256xf32, #tpu.memory_space<hbm>> -> memref<1x1x128x256xf32, #tpu.memory_space<hbm>>
    %dma_start3A_281 = tpu.memref_squeeze %dma_start3A_280 : memref<1x1x128x256xf32, #tpu.memory_space<hbm>> -> memref<128x256xf32, #tpu.memory_space<hbm>>
    %dma_start3A_282 = arith.constant 0 : i32
    %dma_start3A_283 = arith.constant 0 : i32
    %dma_start3A_284 = tpu.memref_slice %arg5[%dma_start3A_277, %add3A_276, %dma_start3A_282, %dma_start3A_283] : memref<2x128x128x256xf32, #tpu.memory_space<hbm>> -> memref<1x1x128x256xf32, #tpu.memory_space<hbm>>
    %dma_start3A_285 = tpu.memref_squeeze %dma_start3A_284 : memref<1x1x128x256xf32, #tpu.memory_space<hbm>> -> memref<128x256xf32, #tpu.memory_space<hbm>>
    tpu.enqueue_dma source(%arg9 : memref<128x256xf32, #tpu.memory_space<vmem>>) target(%dma_start3A_285 : memref<128x256xf32, #tpu.memory_space<hbm>>) target_semaphore(%arg11 : memref<!tpu.dma_semaphore, #tpu.memory_space<semaphore_mem>>)
    %add3A_286 = arith.constant 2 : i32
    %add3A_287 = arith.addi %mul3A_2, %add3A_286 : i32
    %dma_start3A_288 = arith.constant 1 : i32
    %dma_start3A_289 = arith.constant 0 : i32
    %dma_start3A_290 = arith.constant 0 : i32
    %dma_start3A_291 = tpu.memref_slice %arg5[%dma_start3A_288, %add3A_287, %dma_start3A_289, %dma_start3A_290] : memref<2x128x128x256xf32, #tpu.memory_space<hbm>> -> memref<1x1x128x256xf32, #tpu.memory_space<hbm>>
    %dma_start3A_292 = tpu.memref_squeeze %dma_start3A_291 : memref<1x1x128x256xf32, #tpu.memory_space<hbm>> -> memref<128x256xf32, #tpu.memory_space<hbm>>
    %dma_start3A_293 = arith.constant 0 : i32
    %dma_start3A_294 = arith.constant 0 : i32
    %dma_start3A_295 = tpu.memref_slice %arg5[%dma_start3A_288, %add3A_287, %dma_start3A_293, %dma_start3A_294] : memref<2x128x128x256xf32, #tpu.memory_space<hbm>> -> memref<1x1x128x256xf32, #tpu.memory_space<hbm>>
    %dma_start3A_296 = tpu.memref_squeeze %dma_start3A_295 : memref<1x1x128x256xf32, #tpu.memory_space<hbm>> -> memref<128x256xf32, #tpu.memory_space<hbm>>
    tpu.enqueue_dma source(%arg9 : memref<128x256xf32, #tpu.memory_space<vmem>>) target(%dma_start3A_296 : memref<128x256xf32, #tpu.memory_space<hbm>>) target_semaphore(%arg11 : memref<!tpu.dma_semaphore, #tpu.memory_space<semaphore_mem>>)
    %dma_wait3A_297 = arith.constant 0 : i32
    %dma_wait3A_298 = arith.constant 0 : i32
    %dma_wait3A_299 = arith.constant 0 : i32
    %dma_wait3A_300 = tpu.memref_slice %arg5[%dma_wait3A_297, %add3A_184, %dma_wait3A_298, %dma_wait3A_299] : memref<2x128x128x256xf32, #tpu.memory_space<hbm>> -> memref<1x1x128x256xf32, #tpu.memory_space<hbm>>
    %dma_wait3A_301 = tpu.memref_squeeze %dma_wait3A_300 : memref<1x1x128x256xf32, #tpu.memory_space<hbm>> -> memref<128x256xf32, #tpu.memory_space<hbm>>
    %dma_wait3A_302 = arith.constant 0 : i32
    %dma_wait3A_303 = arith.constant 0 : i32
    %dma_wait3A_304 = tpu.memref_slice %arg5[%dma_wait3A_297, %add3A_184, %dma_wait3A_302, %dma_wait3A_303] : memref<2x128x128x256xf32, #tpu.memory_space<hbm>> -> memref<1x1x128x256xf32, #tpu.memory_space<hbm>>
    %dma_wait3A_305 = tpu.memref_squeeze %dma_wait3A_304 : memref<1x1x128x256xf32, #tpu.memory_space<hbm>> -> memref<128x256xf32, #tpu.memory_space<hbm>>
    tpu.wait_dma2 semaphore(%arg12 : memref<!tpu.dma_semaphore, #tpu.memory_space<semaphore_mem>>) src(%arg10 : memref<128x256xf32, #tpu.memory_space<vmem>>) dst(%dma_wait3A_305 : memref<128x256xf32, #tpu.memory_space<hbm>>)
    %dma_wait3A_306 = arith.constant 1 : i32
    %dma_wait3A_307 = arith.constant 0 : i32
    %dma_wait3A_308 = arith.constant 0 : i32
    %dma_wait3A_309 = tpu.memref_slice %arg5[%dma_wait3A_306, %add3A_195, %dma_wait3A_307, %dma_wait3A_308] : memref<2x128x128x256xf32, #tpu.memory_space<hbm>> -> memref<1x1x128x256xf32, #tpu.memory_space<hbm>>
    %dma_wait3A_310 = tpu.memref_squeeze %dma_wait3A_309 : memref<1x1x128x256xf32, #tpu.memory_space<hbm>> -> memref<128x256xf32, #tpu.memory_space<hbm>>
    %dma_wait3A_311 = arith.constant 0 : i32
    %dma_wait3A_312 = arith.constant 0 : i32
    %dma_wait3A_313 = tpu.memref_slice %arg5[%dma_wait3A_306, %add3A_195, %dma_wait3A_311, %dma_wait3A_312] : memref<2x128x128x256xf32, #tpu.memory_space<hbm>> -> memref<1x1x128x256xf32, #tpu.memory_space<hbm>>
    %dma_wait3A_314 = tpu.memref_squeeze %dma_wait3A_313 : memref<1x1x128x256xf32, #tpu.memory_space<hbm>> -> memref<128x256xf32, #tpu.memory_space<hbm>>
    tpu.wait_dma2 semaphore(%arg12 : memref<!tpu.dma_semaphore, #tpu.memory_space<semaphore_mem>>) src(%arg10 : memref<128x256xf32, #tpu.memory_space<vmem>>) dst(%dma_wait3A_314 : memref<128x256xf32, #tpu.memory_space<hbm>>)
    %get3A_315 = arith.constant 3 : i32
    %get3A_316 = arith.index_cast %get3A_315 : i32 to index
    %get3A_317 = arith.constant 0 : index
    %get3A_318 = tpu.vector_load %arg7[%get3A_316, %get3A_317] {strides = array<i32>} : memref<8x128xf32, #tpu.memory_space<vmem>>, vector<1x16xf32>,
    %get3A_319 = vector.shape_cast %get3A_318 : vector<1x16xf32> to vector<16xf32>
    %add3A_320 = arith.addf %get3A_319, %get3A_30 : vector<16xf32>
    %get3A_321 = arith.constant 3 : i32
    %get3A_322 = arith.index_cast %get3A_321 : i32 to index
    %get3A_323 = arith.constant 16 : index
    %get3A_324 = tpu.vector_load %arg7[%get3A_322, %get3A_323] {strides = array<i32>} : memref<8x128xf32, #tpu.memory_space<vmem>>, vector<1x16xf32>,
    %get3A_325 = vector.shape_cast %get3A_324 : vector<1x16xf32> to vector<16xf32>
    %add3A_326 = arith.addf %get3A_325, %get3A_33 : vector<16xf32>
    %get3A_327 = arith.constant 3 : i32
    %get3A_328 = arith.index_cast %get3A_327 : i32 to index
    %get3A_329 = arith.constant 32 : index
    %get3A_330 = tpu.vector_load %arg7[%get3A_328, %get3A_329] {strides = array<i32>} : memref<8x128xf32, #tpu.memory_space<vmem>>, vector<1x16xf32>,
    %get3A_331 = vector.shape_cast %get3A_330 : vector<1x16xf32> to vector<16xf32>
    %add3A_332 = arith.addf %get3A_331, %get3A_36 : vector<16xf32>
    %get3A_333 = arith.constant 3 : i32
    %get3A_334 = arith.index_cast %get3A_333 : i32 to index
    %get3A_335 = arith.constant 48 : index
    %get3A_336 = tpu.vector_load %arg7[%get3A_334, %get3A_335] {strides = array<i32>} : memref<8x128xf32, #tpu.memory_space<vmem>>, vector<1x16xf32>,
    %get3A_337 = vector.shape_cast %get3A_336 : vector<1x16xf32> to vector<16xf32>
    %add3A_338 = arith.addf %get3A_337, %get3A_39 : vector<16xf32>
    %get3A_339 = arith.constant 3 : i32
    %get3A_340 = arith.index_cast %get3A_339 : i32 to index
    %get3A_341 = arith.constant 64 : index
    %get3A_342 = tpu.vector_load %arg7[%get3A_340, %get3A_341] {strides = array<i32>} : memref<8x128xf32, #tpu.memory_space<vmem>>, vector<1x16xf32>,
    %get3A_343 = vector.shape_cast %get3A_342 : vector<1x16xf32> to vector<16xf32>
    %add3A_344 = arith.addf %get3A_343, %get3A_42 : vector<16xf32>
    %get3A_345 = arith.constant 3 : i32
    %get3A_346 = arith.index_cast %get3A_345 : i32 to index
    %get3A_347 = arith.constant 80 : index
    %get3A_348 = tpu.vector_load %arg7[%get3A_346, %get3A_347] {strides = array<i32>} : memref<8x128xf32, #tpu.memory_space<vmem>>, vector<1x16xf32>,
    %get3A_349 = vector.shape_cast %get3A_348 : vector<1x16xf32> to vector<16xf32>
    %add3A_350 = arith.addf %get3A_349, %get3A_45 : vector<16xf32>
    %get3A_351 = arith.constant 3 : i32
    %get3A_352 = arith.index_cast %get3A_351 : i32 to index
    %get3A_353 = arith.constant 96 : index
    %get3A_354 = tpu.vector_load %arg7[%get3A_352, %get3A_353] {strides = array<i32>} : memref<8x128xf32, #tpu.memory_space<vmem>>, vector<1x16xf32>,
    %get3A_355 = vector.shape_cast %get3A_354 : vector<1x16xf32> to vector<16xf32>
    %add3A_356 = arith.addf %get3A_355, %get3A_48 : vector<16xf32>
    %get3A_357 = arith.constant 3 : i32
    %get3A_358 = arith.index_cast %get3A_357 : i32 to index
    %get3A_359 = arith.constant 112 : index
    %get3A_360 = tpu.vector_load %arg7[%get3A_358, %get3A_359] {strides = array<i32>} : memref<8x128xf32, #tpu.memory_space<vmem>>, vector<1x16xf32>,
    %get3A_361 = vector.shape_cast %get3A_360 : vector<1x16xf32> to vector<16xf32>
    %add3A_362 = arith.addf %get3A_361, %get3A_51 : vector<16xf32>
    %scan3A_363 = arith.constant 0 : i32
    %scan3A_364 = arith.constant 128 : i32
    %scan3A_365 = arith.addi %scan3A_363, %scan3A_364 : i32
    %scan3A_366 = arith.constant 1 : i32
    scf.for %scan3A_798 = %scan3A_363 to %scan3A_365 step %scan3A_366  : i32 {
      %mul3A_799 = arith.constant 1 : i32
      %mul3A_800 = arith.muli %scan3A_798, %mul3A_799 : i32
      %add3A_801 = arith.constant 0 : i32
      %add3A_802 = arith.addi %add3A_801, %mul3A_800 : i32
      %swap3A = arith.index_cast %add3A_802 : i32 to index
      %swap3A_803 = arith.constant 128 : index
      %swap3A_804 = tpu.vector_load %arg10[%swap3A, %swap3A_803] {strides = array<i32>} : memref<128x256xf32, #tpu.memory_space<vmem>>, vector<1x16xf32>,
      %swap3A_805 = vector.shape_cast %swap3A_804 : vector<1x16xf32> to vector<16xf32>
      %swap3A_806 = vector.shape_cast %add3A_320 : vector<16xf32> to vector<1x16xf32>
      tpu.vector_store %arg10[%swap3A, %swap3A_803], %swap3A_806 {strides = array<i32>} : memref<128x256xf32, #tpu.memory_space<vmem>>, vector<1x16xf32>,
      %swap3A_807 = arith.index_cast %add3A_802 : i32 to index
      %swap3A_808 = arith.constant 144 : index
      %swap3A_809 = tpu.vector_load %arg10[%swap3A_807, %swap3A_808] {strides = array<i32>} : memref<128x256xf32, #tpu.memory_space<vmem>>, vector<1x16xf32>,
      %swap3A_810 = vector.shape_cast %swap3A_809 : vector<1x16xf32> to vector<16xf32>
      %swap3A_811 = vector.shape_cast %add3A_326 : vector<16xf32> to vector<1x16xf32>
      tpu.vector_store %arg10[%swap3A_807, %swap3A_808], %swap3A_811 {strides = array<i32>} : memref<128x256xf32, #tpu.memory_space<vmem>>, vector<1x16xf32>,
      %swap3A_812 = arith.index_cast %add3A_802 : i32 to index
      %swap3A_813 = arith.constant 160 : index
      %swap3A_814 = tpu.vector_load %arg10[%swap3A_812, %swap3A_813] {strides = array<i32>} : memref<128x256xf32, #tpu.memory_space<vmem>>, vector<1x16xf32>,
      %swap3A_815 = vector.shape_cast %swap3A_814 : vector<1x16xf32> to vector<16xf32>
      %swap3A_816 = vector.shape_cast %add3A_332 : vector<16xf32> to vector<1x16xf32>
      tpu.vector_store %arg10[%swap3A_812, %swap3A_813], %swap3A_816 {strides = array<i32>} : memref<128x256xf32, #tpu.memory_space<vmem>>, vector<1x16xf32>,
      %swap3A_817 = arith.index_cast %add3A_802 : i32 to index
      %swap3A_818 = arith.constant 176 : index
      %swap3A_819 = tpu.vector_load %arg10[%swap3A_817, %swap3A_818] {strides = array<i32>} : memref<128x256xf32, #tpu.memory_space<vmem>>, vector<1x16xf32>,
      %swap3A_820 = vector.shape_cast %swap3A_819 : vector<1x16xf32> to vector<16xf32>
      %swap3A_821 = vector.shape_cast %add3A_338 : vector<16xf32> to vector<1x16xf32>
      tpu.vector_store %arg10[%swap3A_817, %swap3A_818], %swap3A_821 {strides = array<i32>} : memref<128x256xf32, #tpu.memory_space<vmem>>, vector<1x16xf32>,
      %swap3A_822 = arith.index_cast %add3A_802 : i32 to index
      %swap3A_823 = arith.constant 192 : index
      %swap3A_824 = tpu.vector_load %arg10[%swap3A_822, %swap3A_823] {strides = array<i32>} : memref<128x256xf32, #tpu.memory_space<vmem>>, vector<1x16xf32>,
      %swap3A_825 = vector.shape_cast %swap3A_824 : vector<1x16xf32> to vector<16xf32>
      %swap3A_826 = vector.shape_cast %add3A_344 : vector<16xf32> to vector<1x16xf32>
      tpu.vector_store %arg10[%swap3A_822, %swap3A_823], %swap3A_826 {strides = array<i32>} : memref<128x256xf32, #tpu.memory_space<vmem>>, vector<1x16xf32>,
      %swap3A_827 = arith.index_cast %add3A_802 : i32 to index
      %swap3A_828 = arith.constant 208 : index
      %swap3A_829 = tpu.vector_load %arg10[%swap3A_827, %swap3A_828] {strides = array<i32>} : memref<128x256xf32, #tpu.memory_space<vmem>>, vector<1x16xf32>,
      %swap3A_830 = vector.shape_cast %swap3A_829 : vector<1x16xf32> to vector<16xf32>
      %swap3A_831 = vector.shape_cast %add3A_350 : vector<16xf32> to vector<1x16xf32>
      tpu.vector_store %arg10[%swap3A_827, %swap3A_828], %swap3A_831 {strides = array<i32>} : memref<128x256xf32, #tpu.memory_space<vmem>>, vector<1x16xf32>,
      %swap3A_832 = arith.index_cast %add3A_802 : i32 to index
      %swap3A_833 = arith.constant 224 : index
      %swap3A_834 = tpu.vector_load %arg10[%swap3A_832, %swap3A_833] {strides = array<i32>} : memref<128x256xf32, #tpu.memory_space<vmem>>, vector<1x16xf32>,
      %swap3A_835 = vector.shape_cast %swap3A_834 : vector<1x16xf32> to vector<16xf32>
      %swap3A_836 = vector.shape_cast %add3A_356 : vector<16xf32> to vector<1x16xf32>
      tpu.vector_store %arg10[%swap3A_832, %swap3A_833], %swap3A_836 {strides = array<i32>} : memref<128x256xf32, #tpu.memory_space<vmem>>, vector<1x16xf32>,
      %swap3A_837 = arith.index_cast %add3A_802 : i32 to index
      %swap3A_838 = arith.constant 240 : index
      %swap3A_839 = tpu.vector_load %arg10[%swap3A_837, %swap3A_838] {strides = array<i32>} : memref<128x256xf32, #tpu.memory_space<vmem>>, vector<1x16xf32>,
      %swap3A_840 = vector.shape_cast %swap3A_839 : vector<1x16xf32> to vector<16xf32>
      %swap3A_841 = vector.shape_cast %add3A_362 : vector<16xf32> to vector<1x16xf32>
      tpu.vector_store %arg10[%swap3A_837, %swap3A_838], %swap3A_841 {strides = array<i32>} : memref<128x256xf32, #tpu.memory_space<vmem>>, vector<1x16xf32>,
    }
    %scan3A_367 = arith.constant 128 : i32
    %add3A_368 = arith.constant 3 : i32
    %add3A_369 = arith.addi %mul3A_2, %add3A_368 : i32
    %dma_start3A_370 = arith.constant 0 : i32
    %dma_start3A_371 = arith.constant 0 : i32
    %dma_start3A_372 = arith.constant 0 : i32
    %dma_start3A_373 = tpu.memref_slice %arg5[%dma_start3A_370, %add3A_369, %dma_start3A_371, %dma_start3A_372] : memref<2x128x128x256xf32, #tpu.memory_space<hbm>> -> memref<1x1x128x256xf32, #tpu.memory_space<hbm>>
    %dma_start3A_374 = tpu.memref_squeeze %dma_start3A_373 : memref<1x1x128x256xf32, #tpu.memory_space<hbm>> -> memref<128x256xf32, #tpu.memory_space<hbm>>
    %dma_start3A_375 = arith.constant 0 : i32
    %dma_start3A_376 = arith.constant 0 : i32
    %dma_start3A_377 = tpu.memref_slice %arg5[%dma_start3A_370, %add3A_369, %dma_start3A_375, %dma_start3A_376] : memref<2x128x128x256xf32, #tpu.memory_space<hbm>> -> memref<1x1x128x256xf32, #tpu.memory_space<hbm>>
    %dma_start3A_378 = tpu.memref_squeeze %dma_start3A_377 : memref<1x1x128x256xf32, #tpu.memory_space<hbm>> -> memref<128x256xf32, #tpu.memory_space<hbm>>
    tpu.enqueue_dma source(%arg10 : memref<128x256xf32, #tpu.memory_space<vmem>>) target(%dma_start3A_378 : memref<128x256xf32, #tpu.memory_space<hbm>>) target_semaphore(%arg12 : memref<!tpu.dma_semaphore, #tpu.memory_space<semaphore_mem>>)
    %add3A_379 = arith.constant 3 : i32
    %add3A_380 = arith.addi %mul3A_2, %add3A_379 : i32
    %dma_start3A_381 = arith.constant 1 : i32
    %dma_start3A_382 = arith.constant 0 : i32
    %dma_start3A_383 = arith.constant 0 : i32
    %dma_start3A_384 = tpu.memref_slice %arg5[%dma_start3A_381, %add3A_380, %dma_start3A_382, %dma_start3A_383] : memref<2x128x128x256xf32, #tpu.memory_space<hbm>> -> memref<1x1x128x256xf32, #tpu.memory_space<hbm>>
    %dma_start3A_385 = tpu.memref_squeeze %dma_start3A_384 : memref<1x1x128x256xf32, #tpu.memory_space<hbm>> -> memref<128x256xf32, #tpu.memory_space<hbm>>
    %dma_start3A_386 = arith.constant 0 : i32
    %dma_start3A_387 = arith.constant 0 : i32
    %dma_start3A_388 = tpu.memref_slice %arg5[%dma_start3A_381, %add3A_380, %dma_start3A_386, %dma_start3A_387] : memref<2x128x128x256xf32, #tpu.memory_space<hbm>> -> memref<1x1x128x256xf32, #tpu.memory_space<hbm>>
    %dma_start3A_389 = tpu.memref_squeeze %dma_start3A_388 : memref<1x1x128x256xf32, #tpu.memory_space<hbm>> -> memref<128x256xf32, #tpu.memory_space<hbm>>
    tpu.enqueue_dma source(%arg10 : memref<128x256xf32, #tpu.memory_space<vmem>>) target(%dma_start3A_389 : memref<128x256xf32, #tpu.memory_space<hbm>>) target_semaphore(%arg12 : memref<!tpu.dma_semaphore, #tpu.memory_space<semaphore_mem>>)
    %dma_wait3A_390 = arith.constant 0 : i32
    %dma_wait3A_391 = arith.constant 0 : i32
    %dma_wait3A_392 = arith.constant 0 : i32
    %dma_wait3A_393 = tpu.memref_slice %arg5[%dma_wait3A_390, %add3A_276, %dma_wait3A_391, %dma_wait3A_392] : memref<2x128x128x256xf32, #tpu.memory_space<hbm>> -> memref<1x1x128x256xf32, #tpu.memory_space<hbm>>
    %dma_wait3A_394 = tpu.memref_squeeze %dma_wait3A_393 : memref<1x1x128x256xf32, #tpu.memory_space<hbm>> -> memref<128x256xf32, #tpu.memory_space<hbm>>
    %dma_wait3A_395 = arith.constant 0 : i32
    %dma_wait3A_396 = arith.constant 0 : i32
    %dma_wait3A_397 = tpu.memref_slice %arg5[%dma_wait3A_390, %add3A_276, %dma_wait3A_395, %dma_wait3A_396] : memref<2x128x128x256xf32, #tpu.memory_space<hbm>> -> memref<1x1x128x256xf32, #tpu.memory_space<hbm>>
    %dma_wait3A_398 = tpu.memref_squeeze %dma_wait3A_397 : memref<1x1x128x256xf32, #tpu.memory_space<hbm>> -> memref<128x256xf32, #tpu.memory_space<hbm>>
    tpu.wait_dma2 semaphore(%arg11 : memref<!tpu.dma_semaphore, #tpu.memory_space<semaphore_mem>>) src(%arg9 : memref<128x256xf32, #tpu.memory_space<vmem>>) dst(%dma_wait3A_398 : memref<128x256xf32, #tpu.memory_space<hbm>>)
    %dma_wait3A_399 = arith.constant 1 : i32
    %dma_wait3A_400 = arith.constant 0 : i32
    %dma_wait3A_401 = arith.constant 0 : i32
    %dma_wait3A_402 = tpu.memref_slice %arg5[%dma_wait3A_399, %add3A_287, %dma_wait3A_400, %dma_wait3A_401] : memref<2x128x128x256xf32, #tpu.memory_space<hbm>> -> memref<1x1x128x256xf32, #tpu.memory_space<hbm>>
    %dma_wait3A_403 = tpu.memref_squeeze %dma_wait3A_402 : memref<1x1x128x256xf32, #tpu.memory_space<hbm>> -> memref<128x256xf32, #tpu.memory_space<hbm>>
    %dma_wait3A_404 = arith.constant 0 : i32
    %dma_wait3A_405 = arith.constant 0 : i32
    %dma_wait3A_406 = tpu.memref_slice %arg5[%dma_wait3A_399, %add3A_287, %dma_wait3A_404, %dma_wait3A_405] : memref<2x128x128x256xf32, #tpu.memory_space<hbm>> -> memref<1x1x128x256xf32, #tpu.memory_space<hbm>>
    %dma_wait3A_407 = tpu.memref_squeeze %dma_wait3A_406 : memref<1x1x128x256xf32, #tpu.memory_space<hbm>> -> memref<128x256xf32, #tpu.memory_space<hbm>>
    tpu.wait_dma2 semaphore(%arg11 : memref<!tpu.dma_semaphore, #tpu.memory_space<semaphore_mem>>) src(%arg9 : memref<128x256xf32, #tpu.memory_space<vmem>>) dst(%dma_wait3A_407 : memref<128x256xf32, #tpu.memory_space<hbm>>)
    %get3A_408 = arith.constant 4 : i32
    %get3A_409 = arith.index_cast %get3A_408 : i32 to index
    %get3A_410 = arith.constant 0 : index
    %get3A_411 = tpu.vector_load %arg7[%get3A_409, %get3A_410] {strides = array<i32>} : memref<8x128xf32, #tpu.memory_space<vmem>>, vector<1x16xf32>,
    %get3A_412 = vector.shape_cast %get3A_411 : vector<1x16xf32> to vector<16xf32>
    %add3A_413 = arith.addf %get3A_412, %get3A_30 : vector<16xf32>
    %get3A_414 = arith.constant 4 : i32
    %get3A_415 = arith.index_cast %get3A_414 : i32 to index
    %get3A_416 = arith.constant 16 : index
    %get3A_417 = tpu.vector_load %arg7[%get3A_415, %get3A_416] {strides = array<i32>} : memref<8x128xf32, #tpu.memory_space<vmem>>, vector<1x16xf32>,
    %get3A_418 = vector.shape_cast %get3A_417 : vector<1x16xf32> to vector<16xf32>
    %add3A_419 = arith.addf %get3A_418, %get3A_33 : vector<16xf32>
    %get3A_420 = arith.constant 4 : i32
    %get3A_421 = arith.index_cast %get3A_420 : i32 to index
    %get3A_422 = arith.constant 32 : index
    %get3A_423 = tpu.vector_load %arg7[%get3A_421, %get3A_422] {strides = array<i32>} : memref<8x128xf32, #tpu.memory_space<vmem>>, vector<1x16xf32>,
    %get3A_424 = vector.shape_cast %get3A_423 : vector<1x16xf32> to vector<16xf32>
    %add3A_425 = arith.addf %get3A_424, %get3A_36 : vector<16xf32>
    %get3A_426 = arith.constant 4 : i32
    %get3A_427 = arith.index_cast %get3A_426 : i32 to index
    %get3A_428 = arith.constant 48 : index
    %get3A_429 = tpu.vector_load %arg7[%get3A_427, %get3A_428] {strides = array<i32>} : memref<8x128xf32, #tpu.memory_space<vmem>>, vector<1x16xf32>,
    %get3A_430 = vector.shape_cast %get3A_429 : vector<1x16xf32> to vector<16xf32>
    %add3A_431 = arith.addf %get3A_430, %get3A_39 : vector<16xf32>
    %get3A_432 = arith.constant 4 : i32
    %get3A_433 = arith.index_cast %get3A_432 : i32 to index
    %get3A_434 = arith.constant 64 : index
    %get3A_435 = tpu.vector_load %arg7[%get3A_433, %get3A_434] {strides = array<i32>} : memref<8x128xf32, #tpu.memory_space<vmem>>, vector<1x16xf32>,
    %get3A_436 = vector.shape_cast %get3A_435 : vector<1x16xf32> to vector<16xf32>
    %add3A_437 = arith.addf %get3A_436, %get3A_42 : vector<16xf32>
    %get3A_438 = arith.constant 4 : i32
    %get3A_439 = arith.index_cast %get3A_438 : i32 to index
    %get3A_440 = arith.constant 80 : index
    %get3A_441 = tpu.vector_load %arg7[%get3A_439, %get3A_440] {strides = array<i32>} : memref<8x128xf32, #tpu.memory_space<vmem>>, vector<1x16xf32>,
    %get3A_442 = vector.shape_cast %get3A_441 : vector<1x16xf32> to vector<16xf32>
    %add3A_443 = arith.addf %get3A_442, %get3A_45 : vector<16xf32>
    %get3A_444 = arith.constant 4 : i32
    %get3A_445 = arith.index_cast %get3A_444 : i32 to index
    %get3A_446 = arith.constant 96 : index
    %get3A_447 = tpu.vector_load %arg7[%get3A_445, %get3A_446] {strides = array<i32>} : memref<8x128xf32, #tpu.memory_space<vmem>>, vector<1x16xf32>,
    %get3A_448 = vector.shape_cast %get3A_447 : vector<1x16xf32> to vector<16xf32>
    %add3A_449 = arith.addf %get3A_448, %get3A_48 : vector<16xf32>
    %get3A_450 = arith.constant 4 : i32
    %get3A_451 = arith.index_cast %get3A_450 : i32 to index
    %get3A_452 = arith.constant 112 : index
    %get3A_453 = tpu.vector_load %arg7[%get3A_451, %get3A_452] {strides = array<i32>} : memref<8x128xf32, #tpu.memory_space<vmem>>, vector<1x16xf32>,
    %get3A_454 = vector.shape_cast %get3A_453 : vector<1x16xf32> to vector<16xf32>
    %add3A_455 = arith.addf %get3A_454, %get3A_51 : vector<16xf32>
    %scan3A_456 = arith.constant 0 : i32
    %scan3A_457 = arith.constant 128 : i32
    %scan3A_458 = arith.addi %scan3A_456, %scan3A_457 : i32
    %scan3A_459 = arith.constant 1 : i32
    scf.for %scan3A_798 = %scan3A_456 to %scan3A_458 step %scan3A_459  : i32 {
      %mul3A_799 = arith.constant 1 : i32
      %mul3A_800 = arith.muli %scan3A_798, %mul3A_799 : i32
      %add3A_801 = arith.constant 0 : i32
      %add3A_802 = arith.addi %add3A_801, %mul3A_800 : i32
      %swap3A = arith.index_cast %add3A_802 : i32 to index
      %swap3A_803 = arith.constant 128 : index
      %swap3A_804 = tpu.vector_load %arg9[%swap3A, %swap3A_803] {strides = array<i32>} : memref<128x256xf32, #tpu.memory_space<vmem>>, vector<1x16xf32>,
      %swap3A_805 = vector.shape_cast %swap3A_804 : vector<1x16xf32> to vector<16xf32>
      %swap3A_806 = vector.shape_cast %add3A_413 : vector<16xf32> to vector<1x16xf32>
      tpu.vector_store %arg9[%swap3A, %swap3A_803], %swap3A_806 {strides = array<i32>} : memref<128x256xf32, #tpu.memory_space<vmem>>, vector<1x16xf32>,
      %swap3A_807 = arith.index_cast %add3A_802 : i32 to index
      %swap3A_808 = arith.constant 144 : index
      %swap3A_809 = tpu.vector_load %arg9[%swap3A_807, %swap3A_808] {strides = array<i32>} : memref<128x256xf32, #tpu.memory_space<vmem>>, vector<1x16xf32>,
      %swap3A_810 = vector.shape_cast %swap3A_809 : vector<1x16xf32> to vector<16xf32>
      %swap3A_811 = vector.shape_cast %add3A_419 : vector<16xf32> to vector<1x16xf32>
      tpu.vector_store %arg9[%swap3A_807, %swap3A_808], %swap3A_811 {strides = array<i32>} : memref<128x256xf32, #tpu.memory_space<vmem>>, vector<1x16xf32>,
      %swap3A_812 = arith.index_cast %add3A_802 : i32 to index
      %swap3A_813 = arith.constant 160 : index
      %swap3A_814 = tpu.vector_load %arg9[%swap3A_812, %swap3A_813] {strides = array<i32>} : memref<128x256xf32, #tpu.memory_space<vmem>>, vector<1x16xf32>,
      %swap3A_815 = vector.shape_cast %swap3A_814 : vector<1x16xf32> to vector<16xf32>
      %swap3A_816 = vector.shape_cast %add3A_425 : vector<16xf32> to vector<1x16xf32>
      tpu.vector_store %arg9[%swap3A_812, %swap3A_813], %swap3A_816 {strides = array<i32>} : memref<128x256xf32, #tpu.memory_space<vmem>>, vector<1x16xf32>,
      %swap3A_817 = arith.index_cast %add3A_802 : i32 to index
      %swap3A_818 = arith.constant 176 : index
      %swap3A_819 = tpu.vector_load %arg9[%swap3A_817, %swap3A_818] {strides = array<i32>} : memref<128x256xf32, #tpu.memory_space<vmem>>, vector<1x16xf32>,
      %swap3A_820 = vector.shape_cast %swap3A_819 : vector<1x16xf32> to vector<16xf32>
      %swap3A_821 = vector.shape_cast %add3A_431 : vector<16xf32> to vector<1x16xf32>
      tpu.vector_store %arg9[%swap3A_817, %swap3A_818], %swap3A_821 {strides = array<i32>} : memref<128x256xf32, #tpu.memory_space<vmem>>, vector<1x16xf32>,
      %swap3A_822 = arith.index_cast %add3A_802 : i32 to index
      %swap3A_823 = arith.constant 192 : index
      %swap3A_824 = tpu.vector_load %arg9[%swap3A_822, %swap3A_823] {strides = array<i32>} : memref<128x256xf32, #tpu.memory_space<vmem>>, vector<1x16xf32>,
      %swap3A_825 = vector.shape_cast %swap3A_824 : vector<1x16xf32> to vector<16xf32>
      %swap3A_826 = vector.shape_cast %add3A_437 : vector<16xf32> to vector<1x16xf32>
      tpu.vector_store %arg9[%swap3A_822, %swap3A_823], %swap3A_826 {strides = array<i32>} : memref<128x256xf32, #tpu.memory_space<vmem>>, vector<1x16xf32>,
      %swap3A_827 = arith.index_cast %add3A_802 : i32 to index
      %swap3A_828 = arith.constant 208 : index
      %swap3A_829 = tpu.vector_load %arg9[%swap3A_827, %swap3A_828] {strides = array<i32>} : memref<128x256xf32, #tpu.memory_space<vmem>>, vector<1x16xf32>,
      %swap3A_830 = vector.shape_cast %swap3A_829 : vector<1x16xf32> to vector<16xf32>
      %swap3A_831 = vector.shape_cast %add3A_443 : vector<16xf32> to vector<1x16xf32>
      tpu.vector_store %arg9[%swap3A_827, %swap3A_828], %swap3A_831 {strides = array<i32>} : memref<128x256xf32, #tpu.memory_space<vmem>>, vector<1x16xf32>,
      %swap3A_832 = arith.index_cast %add3A_802 : i32 to index
      %swap3A_833 = arith.constant 224 : index
      %swap3A_834 = tpu.vector_load %arg9[%swap3A_832, %swap3A_833] {strides = array<i32>} : memref<128x256xf32, #tpu.memory_space<vmem>>, vector<1x16xf32>,
      %swap3A_835 = vector.shape_cast %swap3A_834 : vector<1x16xf32> to vector<16xf32>
      %swap3A_836 = vector.shape_cast %add3A_449 : vector<16xf32> to vector<1x16xf32>
      tpu.vector_store %arg9[%swap3A_832, %swap3A_833], %swap3A_836 {strides = array<i32>} : memref<128x256xf32, #tpu.memory_space<vmem>>, vector<1x16xf32>,
      %swap3A_837 = arith.index_cast %add3A_802 : i32 to index
      %swap3A_838 = arith.constant 240 : index
      %swap3A_839 = tpu.vector_load %arg9[%swap3A_837, %swap3A_838] {strides = array<i32>} : memref<128x256xf32, #tpu.memory_space<vmem>>, vector<1x16xf32>,
      %swap3A_840 = vector.shape_cast %swap3A_839 : vector<1x16xf32> to vector<16xf32>
      %swap3A_841 = vector.shape_cast %add3A_455 : vector<16xf32> to vector<1x16xf32>
      tpu.vector_store %arg9[%swap3A_837, %swap3A_838], %swap3A_841 {strides = array<i32>} : memref<128x256xf32, #tpu.memory_space<vmem>>, vector<1x16xf32>,
    }
    %scan3A_460 = arith.constant 128 : i32
    %add3A_461 = arith.constant 4 : i32
    %add3A_462 = arith.addi %mul3A_2, %add3A_461 : i32
    %dma_start3A_463 = arith.constant 0 : i32
    %dma_start3A_464 = arith.constant 0 : i32
    %dma_start3A_465 = arith.constant 0 : i32
    %dma_start3A_466 = tpu.memref_slice %arg5[%dma_start3A_463, %add3A_462, %dma_start3A_464, %dma_start3A_465] : memref<2x128x128x256xf32, #tpu.memory_space<hbm>> -> memref<1x1x128x256xf32, #tpu.memory_space<hbm>>
    %dma_start3A_467 = tpu.memref_squeeze %dma_start3A_466 : memref<1x1x128x256xf32, #tpu.memory_space<hbm>> -> memref<128x256xf32, #tpu.memory_space<hbm>>
    %dma_start3A_468 = arith.constant 0 : i32
    %dma_start3A_469 = arith.constant 0 : i32
    %dma_start3A_470 = tpu.memref_slice %arg5[%dma_start3A_463, %add3A_462, %dma_start3A_468, %dma_start3A_469] : memref<2x128x128x256xf32, #tpu.memory_space<hbm>> -> memref<1x1x128x256xf32, #tpu.memory_space<hbm>>
    %dma_start3A_471 = tpu.memref_squeeze %dma_start3A_470 : memref<1x1x128x256xf32, #tpu.memory_space<hbm>> -> memref<128x256xf32, #tpu.memory_space<hbm>>
    tpu.enqueue_dma source(%arg9 : memref<128x256xf32, #tpu.memory_space<vmem>>) target(%dma_start3A_471 : memref<128x256xf32, #tpu.memory_space<hbm>>) target_semaphore(%arg11 : memref<!tpu.dma_semaphore, #tpu.memory_space<semaphore_mem>>)
    %add3A_472 = arith.constant 4 : i32
    %add3A_473 = arith.addi %mul3A_2, %add3A_472 : i32
    %dma_start3A_474 = arith.constant 1 : i32
    %dma_start3A_475 = arith.constant 0 : i32
    %dma_start3A_476 = arith.constant 0 : i32
    %dma_start3A_477 = tpu.memref_slice %arg5[%dma_start3A_474, %add3A_473, %dma_start3A_475, %dma_start3A_476] : memref<2x128x128x256xf32, #tpu.memory_space<hbm>> -> memref<1x1x128x256xf32, #tpu.memory_space<hbm>>
    %dma_start3A_478 = tpu.memref_squeeze %dma_start3A_477 : memref<1x1x128x256xf32, #tpu.memory_space<hbm>> -> memref<128x256xf32, #tpu.memory_space<hbm>>
    %dma_start3A_479 = arith.constant 0 : i32
    %dma_start3A_480 = arith.constant 0 : i32
    %dma_start3A_481 = tpu.memref_slice %arg5[%dma_start3A_474, %add3A_473, %dma_start3A_479, %dma_start3A_480] : memref<2x128x128x256xf32, #tpu.memory_space<hbm>> -> memref<1x1x128x256xf32, #tpu.memory_space<hbm>>
    %dma_start3A_482 = tpu.memref_squeeze %dma_start3A_481 : memref<1x1x128x256xf32, #tpu.memory_space<hbm>> -> memref<128x256xf32, #tpu.memory_space<hbm>>
    tpu.enqueue_dma source(%arg9 : memref<128x256xf32, #tpu.memory_space<vmem>>) target(%dma_start3A_482 : memref<128x256xf32, #tpu.memory_space<hbm>>) target_semaphore(%arg11 : memref<!tpu.dma_semaphore, #tpu.memory_space<semaphore_mem>>)
    %dma_wait3A_483 = arith.constant 0 : i32
    %dma_wait3A_484 = arith.constant 0 : i32
    %dma_wait3A_485 = arith.constant 0 : i32
    %dma_wait3A_486 = tpu.memref_slice %arg5[%dma_wait3A_483, %add3A_369, %dma_wait3A_484, %dma_wait3A_485] : memref<2x128x128x256xf32, #tpu.memory_space<hbm>> -> memref<1x1x128x256xf32, #tpu.memory_space<hbm>>
    %dma_wait3A_487 = tpu.memref_squeeze %dma_wait3A_486 : memref<1x1x128x256xf32, #tpu.memory_space<hbm>> -> memref<128x256xf32, #tpu.memory_space<hbm>>
    %dma_wait3A_488 = arith.constant 0 : i32
    %dma_wait3A_489 = arith.constant 0 : i32
    %dma_wait3A_490 = tpu.memref_slice %arg5[%dma_wait3A_483, %add3A_369, %dma_wait3A_488, %dma_wait3A_489] : memref<2x128x128x256xf32, #tpu.memory_space<hbm>> -> memref<1x1x128x256xf32, #tpu.memory_space<hbm>>
    %dma_wait3A_491 = tpu.memref_squeeze %dma_wait3A_490 : memref<1x1x128x256xf32, #tpu.memory_space<hbm>> -> memref<128x256xf32, #tpu.memory_space<hbm>>
    tpu.wait_dma2 semaphore(%arg12 : memref<!tpu.dma_semaphore, #tpu.memory_space<semaphore_mem>>) src(%arg10 : memref<128x256xf32, #tpu.memory_space<vmem>>) dst(%dma_wait3A_491 : memref<128x256xf32, #tpu.memory_space<hbm>>)
    %dma_wait3A_492 = arith.constant 1 : i32
    %dma_wait3A_493 = arith.constant 0 : i32
    %dma_wait3A_494 = arith.constant 0 : i32
    %dma_wait3A_495 = tpu.memref_slice %arg5[%dma_wait3A_492, %add3A_380, %dma_wait3A_493, %dma_wait3A_494] : memref<2x128x128x256xf32, #tpu.memory_space<hbm>> -> memref<1x1x128x256xf32, #tpu.memory_space<hbm>>
    %dma_wait3A_496 = tpu.memref_squeeze %dma_wait3A_495 : memref<1x1x128x256xf32, #tpu.memory_space<hbm>> -> memref<128x256xf32, #tpu.memory_space<hbm>>
    %dma_wait3A_497 = arith.constant 0 : i32
    %dma_wait3A_498 = arith.constant 0 : i32
    %dma_wait3A_499 = tpu.memref_slice %arg5[%dma_wait3A_492, %add3A_380, %dma_wait3A_497, %dma_wait3A_498] : memref<2x128x128x256xf32, #tpu.memory_space<hbm>> -> memref<1x1x128x256xf32, #tpu.memory_space<hbm>>
    %dma_wait3A_500 = tpu.memref_squeeze %dma_wait3A_499 : memref<1x1x128x256xf32, #tpu.memory_space<hbm>> -> memref<128x256xf32, #tpu.memory_space<hbm>>
    tpu.wait_dma2 semaphore(%arg12 : memref<!tpu.dma_semaphore, #tpu.memory_space<semaphore_mem>>) src(%arg10 : memref<128x256xf32, #tpu.memory_space<vmem>>) dst(%dma_wait3A_500 : memref<128x256xf32, #tpu.memory_space<hbm>>)
    %get3A_501 = arith.constant 5 : i32
    %get3A_502 = arith.index_cast %get3A_501 : i32 to index
    %get3A_503 = arith.constant 0 : index
    %get3A_504 = tpu.vector_load %arg7[%get3A_502, %get3A_503] {strides = array<i32>} : memref<8x128xf32, #tpu.memory_space<vmem>>, vector<1x16xf32>,
    %get3A_505 = vector.shape_cast %get3A_504 : vector<1x16xf32> to vector<16xf32>
    %add3A_506 = arith.addf %get3A_505, %get3A_30 : vector<16xf32>
    %get3A_507 = arith.constant 5 : i32
    %get3A_508 = arith.index_cast %get3A_507 : i32 to index
    %get3A_509 = arith.constant 16 : index
    %get3A_510 = tpu.vector_load %arg7[%get3A_508, %get3A_509] {strides = array<i32>} : memref<8x128xf32, #tpu.memory_space<vmem>>, vector<1x16xf32>,
    %get3A_511 = vector.shape_cast %get3A_510 : vector<1x16xf32> to vector<16xf32>
    %add3A_512 = arith.addf %get3A_511, %get3A_33 : vector<16xf32>
    %get3A_513 = arith.constant 5 : i32
    %get3A_514 = arith.index_cast %get3A_513 : i32 to index
    %get3A_515 = arith.constant 32 : index
    %get3A_516 = tpu.vector_load %arg7[%get3A_514, %get3A_515] {strides = array<i32>} : memref<8x128xf32, #tpu.memory_space<vmem>>, vector<1x16xf32>,
    %get3A_517 = vector.shape_cast %get3A_516 : vector<1x16xf32> to vector<16xf32>
    %add3A_518 = arith.addf %get3A_517, %get3A_36 : vector<16xf32>
    %get3A_519 = arith.constant 5 : i32
    %get3A_520 = arith.index_cast %get3A_519 : i32 to index
    %get3A_521 = arith.constant 48 : index
    %get3A_522 = tpu.vector_load %arg7[%get3A_520, %get3A_521] {strides = array<i32>} : memref<8x128xf32, #tpu.memory_space<vmem>>, vector<1x16xf32>,
    %get3A_523 = vector.shape_cast %get3A_522 : vector<1x16xf32> to vector<16xf32>
    %add3A_524 = arith.addf %get3A_523, %get3A_39 : vector<16xf32>
    %get3A_525 = arith.constant 5 : i32
    %get3A_526 = arith.index_cast %get3A_525 : i32 to index
    %get3A_527 = arith.constant 64 : index
    %get3A_528 = tpu.vector_load %arg7[%get3A_526, %get3A_527] {strides = array<i32>} : memref<8x128xf32, #tpu.memory_space<vmem>>, vector<1x16xf32>,
    %get3A_529 = vector.shape_cast %get3A_528 : vector<1x16xf32> to vector<16xf32>
    %add3A_530 = arith.addf %get3A_529, %get3A_42 : vector<16xf32>
    %get3A_531 = arith.constant 5 : i32
    %get3A_532 = arith.index_cast %get3A_531 : i32 to index
    %get3A_533 = arith.constant 80 : index
    %get3A_534 = tpu.vector_load %arg7[%get3A_532, %get3A_533] {strides = array<i32>} : memref<8x128xf32, #tpu.memory_space<vmem>>, vector<1x16xf32>,
    %get3A_535 = vector.shape_cast %get3A_534 : vector<1x16xf32> to vector<16xf32>
    %add3A_536 = arith.addf %get3A_535, %get3A_45 : vector<16xf32>
    %get3A_537 = arith.constant 5 : i32
    %get3A_538 = arith.index_cast %get3A_537 : i32 to index
    %get3A_539 = arith.constant 96 : index
    %get3A_540 = tpu.vector_load %arg7[%get3A_538, %get3A_539] {strides = array<i32>} : memref<8x128xf32, #tpu.memory_space<vmem>>, vector<1x16xf32>,
    %get3A_541 = vector.shape_cast %get3A_540 : vector<1x16xf32> to vector<16xf32>
    %add3A_542 = arith.addf %get3A_541, %get3A_48 : vector<16xf32>
    %get3A_543 = arith.constant 5 : i32
    %get3A_544 = arith.index_cast %get3A_543 : i32 to index
    %get3A_545 = arith.constant 112 : index
    %get3A_546 = tpu.vector_load %arg7[%get3A_544, %get3A_545] {strides = array<i32>} : memref<8x128xf32, #tpu.memory_space<vmem>>, vector<1x16xf32>,
    %get3A_547 = vector.shape_cast %get3A_546 : vector<1x16xf32> to vector<16xf32>
    %add3A_548 = arith.addf %get3A_547, %get3A_51 : vector<16xf32>
    %scan3A_549 = arith.constant 0 : i32
    %scan3A_550 = arith.constant 128 : i32
    %scan3A_551 = arith.addi %scan3A_549, %scan3A_550 : i32
    %scan3A_552 = arith.constant 1 : i32
    scf.for %scan3A_798 = %scan3A_549 to %scan3A_551 step %scan3A_552  : i32 {
      %mul3A_799 = arith.constant 1 : i32
      %mul3A_800 = arith.muli %scan3A_798, %mul3A_799 : i32
      %add3A_801 = arith.constant 0 : i32
      %add3A_802 = arith.addi %add3A_801, %mul3A_800 : i32
      %swap3A = arith.index_cast %add3A_802 : i32 to index
      %swap3A_803 = arith.constant 128 : index
      %swap3A_804 = tpu.vector_load %arg10[%swap3A, %swap3A_803] {strides = array<i32>} : memref<128x256xf32, #tpu.memory_space<vmem>>, vector<1x16xf32>,
      %swap3A_805 = vector.shape_cast %swap3A_804 : vector<1x16xf32> to vector<16xf32>
      %swap3A_806 = vector.shape_cast %add3A_506 : vector<16xf32> to vector<1x16xf32>
      tpu.vector_store %arg10[%swap3A, %swap3A_803], %swap3A_806 {strides = array<i32>} : memref<128x256xf32, #tpu.memory_space<vmem>>, vector<1x16xf32>,
      %swap3A_807 = arith.index_cast %add3A_802 : i32 to index
      %swap3A_808 = arith.constant 144 : index
      %swap3A_809 = tpu.vector_load %arg10[%swap3A_807, %swap3A_808] {strides = array<i32>} : memref<128x256xf32, #tpu.memory_space<vmem>>, vector<1x16xf32>,
      %swap3A_810 = vector.shape_cast %swap3A_809 : vector<1x16xf32> to vector<16xf32>
      %swap3A_811 = vector.shape_cast %add3A_512 : vector<16xf32> to vector<1x16xf32>
      tpu.vector_store %arg10[%swap3A_807, %swap3A_808], %swap3A_811 {strides = array<i32>} : memref<128x256xf32, #tpu.memory_space<vmem>>, vector<1x16xf32>,
      %swap3A_812 = arith.index_cast %add3A_802 : i32 to index
      %swap3A_813 = arith.constant 160 : index
      %swap3A_814 = tpu.vector_load %arg10[%swap3A_812, %swap3A_813] {strides = array<i32>} : memref<128x256xf32, #tpu.memory_space<vmem>>, vector<1x16xf32>,
      %swap3A_815 = vector.shape_cast %swap3A_814 : vector<1x16xf32> to vector<16xf32>
      %swap3A_816 = vector.shape_cast %add3A_518 : vector<16xf32> to vector<1x16xf32>
      tpu.vector_store %arg10[%swap3A_812, %swap3A_813], %swap3A_816 {strides = array<i32>} : memref<128x256xf32, #tpu.memory_space<vmem>>, vector<1x16xf32>,
      %swap3A_817 = arith.index_cast %add3A_802 : i32 to index
      %swap3A_818 = arith.constant 176 : index
      %swap3A_819 = tpu.vector_load %arg10[%swap3A_817, %swap3A_818] {strides = array<i32>} : memref<128x256xf32, #tpu.memory_space<vmem>>, vector<1x16xf32>,
      %swap3A_820 = vector.shape_cast %swap3A_819 : vector<1x16xf32> to vector<16xf32>
      %swap3A_821 = vector.shape_cast %add3A_524 : vector<16xf32> to vector<1x16xf32>
      tpu.vector_store %arg10[%swap3A_817, %swap3A_818], %swap3A_821 {strides = array<i32>} : memref<128x256xf32, #tpu.memory_space<vmem>>, vector<1x16xf32>,
      %swap3A_822 = arith.index_cast %add3A_802 : i32 to index
      %swap3A_823 = arith.constant 192 : index
      %swap3A_824 = tpu.vector_load %arg10[%swap3A_822, %swap3A_823] {strides = array<i32>} : memref<128x256xf32, #tpu.memory_space<vmem>>, vector<1x16xf32>,
      %swap3A_825 = vector.shape_cast %swap3A_824 : vector<1x16xf32> to vector<16xf32>
      %swap3A_826 = vector.shape_cast %add3A_530 : vector<16xf32> to vector<1x16xf32>
      tpu.vector_store %arg10[%swap3A_822, %swap3A_823], %swap3A_826 {strides = array<i32>} : memref<128x256xf32, #tpu.memory_space<vmem>>, vector<1x16xf32>,
      %swap3A_827 = arith.index_cast %add3A_802 : i32 to index
      %swap3A_828 = arith.constant 208 : index
      %swap3A_829 = tpu.vector_load %arg10[%swap3A_827, %swap3A_828] {strides = array<i32>} : memref<128x256xf32, #tpu.memory_space<vmem>>, vector<1x16xf32>,
      %swap3A_830 = vector.shape_cast %swap3A_829 : vector<1x16xf32> to vector<16xf32>
      %swap3A_831 = vector.shape_cast %add3A_536 : vector<16xf32> to vector<1x16xf32>
      tpu.vector_store %arg10[%swap3A_827, %swap3A_828], %swap3A_831 {strides = array<i32>} : memref<128x256xf32, #tpu.memory_space<vmem>>, vector<1x16xf32>,
      %swap3A_832 = arith.index_cast %add3A_802 : i32 to index
      %swap3A_833 = arith.constant 224 : index
      %swap3A_834 = tpu.vector_load %arg10[%swap3A_832, %swap3A_833] {strides = array<i32>} : memref<128x256xf32, #tpu.memory_space<vmem>>, vector<1x16xf32>,
      %swap3A_835 = vector.shape_cast %swap3A_834 : vector<1x16xf32> to vector<16xf32>
      %swap3A_836 = vector.shape_cast %add3A_542 : vector<16xf32> to vector<1x16xf32>
      tpu.vector_store %arg10[%swap3A_832, %swap3A_833], %swap3A_836 {strides = array<i32>} : memref<128x256xf32, #tpu.memory_space<vmem>>, vector<1x16xf32>,
      %swap3A_837 = arith.index_cast %add3A_802 : i32 to index
      %swap3A_838 = arith.constant 240 : index
      %swap3A_839 = tpu.vector_load %arg10[%swap3A_837, %swap3A_838] {strides = array<i32>} : memref<128x256xf32, #tpu.memory_space<vmem>>, vector<1x16xf32>,
      %swap3A_840 = vector.shape_cast %swap3A_839 : vector<1x16xf32> to vector<16xf32>
      %swap3A_841 = vector.shape_cast %add3A_548 : vector<16xf32> to vector<1x16xf32>
      tpu.vector_store %arg10[%swap3A_837, %swap3A_838], %swap3A_841 {strides = array<i32>} : memref<128x256xf32, #tpu.memory_space<vmem>>, vector<1x16xf32>,
    }
    %scan3A_553 = arith.constant 128 : i32
    %add3A_554 = arith.constant 5 : i32
    %add3A_555 = arith.addi %mul3A_2, %add3A_554 : i32
    %dma_start3A_556 = arith.constant 0 : i32
    %dma_start3A_557 = arith.constant 0 : i32
    %dma_start3A_558 = arith.constant 0 : i32
    %dma_start3A_559 = tpu.memref_slice %arg5[%dma_start3A_556, %add3A_555, %dma_start3A_557, %dma_start3A_558] : memref<2x128x128x256xf32, #tpu.memory_space<hbm>> -> memref<1x1x128x256xf32, #tpu.memory_space<hbm>>
    %dma_start3A_560 = tpu.memref_squeeze %dma_start3A_559 : memref<1x1x128x256xf32, #tpu.memory_space<hbm>> -> memref<128x256xf32, #tpu.memory_space<hbm>>
    %dma_start3A_561 = arith.constant 0 : i32
    %dma_start3A_562 = arith.constant 0 : i32
    %dma_start3A_563 = tpu.memref_slice %arg5[%dma_start3A_556, %add3A_555, %dma_start3A_561, %dma_start3A_562] : memref<2x128x128x256xf32, #tpu.memory_space<hbm>> -> memref<1x1x128x256xf32, #tpu.memory_space<hbm>>
    %dma_start3A_564 = tpu.memref_squeeze %dma_start3A_563 : memref<1x1x128x256xf32, #tpu.memory_space<hbm>> -> memref<128x256xf32, #tpu.memory_space<hbm>>
    tpu.enqueue_dma source(%arg10 : memref<128x256xf32, #tpu.memory_space<vmem>>) target(%dma_start3A_564 : memref<128x256xf32, #tpu.memory_space<hbm>>) target_semaphore(%arg12 : memref<!tpu.dma_semaphore, #tpu.memory_space<semaphore_mem>>)
    %add3A_565 = arith.constant 5 : i32
    %add3A_566 = arith.addi %mul3A_2, %add3A_565 : i32
    %dma_start3A_567 = arith.constant 1 : i32
    %dma_start3A_568 = arith.constant 0 : i32
    %dma_start3A_569 = arith.constant 0 : i32
    %dma_start3A_570 = tpu.memref_slice %arg5[%dma_start3A_567, %add3A_566, %dma_start3A_568, %dma_start3A_569] : memref<2x128x128x256xf32, #tpu.memory_space<hbm>> -> memref<1x1x128x256xf32, #tpu.memory_space<hbm>>
    %dma_start3A_571 = tpu.memref_squeeze %dma_start3A_570 : memref<1x1x128x256xf32, #tpu.memory_space<hbm>> -> memref<128x256xf32, #tpu.memory_space<hbm>>
    %dma_start3A_572 = arith.constant 0 : i32
    %dma_start3A_573 = arith.constant 0 : i32
    %dma_start3A_574 = tpu.memref_slice %arg5[%dma_start3A_567, %add3A_566, %dma_start3A_572, %dma_start3A_573] : memref<2x128x128x256xf32, #tpu.memory_space<hbm>> -> memref<1x1x128x256xf32, #tpu.memory_space<hbm>>
    %dma_start3A_575 = tpu.memref_squeeze %dma_start3A_574 : memref<1x1x128x256xf32, #tpu.memory_space<hbm>> -> memref<128x256xf32, #tpu.memory_space<hbm>>
    tpu.enqueue_dma source(%arg10 : memref<128x256xf32, #tpu.memory_space<vmem>>) target(%dma_start3A_575 : memref<128x256xf32, #tpu.memory_space<hbm>>) target_semaphore(%arg12 : memref<!tpu.dma_semaphore, #tpu.memory_space<semaphore_mem>>)
    %dma_wait3A_576 = arith.constant 0 : i32
    %dma_wait3A_577 = arith.constant 0 : i32
    %dma_wait3A_578 = arith.constant 0 : i32
    %dma_wait3A_579 = tpu.memref_slice %arg5[%dma_wait3A_576, %add3A_462, %dma_wait3A_577, %dma_wait3A_578] : memref<2x128x128x256xf32, #tpu.memory_space<hbm>> -> memref<1x1x128x256xf32, #tpu.memory_space<hbm>>
    %dma_wait3A_580 = tpu.memref_squeeze %dma_wait3A_579 : memref<1x1x128x256xf32, #tpu.memory_space<hbm>> -> memref<128x256xf32, #tpu.memory_space<hbm>>
    %dma_wait3A_581 = arith.constant 0 : i32
    %dma_wait3A_582 = arith.constant 0 : i32
    %dma_wait3A_583 = tpu.memref_slice %arg5[%dma_wait3A_576, %add3A_462, %dma_wait3A_581, %dma_wait3A_582] : memref<2x128x128x256xf32, #tpu.memory_space<hbm>> -> memref<1x1x128x256xf32, #tpu.memory_space<hbm>>
    %dma_wait3A_584 = tpu.memref_squeeze %dma_wait3A_583 : memref<1x1x128x256xf32, #tpu.memory_space<hbm>> -> memref<128x256xf32, #tpu.memory_space<hbm>>
    tpu.wait_dma2 semaphore(%arg11 : memref<!tpu.dma_semaphore, #tpu.memory_space<semaphore_mem>>) src(%arg9 : memref<128x256xf32, #tpu.memory_space<vmem>>) dst(%dma_wait3A_584 : memref<128x256xf32, #tpu.memory_space<hbm>>)
    %dma_wait3A_585 = arith.constant 1 : i32
    %dma_wait3A_586 = arith.constant 0 : i32
    %dma_wait3A_587 = arith.constant 0 : i32
    %dma_wait3A_588 = tpu.memref_slice %arg5[%dma_wait3A_585, %add3A_473, %dma_wait3A_586, %dma_wait3A_587] : memref<2x128x128x256xf32, #tpu.memory_space<hbm>> -> memref<1x1x128x256xf32, #tpu.memory_space<hbm>>
    %dma_wait3A_589 = tpu.memref_squeeze %dma_wait3A_588 : memref<1x1x128x256xf32, #tpu.memory_space<hbm>> -> memref<128x256xf32, #tpu.memory_space<hbm>>
    %dma_wait3A_590 = arith.constant 0 : i32
    %dma_wait3A_591 = arith.constant 0 : i32
    %dma_wait3A_592 = tpu.memref_slice %arg5[%dma_wait3A_585, %add3A_473, %dma_wait3A_590, %dma_wait3A_591] : memref<2x128x128x256xf32, #tpu.memory_space<hbm>> -> memref<1x1x128x256xf32, #tpu.memory_space<hbm>>
    %dma_wait3A_593 = tpu.memref_squeeze %dma_wait3A_592 : memref<1x1x128x256xf32, #tpu.memory_space<hbm>> -> memref<128x256xf32, #tpu.memory_space<hbm>>
    tpu.wait_dma2 semaphore(%arg11 : memref<!tpu.dma_semaphore, #tpu.memory_space<semaphore_mem>>) src(%arg9 : memref<128x256xf32, #tpu.memory_space<vmem>>) dst(%dma_wait3A_593 : memref<128x256xf32, #tpu.memory_space<hbm>>)
    %get3A_594 = arith.constant 6 : i32
    %get3A_595 = arith.index_cast %get3A_594 : i32 to index
    %get3A_596 = arith.constant 0 : index
    %get3A_597 = tpu.vector_load %arg7[%get3A_595, %get3A_596] {strides = array<i32>} : memref<8x128xf32, #tpu.memory_space<vmem>>, vector<1x16xf32>,
    %get3A_598 = vector.shape_cast %get3A_597 : vector<1x16xf32> to vector<16xf32>
    %add3A_599 = arith.addf %get3A_598, %get3A_30 : vector<16xf32>
    %get3A_600 = arith.constant 6 : i32
    %get3A_601 = arith.index_cast %get3A_600 : i32 to index
    %get3A_602 = arith.constant 16 : index
    %get3A_603 = tpu.vector_load %arg7[%get3A_601, %get3A_602] {strides = array<i32>} : memref<8x128xf32, #tpu.memory_space<vmem>>, vector<1x16xf32>,
    %get3A_604 = vector.shape_cast %get3A_603 : vector<1x16xf32> to vector<16xf32>
    %add3A_605 = arith.addf %get3A_604, %get3A_33 : vector<16xf32>
    %get3A_606 = arith.constant 6 : i32
    %get3A_607 = arith.index_cast %get3A_606 : i32 to index
    %get3A_608 = arith.constant 32 : index
    %get3A_609 = tpu.vector_load %arg7[%get3A_607, %get3A_608] {strides = array<i32>} : memref<8x128xf32, #tpu.memory_space<vmem>>, vector<1x16xf32>,
    %get3A_610 = vector.shape_cast %get3A_609 : vector<1x16xf32> to vector<16xf32>
    %add3A_611 = arith.addf %get3A_610, %get3A_36 : vector<16xf32>
    %get3A_612 = arith.constant 6 : i32
    %get3A_613 = arith.index_cast %get3A_612 : i32 to index
    %get3A_614 = arith.constant 48 : index
    %get3A_615 = tpu.vector_load %arg7[%get3A_613, %get3A_614] {strides = array<i32>} : memref<8x128xf32, #tpu.memory_space<vmem>>, vector<1x16xf32>,
    %get3A_616 = vector.shape_cast %get3A_615 : vector<1x16xf32> to vector<16xf32>
    %add3A_617 = arith.addf %get3A_616, %get3A_39 : vector<16xf32>
    %get3A_618 = arith.constant 6 : i32
    %get3A_619 = arith.index_cast %get3A_618 : i32 to index
    %get3A_620 = arith.constant 64 : index
    %get3A_621 = tpu.vector_load %arg7[%get3A_619, %get3A_620] {strides = array<i32>} : memref<8x128xf32, #tpu.memory_space<vmem>>, vector<1x16xf32>,
    %get3A_622 = vector.shape_cast %get3A_621 : vector<1x16xf32> to vector<16xf32>
    %add3A_623 = arith.addf %get3A_622, %get3A_42 : vector<16xf32>
    %get3A_624 = arith.constant 6 : i32
    %get3A_625 = arith.index_cast %get3A_624 : i32 to index
    %get3A_626 = arith.constant 80 : index
    %get3A_627 = tpu.vector_load %arg7[%get3A_625, %get3A_626] {strides = array<i32>} : memref<8x128xf32, #tpu.memory_space<vmem>>, vector<1x16xf32>,
    %get3A_628 = vector.shape_cast %get3A_627 : vector<1x16xf32> to vector<16xf32>
    %add3A_629 = arith.addf %get3A_628, %get3A_45 : vector<16xf32>
    %get3A_630 = arith.constant 6 : i32
    %get3A_631 = arith.index_cast %get3A_630 : i32 to index
    %get3A_632 = arith.constant 96 : index
    %get3A_633 = tpu.vector_load %arg7[%get3A_631, %get3A_632] {strides = array<i32>} : memref<8x128xf32, #tpu.memory_space<vmem>>, vector<1x16xf32>,
    %get3A_634 = vector.shape_cast %get3A_633 : vector<1x16xf32> to vector<16xf32>
    %add3A_635 = arith.addf %get3A_634, %get3A_48 : vector<16xf32>
    %get3A_636 = arith.constant 6 : i32
    %get3A_637 = arith.index_cast %get3A_636 : i32 to index
    %get3A_638 = arith.constant 112 : index
    %get3A_639 = tpu.vector_load %arg7[%get3A_637, %get3A_638] {strides = array<i32>} : memref<8x128xf32, #tpu.memory_space<vmem>>, vector<1x16xf32>,
    %get3A_640 = vector.shape_cast %get3A_639 : vector<1x16xf32> to vector<16xf32>
    %add3A_641 = arith.addf %get3A_640, %get3A_51 : vector<16xf32>
    %scan3A_642 = arith.constant 0 : i32
    %scan3A_643 = arith.constant 128 : i32
    %scan3A_644 = arith.addi %scan3A_642, %scan3A_643 : i32
    %scan3A_645 = arith.constant 1 : i32
    scf.for %scan3A_798 = %scan3A_642 to %scan3A_644 step %scan3A_645  : i32 {
      %mul3A_799 = arith.constant 1 : i32
      %mul3A_800 = arith.muli %scan3A_798, %mul3A_799 : i32
      %add3A_801 = arith.constant 0 : i32
      %add3A_802 = arith.addi %add3A_801, %mul3A_800 : i32
      %swap3A = arith.index_cast %add3A_802 : i32 to index
      %swap3A_803 = arith.constant 128 : index
      %swap3A_804 = tpu.vector_load %arg9[%swap3A, %swap3A_803] {strides = array<i32>} : memref<128x256xf32, #tpu.memory_space<vmem>>, vector<1x16xf32>,
      %swap3A_805 = vector.shape_cast %swap3A_804 : vector<1x16xf32> to vector<16xf32>
      %swap3A_806 = vector.shape_cast %add3A_599 : vector<16xf32> to vector<1x16xf32>
      tpu.vector_store %arg9[%swap3A, %swap3A_803], %swap3A_806 {strides = array<i32>} : memref<128x256xf32, #tpu.memory_space<vmem>>, vector<1x16xf32>,
      %swap3A_807 = arith.index_cast %add3A_802 : i32 to index
      %swap3A_808 = arith.constant 144 : index
      %swap3A_809 = tpu.vector_load %arg9[%swap3A_807, %swap3A_808] {strides = array<i32>} : memref<128x256xf32, #tpu.memory_space<vmem>>, vector<1x16xf32>,
      %swap3A_810 = vector.shape_cast %swap3A_809 : vector<1x16xf32> to vector<16xf32>
      %swap3A_811 = vector.shape_cast %add3A_605 : vector<16xf32> to vector<1x16xf32>
      tpu.vector_store %arg9[%swap3A_807, %swap3A_808], %swap3A_811 {strides = array<i32>} : memref<128x256xf32, #tpu.memory_space<vmem>>, vector<1x16xf32>,
      %swap3A_812 = arith.index_cast %add3A_802 : i32 to index
      %swap3A_813 = arith.constant 160 : index
      %swap3A_814 = tpu.vector_load %arg9[%swap3A_812, %swap3A_813] {strides = array<i32>} : memref<128x256xf32, #tpu.memory_space<vmem>>, vector<1x16xf32>,
      %swap3A_815 = vector.shape_cast %swap3A_814 : vector<1x16xf32> to vector<16xf32>
      %swap3A_816 = vector.shape_cast %add3A_611 : vector<16xf32> to vector<1x16xf32>
      tpu.vector_store %arg9[%swap3A_812, %swap3A_813], %swap3A_816 {strides = array<i32>} : memref<128x256xf32, #tpu.memory_space<vmem>>, vector<1x16xf32>,
      %swap3A_817 = arith.index_cast %add3A_802 : i32 to index
      %swap3A_818 = arith.constant 176 : index
      %swap3A_819 = tpu.vector_load %arg9[%swap3A_817, %swap3A_818] {strides = array<i32>} : memref<128x256xf32, #tpu.memory_space<vmem>>, vector<1x16xf32>,
      %swap3A_820 = vector.shape_cast %swap3A_819 : vector<1x16xf32> to vector<16xf32>
      %swap3A_821 = vector.shape_cast %add3A_617 : vector<16xf32> to vector<1x16xf32>
      tpu.vector_store %arg9[%swap3A_817, %swap3A_818], %swap3A_821 {strides = array<i32>} : memref<128x256xf32, #tpu.memory_space<vmem>>, vector<1x16xf32>,
      %swap3A_822 = arith.index_cast %add3A_802 : i32 to index
      %swap3A_823 = arith.constant 192 : index
      %swap3A_824 = tpu.vector_load %arg9[%swap3A_822, %swap3A_823] {strides = array<i32>} : memref<128x256xf32, #tpu.memory_space<vmem>>, vector<1x16xf32>,
      %swap3A_825 = vector.shape_cast %swap3A_824 : vector<1x16xf32> to vector<16xf32>
      %swap3A_826 = vector.shape_cast %add3A_623 : vector<16xf32> to vector<1x16xf32>
      tpu.vector_store %arg9[%swap3A_822, %swap3A_823], %swap3A_826 {strides = array<i32>} : memref<128x256xf32, #tpu.memory_space<vmem>>, vector<1x16xf32>,
      %swap3A_827 = arith.index_cast %add3A_802 : i32 to index
      %swap3A_828 = arith.constant 208 : index
      %swap3A_829 = tpu.vector_load %arg9[%swap3A_827, %swap3A_828] {strides = array<i32>} : memref<128x256xf32, #tpu.memory_space<vmem>>, vector<1x16xf32>,
      %swap3A_830 = vector.shape_cast %swap3A_829 : vector<1x16xf32> to vector<16xf32>
      %swap3A_831 = vector.shape_cast %add3A_629 : vector<16xf32> to vector<1x16xf32>
      tpu.vector_store %arg9[%swap3A_827, %swap3A_828], %swap3A_831 {strides = array<i32>} : memref<128x256xf32, #tpu.memory_space<vmem>>, vector<1x16xf32>,
      %swap3A_832 = arith.index_cast %add3A_802 : i32 to index
      %swap3A_833 = arith.constant 224 : index
      %swap3A_834 = tpu.vector_load %arg9[%swap3A_832, %swap3A_833] {strides = array<i32>} : memref<128x256xf32, #tpu.memory_space<vmem>>, vector<1x16xf32>,
      %swap3A_835 = vector.shape_cast %swap3A_834 : vector<1x16xf32> to vector<16xf32>
      %swap3A_836 = vector.shape_cast %add3A_635 : vector<16xf32> to vector<1x16xf32>
      tpu.vector_store %arg9[%swap3A_832, %swap3A_833], %swap3A_836 {strides = array<i32>} : memref<128x256xf32, #tpu.memory_space<vmem>>, vector<1x16xf32>,
      %swap3A_837 = arith.index_cast %add3A_802 : i32 to index
      %swap3A_838 = arith.constant 240 : index
      %swap3A_839 = tpu.vector_load %arg9[%swap3A_837, %swap3A_838] {strides = array<i32>} : memref<128x256xf32, #tpu.memory_space<vmem>>, vector<1x16xf32>,
      %swap3A_840 = vector.shape_cast %swap3A_839 : vector<1x16xf32> to vector<16xf32>
      %swap3A_841 = vector.shape_cast %add3A_641 : vector<16xf32> to vector<1x16xf32>
      tpu.vector_store %arg9[%swap3A_837, %swap3A_838], %swap3A_841 {strides = array<i32>} : memref<128x256xf32, #tpu.memory_space<vmem>>, vector<1x16xf32>,
    }
    %scan3A_646 = arith.constant 128 : i32
    %add3A_647 = arith.constant 6 : i32
    %add3A_648 = arith.addi %mul3A_2, %add3A_647 : i32
    %dma_start3A_649 = arith.constant 0 : i32
    %dma_start3A_650 = arith.constant 0 : i32
    %dma_start3A_651 = arith.constant 0 : i32
    %dma_start3A_652 = tpu.memref_slice %arg5[%dma_start3A_649, %add3A_648, %dma_start3A_650, %dma_start3A_651] : memref<2x128x128x256xf32, #tpu.memory_space<hbm>> -> memref<1x1x128x256xf32, #tpu.memory_space<hbm>>
    %dma_start3A_653 = tpu.memref_squeeze %dma_start3A_652 : memref<1x1x128x256xf32, #tpu.memory_space<hbm>> -> memref<128x256xf32, #tpu.memory_space<hbm>>
    %dma_start3A_654 = arith.constant 0 : i32
    %dma_start3A_655 = arith.constant 0 : i32
    %dma_start3A_656 = tpu.memref_slice %arg5[%dma_start3A_649, %add3A_648, %dma_start3A_654, %dma_start3A_655] : memref<2x128x128x256xf32, #tpu.memory_space<hbm>> -> memref<1x1x128x256xf32, #tpu.memory_space<hbm>>
    %dma_start3A_657 = tpu.memref_squeeze %dma_start3A_656 : memref<1x1x128x256xf32, #tpu.memory_space<hbm>> -> memref<128x256xf32, #tpu.memory_space<hbm>>
    tpu.enqueue_dma source(%arg9 : memref<128x256xf32, #tpu.memory_space<vmem>>) target(%dma_start3A_657 : memref<128x256xf32, #tpu.memory_space<hbm>>) target_semaphore(%arg11 : memref<!tpu.dma_semaphore, #tpu.memory_space<semaphore_mem>>)
    %add3A_658 = arith.constant 6 : i32
    %add3A_659 = arith.addi %mul3A_2, %add3A_658 : i32
    %dma_start3A_660 = arith.constant 1 : i32
    %dma_start3A_661 = arith.constant 0 : i32
    %dma_start3A_662 = arith.constant 0 : i32
    %dma_start3A_663 = tpu.memref_slice %arg5[%dma_start3A_660, %add3A_659, %dma_start3A_661, %dma_start3A_662] : memref<2x128x128x256xf32, #tpu.memory_space<hbm>> -> memref<1x1x128x256xf32, #tpu.memory_space<hbm>>
    %dma_start3A_664 = tpu.memref_squeeze %dma_start3A_663 : memref<1x1x128x256xf32, #tpu.memory_space<hbm>> -> memref<128x256xf32, #tpu.memory_space<hbm>>
    %dma_start3A_665 = arith.constant 0 : i32
    %dma_start3A_666 = arith.constant 0 : i32
    %dma_start3A_667 = tpu.memref_slice %arg5[%dma_start3A_660, %add3A_659, %dma_start3A_665, %dma_start3A_666] : memref<2x128x128x256xf32, #tpu.memory_space<hbm>> -> memref<1x1x128x256xf32, #tpu.memory_space<hbm>>
    %dma_start3A_668 = tpu.memref_squeeze %dma_start3A_667 : memref<1x1x128x256xf32, #tpu.memory_space<hbm>> -> memref<128x256xf32, #tpu.memory_space<hbm>>
    tpu.enqueue_dma source(%arg9 : memref<128x256xf32, #tpu.memory_space<vmem>>) target(%dma_start3A_668 : memref<128x256xf32, #tpu.memory_space<hbm>>) target_semaphore(%arg11 : memref<!tpu.dma_semaphore, #tpu.memory_space<semaphore_mem>>)
    %dma_wait3A_669 = arith.constant 0 : i32
    %dma_wait3A_670 = arith.constant 0 : i32
    %dma_wait3A_671 = arith.constant 0 : i32
    %dma_wait3A_672 = tpu.memref_slice %arg5[%dma_wait3A_669, %add3A_555, %dma_wait3A_670, %dma_wait3A_671] : memref<2x128x128x256xf32, #tpu.memory_space<hbm>> -> memref<1x1x128x256xf32, #tpu.memory_space<hbm>>
    %dma_wait3A_673 = tpu.memref_squeeze %dma_wait3A_672 : memref<1x1x128x256xf32, #tpu.memory_space<hbm>> -> memref<128x256xf32, #tpu.memory_space<hbm>>
    %dma_wait3A_674 = arith.constant 0 : i32
    %dma_wait3A_675 = arith.constant 0 : i32
    %dma_wait3A_676 = tpu.memref_slice %arg5[%dma_wait3A_669, %add3A_555, %dma_wait3A_674, %dma_wait3A_675] : memref<2x128x128x256xf32, #tpu.memory_space<hbm>> -> memref<1x1x128x256xf32, #tpu.memory_space<hbm>>
    %dma_wait3A_677 = tpu.memref_squeeze %dma_wait3A_676 : memref<1x1x128x256xf32, #tpu.memory_space<hbm>> -> memref<128x256xf32, #tpu.memory_space<hbm>>
    tpu.wait_dma2 semaphore(%arg12 : memref<!tpu.dma_semaphore, #tpu.memory_space<semaphore_mem>>) src(%arg10 : memref<128x256xf32, #tpu.memory_space<vmem>>) dst(%dma_wait3A_677 : memref<128x256xf32, #tpu.memory_space<hbm>>)
    %dma_wait3A_678 = arith.constant 1 : i32
    %dma_wait3A_679 = arith.constant 0 : i32
    %dma_wait3A_680 = arith.constant 0 : i32
    %dma_wait3A_681 = tpu.memref_slice %arg5[%dma_wait3A_678, %add3A_566, %dma_wait3A_679, %dma_wait3A_680] : memref<2x128x128x256xf32, #tpu.memory_space<hbm>> -> memref<1x1x128x256xf32, #tpu.memory_space<hbm>>
    %dma_wait3A_682 = tpu.memref_squeeze %dma_wait3A_681 : memref<1x1x128x256xf32, #tpu.memory_space<hbm>> -> memref<128x256xf32, #tpu.memory_space<hbm>>
    %dma_wait3A_683 = arith.constant 0 : i32
    %dma_wait3A_684 = arith.constant 0 : i32
    %dma_wait3A_685 = tpu.memref_slice %arg5[%dma_wait3A_678, %add3A_566, %dma_wait3A_683, %dma_wait3A_684] : memref<2x128x128x256xf32, #tpu.memory_space<hbm>> -> memref<1x1x128x256xf32, #tpu.memory_space<hbm>>
    %dma_wait3A_686 = tpu.memref_squeeze %dma_wait3A_685 : memref<1x1x128x256xf32, #tpu.memory_space<hbm>> -> memref<128x256xf32, #tpu.memory_space<hbm>>
    tpu.wait_dma2 semaphore(%arg12 : memref<!tpu.dma_semaphore, #tpu.memory_space<semaphore_mem>>) src(%arg10 : memref<128x256xf32, #tpu.memory_space<vmem>>) dst(%dma_wait3A_686 : memref<128x256xf32, #tpu.memory_space<hbm>>)
    %get3A_687 = arith.constant 7 : i32
    %get3A_688 = arith.index_cast %get3A_687 : i32 to index
    %get3A_689 = arith.constant 0 : index
    %get3A_690 = tpu.vector_load %arg7[%get3A_688, %get3A_689] {strides = array<i32>} : memref<8x128xf32, #tpu.memory_space<vmem>>, vector<1x16xf32>,
    %get3A_691 = vector.shape_cast %get3A_690 : vector<1x16xf32> to vector<16xf32>
    %add3A_692 = arith.addf %get3A_691, %get3A_30 : vector<16xf32>
    %get3A_693 = arith.constant 7 : i32
    %get3A_694 = arith.index_cast %get3A_693 : i32 to index
    %get3A_695 = arith.constant 16 : index
    %get3A_696 = tpu.vector_load %arg7[%get3A_694, %get3A_695] {strides = array<i32>} : memref<8x128xf32, #tpu.memory_space<vmem>>, vector<1x16xf32>,
    %get3A_697 = vector.shape_cast %get3A_696 : vector<1x16xf32> to vector<16xf32>
    %add3A_698 = arith.addf %get3A_697, %get3A_33 : vector<16xf32>
    %get3A_699 = arith.constant 7 : i32
    %get3A_700 = arith.index_cast %get3A_699 : i32 to index
    %get3A_701 = arith.constant 32 : index
    %get3A_702 = tpu.vector_load %arg7[%get3A_700, %get3A_701] {strides = array<i32>} : memref<8x128xf32, #tpu.memory_space<vmem>>, vector<1x16xf32>,
    %get3A_703 = vector.shape_cast %get3A_702 : vector<1x16xf32> to vector<16xf32>
    %add3A_704 = arith.addf %get3A_703, %get3A_36 : vector<16xf32>
    %get3A_705 = arith.constant 7 : i32
    %get3A_706 = arith.index_cast %get3A_705 : i32 to index
    %get3A_707 = arith.constant 48 : index
    %get3A_708 = tpu.vector_load %arg7[%get3A_706, %get3A_707] {strides = array<i32>} : memref<8x128xf32, #tpu.memory_space<vmem>>, vector<1x16xf32>,
    %get3A_709 = vector.shape_cast %get3A_708 : vector<1x16xf32> to vector<16xf32>
    %add3A_710 = arith.addf %get3A_709, %get3A_39 : vector<16xf32>
    %get3A_711 = arith.constant 7 : i32
    %get3A_712 = arith.index_cast %get3A_711 : i32 to index
    %get3A_713 = arith.constant 64 : index
    %get3A_714 = tpu.vector_load %arg7[%get3A_712, %get3A_713] {strides = array<i32>} : memref<8x128xf32, #tpu.memory_space<vmem>>, vector<1x16xf32>,
    %get3A_715 = vector.shape_cast %get3A_714 : vector<1x16xf32> to vector<16xf32>
    %add3A_716 = arith.addf %get3A_715, %get3A_42 : vector<16xf32>
    %get3A_717 = arith.constant 7 : i32
    %get3A_718 = arith.index_cast %get3A_717 : i32 to index
    %get3A_719 = arith.constant 80 : index
    %get3A_720 = tpu.vector_load %arg7[%get3A_718, %get3A_719] {strides = array<i32>} : memref<8x128xf32, #tpu.memory_space<vmem>>, vector<1x16xf32>,
    %get3A_721 = vector.shape_cast %get3A_720 : vector<1x16xf32> to vector<16xf32>
    %add3A_722 = arith.addf %get3A_721, %get3A_45 : vector<16xf32>
    %get3A_723 = arith.constant 7 : i32
    %get3A_724 = arith.index_cast %get3A_723 : i32 to index
    %get3A_725 = arith.constant 96 : index
    %get3A_726 = tpu.vector_load %arg7[%get3A_724, %get3A_725] {strides = array<i32>} : memref<8x128xf32, #tpu.memory_space<vmem>>, vector<1x16xf32>,
    %get3A_727 = vector.shape_cast %get3A_726 : vector<1x16xf32> to vector<16xf32>
    %add3A_728 = arith.addf %get3A_727, %get3A_48 : vector<16xf32>
    %get3A_729 = arith.constant 7 : i32
    %get3A_730 = arith.index_cast %get3A_729 : i32 to index
    %get3A_731 = arith.constant 112 : index
    %get3A_732 = tpu.vector_load %arg7[%get3A_730, %get3A_731] {strides = array<i32>} : memref<8x128xf32, #tpu.memory_space<vmem>>, vector<1x16xf32>,
    %get3A_733 = vector.shape_cast %get3A_732 : vector<1x16xf32> to vector<16xf32>
    %add3A_734 = arith.addf %get3A_733, %get3A_51 : vector<16xf32>
    %scan3A_735 = arith.constant 0 : i32
    %scan3A_736 = arith.constant 128 : i32
    %scan3A_737 = arith.addi %scan3A_735, %scan3A_736 : i32
    %scan3A_738 = arith.constant 1 : i32
    scf.for %scan3A_798 = %scan3A_735 to %scan3A_737 step %scan3A_738  : i32 {
      %mul3A_799 = arith.constant 1 : i32
      %mul3A_800 = arith.muli %scan3A_798, %mul3A_799 : i32
      %add3A_801 = arith.constant 0 : i32
      %add3A_802 = arith.addi %add3A_801, %mul3A_800 : i32
      %swap3A = arith.index_cast %add3A_802 : i32 to index
      %swap3A_803 = arith.constant 128 : index
      %swap3A_804 = tpu.vector_load %arg10[%swap3A, %swap3A_803] {strides = array<i32>} : memref<128x256xf32, #tpu.memory_space<vmem>>, vector<1x16xf32>,
      %swap3A_805 = vector.shape_cast %swap3A_804 : vector<1x16xf32> to vector<16xf32>
      %swap3A_806 = vector.shape_cast %add3A_692 : vector<16xf32> to vector<1x16xf32>
      tpu.vector_store %arg10[%swap3A, %swap3A_803], %swap3A_806 {strides = array<i32>} : memref<128x256xf32, #tpu.memory_space<vmem>>, vector<1x16xf32>,
      %swap3A_807 = arith.index_cast %add3A_802 : i32 to index
      %swap3A_808 = arith.constant 144 : index
      %swap3A_809 = tpu.vector_load %arg10[%swap3A_807, %swap3A_808] {strides = array<i32>} : memref<128x256xf32, #tpu.memory_space<vmem>>, vector<1x16xf32>,
      %swap3A_810 = vector.shape_cast %swap3A_809 : vector<1x16xf32> to vector<16xf32>
      %swap3A_811 = vector.shape_cast %add3A_698 : vector<16xf32> to vector<1x16xf32>
      tpu.vector_store %arg10[%swap3A_807, %swap3A_808], %swap3A_811 {strides = array<i32>} : memref<128x256xf32, #tpu.memory_space<vmem>>, vector<1x16xf32>,
      %swap3A_812 = arith.index_cast %add3A_802 : i32 to index
      %swap3A_813 = arith.constant 160 : index
      %swap3A_814 = tpu.vector_load %arg10[%swap3A_812, %swap3A_813] {strides = array<i32>} : memref<128x256xf32, #tpu.memory_space<vmem>>, vector<1x16xf32>,
      %swap3A_815 = vector.shape_cast %swap3A_814 : vector<1x16xf32> to vector<16xf32>
      %swap3A_816 = vector.shape_cast %add3A_704 : vector<16xf32> to vector<1x16xf32>
      tpu.vector_store %arg10[%swap3A_812, %swap3A_813], %swap3A_816 {strides = array<i32>} : memref<128x256xf32, #tpu.memory_space<vmem>>, vector<1x16xf32>,
      %swap3A_817 = arith.index_cast %add3A_802 : i32 to index
      %swap3A_818 = arith.constant 176 : index
      %swap3A_819 = tpu.vector_load %arg10[%swap3A_817, %swap3A_818] {strides = array<i32>} : memref<128x256xf32, #tpu.memory_space<vmem>>, vector<1x16xf32>,
      %swap3A_820 = vector.shape_cast %swap3A_819 : vector<1x16xf32> to vector<16xf32>
      %swap3A_821 = vector.shape_cast %add3A_710 : vector<16xf32> to vector<1x16xf32>
      tpu.vector_store %arg10[%swap3A_817, %swap3A_818], %swap3A_821 {strides = array<i32>} : memref<128x256xf32, #tpu.memory_space<vmem>>, vector<1x16xf32>,
      %swap3A_822 = arith.index_cast %add3A_802 : i32 to index
      %swap3A_823 = arith.constant 192 : index
      %swap3A_824 = tpu.vector_load %arg10[%swap3A_822, %swap3A_823] {strides = array<i32>} : memref<128x256xf32, #tpu.memory_space<vmem>>, vector<1x16xf32>,
      %swap3A_825 = vector.shape_cast %swap3A_824 : vector<1x16xf32> to vector<16xf32>
      %swap3A_826 = vector.shape_cast %add3A_716 : vector<16xf32> to vector<1x16xf32>
      tpu.vector_store %arg10[%swap3A_822, %swap3A_823], %swap3A_826 {strides = array<i32>} : memref<128x256xf32, #tpu.memory_space<vmem>>, vector<1x16xf32>,
      %swap3A_827 = arith.index_cast %add3A_802 : i32 to index
      %swap3A_828 = arith.constant 208 : index
      %swap3A_829 = tpu.vector_load %arg10[%swap3A_827, %swap3A_828] {strides = array<i32>} : memref<128x256xf32, #tpu.memory_space<vmem>>, vector<1x16xf32>,
      %swap3A_830 = vector.shape_cast %swap3A_829 : vector<1x16xf32> to vector<16xf32>
      %swap3A_831 = vector.shape_cast %add3A_722 : vector<16xf32> to vector<1x16xf32>
      tpu.vector_store %arg10[%swap3A_827, %swap3A_828], %swap3A_831 {strides = array<i32>} : memref<128x256xf32, #tpu.memory_space<vmem>>, vector<1x16xf32>,
      %swap3A_832 = arith.index_cast %add3A_802 : i32 to index
      %swap3A_833 = arith.constant 224 : index
      %swap3A_834 = tpu.vector_load %arg10[%swap3A_832, %swap3A_833] {strides = array<i32>} : memref<128x256xf32, #tpu.memory_space<vmem>>, vector<1x16xf32>,
      %swap3A_835 = vector.shape_cast %swap3A_834 : vector<1x16xf32> to vector<16xf32>
      %swap3A_836 = vector.shape_cast %add3A_728 : vector<16xf32> to vector<1x16xf32>
      tpu.vector_store %arg10[%swap3A_832, %swap3A_833], %swap3A_836 {strides = array<i32>} : memref<128x256xf32, #tpu.memory_space<vmem>>, vector<1x16xf32>,
      %swap3A_837 = arith.index_cast %add3A_802 : i32 to index
      %swap3A_838 = arith.constant 240 : index
      %swap3A_839 = tpu.vector_load %arg10[%swap3A_837, %swap3A_838] {strides = array<i32>} : memref<128x256xf32, #tpu.memory_space<vmem>>, vector<1x16xf32>,
      %swap3A_840 = vector.shape_cast %swap3A_839 : vector<1x16xf32> to vector<16xf32>
      %swap3A_841 = vector.shape_cast %add3A_734 : vector<16xf32> to vector<1x16xf32>
      tpu.vector_store %arg10[%swap3A_837, %swap3A_838], %swap3A_841 {strides = array<i32>} : memref<128x256xf32, #tpu.memory_space<vmem>>, vector<1x16xf32>,
    }
    %scan3A_739 = arith.constant 128 : i32
    %add3A_740 = arith.constant 7 : i32
    %add3A_741 = arith.addi %mul3A_2, %add3A_740 : i32
    %dma_start3A_742 = arith.constant 0 : i32
    %dma_start3A_743 = arith.constant 0 : i32
    %dma_start3A_744 = arith.constant 0 : i32
    %dma_start3A_745 = tpu.memref_slice %arg5[%dma_start3A_742, %add3A_741, %dma_start3A_743, %dma_start3A_744] : memref<2x128x128x256xf32, #tpu.memory_space<hbm>> -> memref<1x1x128x256xf32, #tpu.memory_space<hbm>>
    %dma_start3A_746 = tpu.memref_squeeze %dma_start3A_745 : memref<1x1x128x256xf32, #tpu.memory_space<hbm>> -> memref<128x256xf32, #tpu.memory_space<hbm>>
    %dma_start3A_747 = arith.constant 0 : i32
    %dma_start3A_748 = arith.constant 0 : i32
    %dma_start3A_749 = tpu.memref_slice %arg5[%dma_start3A_742, %add3A_741, %dma_start3A_747, %dma_start3A_748] : memref<2x128x128x256xf32, #tpu.memory_space<hbm>> -> memref<1x1x128x256xf32, #tpu.memory_space<hbm>>
    %dma_start3A_750 = tpu.memref_squeeze %dma_start3A_749 : memref<1x1x128x256xf32, #tpu.memory_space<hbm>> -> memref<128x256xf32, #tpu.memory_space<hbm>>
    tpu.enqueue_dma source(%arg10 : memref<128x256xf32, #tpu.memory_space<vmem>>) target(%dma_start3A_750 : memref<128x256xf32, #tpu.memory_space<hbm>>) target_semaphore(%arg12 : memref<!tpu.dma_semaphore, #tpu.memory_space<semaphore_mem>>)
    %add3A_751 = arith.constant 7 : i32
    %add3A_752 = arith.addi %mul3A_2, %add3A_751 : i32
    %dma_start3A_753 = arith.constant 1 : i32
    %dma_start3A_754 = arith.constant 0 : i32
    %dma_start3A_755 = arith.constant 0 : i32
    %dma_start3A_756 = tpu.memref_slice %arg5[%dma_start3A_753, %add3A_752, %dma_start3A_754, %dma_start3A_755] : memref<2x128x128x256xf32, #tpu.memory_space<hbm>> -> memref<1x1x128x256xf32, #tpu.memory_space<hbm>>
    %dma_start3A_757 = tpu.memref_squeeze %dma_start3A_756 : memref<1x1x128x256xf32, #tpu.memory_space<hbm>> -> memref<128x256xf32, #tpu.memory_space<hbm>>
    %dma_start3A_758 = arith.constant 0 : i32
    %dma_start3A_759 = arith.constant 0 : i32
    %dma_start3A_760 = tpu.memref_slice %arg5[%dma_start3A_753, %add3A_752, %dma_start3A_758, %dma_start3A_759] : memref<2x128x128x256xf32, #tpu.memory_space<hbm>> -> memref<1x1x128x256xf32, #tpu.memory_space<hbm>>
    %dma_start3A_761 = tpu.memref_squeeze %dma_start3A_760 : memref<1x1x128x256xf32, #tpu.memory_space<hbm>> -> memref<128x256xf32, #tpu.memory_space<hbm>>
    tpu.enqueue_dma source(%arg10 : memref<128x256xf32, #tpu.memory_space<vmem>>) target(%dma_start3A_761 : memref<128x256xf32, #tpu.memory_space<hbm>>) target_semaphore(%arg12 : memref<!tpu.dma_semaphore, #tpu.memory_space<semaphore_mem>>)
    %dma_wait3A_762 = arith.constant 0 : i32
    %dma_wait3A_763 = arith.constant 0 : i32
    %dma_wait3A_764 = arith.constant 0 : i32
    %dma_wait3A_765 = tpu.memref_slice %arg5[%dma_wait3A_762, %add3A_648, %dma_wait3A_763, %dma_wait3A_764] : memref<2x128x128x256xf32, #tpu.memory_space<hbm>> -> memref<1x1x128x256xf32, #tpu.memory_space<hbm>>
    %dma_wait3A_766 = tpu.memref_squeeze %dma_wait3A_765 : memref<1x1x128x256xf32, #tpu.memory_space<hbm>> -> memref<128x256xf32, #tpu.memory_space<hbm>>
    %dma_wait3A_767 = arith.constant 0 : i32
    %dma_wait3A_768 = arith.constant 0 : i32
    %dma_wait3A_769 = tpu.memref_slice %arg5[%dma_wait3A_762, %add3A_648, %dma_wait3A_767, %dma_wait3A_768] : memref<2x128x128x256xf32, #tpu.memory_space<hbm>> -> memref<1x1x128x256xf32, #tpu.memory_space<hbm>>
    %dma_wait3A_770 = tpu.memref_squeeze %dma_wait3A_769 : memref<1x1x128x256xf32, #tpu.memory_space<hbm>> -> memref<128x256xf32, #tpu.memory_space<hbm>>
    tpu.wait_dma2 semaphore(%arg11 : memref<!tpu.dma_semaphore, #tpu.memory_space<semaphore_mem>>) src(%arg9 : memref<128x256xf32, #tpu.memory_space<vmem>>) dst(%dma_wait3A_770 : memref<128x256xf32, #tpu.memory_space<hbm>>)
    %dma_wait3A_771 = arith.constant 1 : i32
    %dma_wait3A_772 = arith.constant 0 : i32
    %dma_wait3A_773 = arith.constant 0 : i32
    %dma_wait3A_774 = tpu.memref_slice %arg5[%dma_wait3A_771, %add3A_659, %dma_wait3A_772, %dma_wait3A_773] : memref<2x128x128x256xf32, #tpu.memory_space<hbm>> -> memref<1x1x128x256xf32, #tpu.memory_space<hbm>>
    %dma_wait3A_775 = tpu.memref_squeeze %dma_wait3A_774 : memref<1x1x128x256xf32, #tpu.memory_space<hbm>> -> memref<128x256xf32, #tpu.memory_space<hbm>>
    %dma_wait3A_776 = arith.constant 0 : i32
    %dma_wait3A_777 = arith.constant 0 : i32
    %dma_wait3A_778 = tpu.memref_slice %arg5[%dma_wait3A_771, %add3A_659, %dma_wait3A_776, %dma_wait3A_777] : memref<2x128x128x256xf32, #tpu.memory_space<hbm>> -> memref<1x1x128x256xf32, #tpu.memory_space<hbm>>
    %dma_wait3A_779 = tpu.memref_squeeze %dma_wait3A_778 : memref<1x1x128x256xf32, #tpu.memory_space<hbm>> -> memref<128x256xf32, #tpu.memory_space<hbm>>
    tpu.wait_dma2 semaphore(%arg11 : memref<!tpu.dma_semaphore, #tpu.memory_space<semaphore_mem>>) src(%arg9 : memref<128x256xf32, #tpu.memory_space<vmem>>) dst(%dma_wait3A_779 : memref<128x256xf32, #tpu.memory_space<hbm>>)
    %dma_wait3A_780 = arith.constant 0 : i32
    %dma_wait3A_781 = arith.constant 0 : i32
    %dma_wait3A_782 = arith.constant 0 : i32
    %dma_wait3A_783 = tpu.memref_slice %arg5[%dma_wait3A_780, %add3A_741, %dma_wait3A_781, %dma_wait3A_782] : memref<2x128x128x256xf32, #tpu.memory_space<hbm>> -> memref<1x1x128x256xf32, #tpu.memory_space<hbm>>
    %dma_wait3A_784 = tpu.memref_squeeze %dma_wait3A_783 : memref<1x1x128x256xf32, #tpu.memory_space<hbm>> -> memref<128x256xf32, #tpu.memory_space<hbm>>
    %dma_wait3A_785 = arith.constant 0 : i32
    %dma_wait3A_786 = arith.constant 0 : i32
    %dma_wait3A_787 = tpu.memref_slice %arg5[%dma_wait3A_780, %add3A_741, %dma_wait3A_785, %dma_wait3A_786] : memref<2x128x128x256xf32, #tpu.memory_space<hbm>> -> memref<1x1x128x256xf32, #tpu.memory_space<hbm>>
    %dma_wait3A_788 = tpu.memref_squeeze %dma_wait3A_787 : memref<1x1x128x256xf32, #tpu.memory_space<hbm>> -> memref<128x256xf32, #tpu.memory_space<hbm>>
    tpu.wait_dma2 semaphore(%arg12 : memref<!tpu.dma_semaphore, #tpu.memory_space<semaphore_mem>>) src(%arg10 : memref<128x256xf32, #tpu.memory_space<vmem>>) dst(%dma_wait3A_788 : memref<128x256xf32, #tpu.memory_space<hbm>>)
    %dma_wait3A_789 = arith.constant 1 : i32
    %dma_wait3A_790 = arith.constant 0 : i32
    %dma_wait3A_791 = arith.constant 0 : i32
    %dma_wait3A_792 = tpu.memref_slice %arg5[%dma_wait3A_789, %add3A_752, %dma_wait3A_790, %dma_wait3A_791] : memref<2x128x128x256xf32, #tpu.memory_space<hbm>> -> memref<1x1x128x256xf32, #tpu.memory_space<hbm>>
    %dma_wait3A_793 = tpu.memref_squeeze %dma_wait3A_792 : memref<1x1x128x256xf32, #tpu.memory_space<hbm>> -> memref<128x256xf32, #tpu.memory_space<hbm>>
    %dma_wait3A_794 = arith.constant 0 : i32
    %dma_wait3A_795 = arith.constant 0 : i32
    %dma_wait3A_796 = tpu.memref_slice %arg5[%dma_wait3A_789, %add3A_752, %dma_wait3A_794, %dma_wait3A_795] : memref<2x128x128x256xf32, #tpu.memory_space<hbm>> -> memref<1x1x128x256xf32, #tpu.memory_space<hbm>>
    %dma_wait3A_797 = tpu.memref_squeeze %dma_wait3A_796 : memref<1x1x128x256xf32, #tpu.memory_space<hbm>> -> memref<128x256xf32, #tpu.memory_space<hbm>>
    tpu.wait_dma2 semaphore(%arg12 : memref<!tpu.dma_semaphore, #tpu.memory_space<semaphore_mem>>) src(%arg10 : memref<128x256xf32, #tpu.memory_space<vmem>>) dst(%dma_wait3A_797 : memref<128x256xf32, #tpu.memory_space<hbm>>)
    return
  }
}

module attributes {stable_mosaic.version = 14 : i64} {
  func.func @body(%arg0: i32, %arg1: i32, %arg2: memref<128x128xf32, #tpu.memory_space<vmem>>, %arg3: memref<32x128xf32, #tpu.memory_space<vmem>>, %arg4: memref<1x32x128x256xf32, #tpu.memory_space<vmem>>) attributes {dimension_semantics = [#tpu.dimension_semantics<arbitrary>, #tpu.dimension_semantics<arbitrary>], iteration_bounds = array<i64: 2, 4>, scalar_prefetch = 0 : i64, scratch_operands = 0 : i64, tpu.core_type = #tpu.core_type<tc>, window_params = [{pipeline_mode = #tpu.pipeline_mode<synchronous>, transform_indices = @transform_0, window_bounds = array<i64: 128, 128>}, {transform_indices = @transform_1, window_bounds = array<i64: 32, 128>}, {transform_indices = @transform_2, window_bounds = array<i64: 1, 32, 128, 256>}]} {
    %get3A = arith.constant 0 : index
    %get3A_0 = arith.constant 0 : index
    %get3A_1 = vector.load %arg2[%get3A, %get3A_0] : memref<128x128xf32, #tpu.memory_space<vmem>>, vector<128x128xf32>
    %swap3A = arith.constant 0 : index
    %swap3A_2 = arith.constant 0 : index
    %swap3A_3 = arith.constant 0 : index
    %swap3A_4 = arith.constant 0 : index
    %swap3A_5 = vector.load %arg4[%swap3A, %swap3A_2, %swap3A_3, %swap3A_4] : memref<1x32x128x256xf32, #tpu.memory_space<vmem>>, vector<1x1x128x128xf32>
    %swap3A_6 = vector.shape_cast %swap3A_5 : vector<1x1x128x128xf32> to vector<128x128xf32>
    %swap3A_7 = vector.shape_cast %get3A_1 : vector<128x128xf32> to vector<1x1x128x128xf32>
    tpu.vector_store %arg4[%swap3A, %swap3A_2, %swap3A_3, %swap3A_4], %swap3A_7 {strides = array<i32>} : memref<1x32x128x256xf32, #tpu.memory_space<vmem>>, vector<1x1x128x128xf32>,
    %get3A_8 = arith.constant 0 : index
    %get3A_9 = arith.constant 0 : index
    %get3A_10 = vector.load %arg3[%get3A_8, %get3A_9] : memref<32x128xf32, #tpu.memory_space<vmem>>, vector<1x128xf32>
    %get3A_11 = vector.shape_cast %get3A_10 : vector<1x128xf32> to vector<128xf32>
    %broadcast_in_dim3A = vector.shape_cast %get3A_11 : vector<128xf32> to vector<1x128xf32>
    %broadcast_in_dim3A_12 = vector.shape_cast %broadcast_in_dim3A : vector<1x128xf32> to vector<1x128xf32>
    %broadcast_in_dim3A_13 = vector.broadcast %broadcast_in_dim3A_12 : vector<1x128xf32> to vector<128x128xf32>
    %swap3A_14 = arith.constant 0 : index
    %swap3A_15 = arith.constant 0 : index
    %swap3A_16 = arith.constant 0 : index
    %swap3A_17 = arith.constant 128 : index
    %swap3A_18 = vector.load %arg4[%swap3A_14, %swap3A_15, %swap3A_16, %swap3A_17] : memref<1x32x128x256xf32, #tpu.memory_space<vmem>>, vector<1x1x128x128xf32>
    %swap3A_19 = vector.shape_cast %swap3A_18 : vector<1x1x128x128xf32> to vector<128x128xf32>
    %swap3A_20 = vector.shape_cast %broadcast_in_dim3A_13 : vector<128x128xf32> to vector<1x1x128x128xf32>
    tpu.vector_store %arg4[%swap3A_14, %swap3A_15, %swap3A_16, %swap3A_17], %swap3A_20 {strides = array<i32>} : memref<1x32x128x256xf32, #tpu.memory_space<vmem>>, vector<1x1x128x128xf32>,
    %swap3A_21 = arith.constant 0 : index
    %swap3A_22 = arith.constant 1 : index
    %swap3A_23 = arith.constant 0 : index
    %swap3A_24 = arith.constant 0 : index
    %swap3A_25 = vector.load %arg4[%swap3A_21, %swap3A_22, %swap3A_23, %swap3A_24] : memref<1x32x128x256xf32, #tpu.memory_space<vmem>>, vector<1x1x128x128xf32>
    %swap3A_26 = vector.shape_cast %swap3A_25 : vector<1x1x128x128xf32> to vector<128x128xf32>
    %swap3A_27 = vector.shape_cast %get3A_1 : vector<128x128xf32> to vector<1x1x128x128xf32>
    tpu.vector_store %arg4[%swap3A_21, %swap3A_22, %swap3A_23, %swap3A_24], %swap3A_27 {strides = array<i32>} : memref<1x32x128x256xf32, #tpu.memory_space<vmem>>, vector<1x1x128x128xf32>,
    %get3A_28 = arith.constant 1 : index
    %get3A_29 = arith.constant 0 : index
    %get3A_30 = vector.load %arg3[%get3A_28, %get3A_29] : memref<32x128xf32, #tpu.memory_space<vmem>>, vector<1x128xf32>
    %get3A_31 = vector.shape_cast %get3A_30 : vector<1x128xf32> to vector<128xf32>
    %broadcast_in_dim3A_32 = vector.shape_cast %get3A_31 : vector<128xf32> to vector<1x128xf32>
    %broadcast_in_dim3A_33 = vector.shape_cast %broadcast_in_dim3A_32 : vector<1x128xf32> to vector<1x128xf32>
    %broadcast_in_dim3A_34 = vector.broadcast %broadcast_in_dim3A_33 : vector<1x128xf32> to vector<128x128xf32>
    %swap3A_35 = arith.constant 0 : index
    %swap3A_36 = arith.constant 1 : index
    %swap3A_37 = arith.constant 0 : index
    %swap3A_38 = arith.constant 128 : index
    %swap3A_39 = vector.load %arg4[%swap3A_35, %swap3A_36, %swap3A_37, %swap3A_38] : memref<1x32x128x256xf32, #tpu.memory_space<vmem>>, vector<1x1x128x128xf32>
    %swap3A_40 = vector.shape_cast %swap3A_39 : vector<1x1x128x128xf32> to vector<128x128xf32>
    %swap3A_41 = vector.shape_cast %broadcast_in_dim3A_34 : vector<128x128xf32> to vector<1x1x128x128xf32>
    tpu.vector_store %arg4[%swap3A_35, %swap3A_36, %swap3A_37, %swap3A_38], %swap3A_41 {strides = array<i32>} : memref<1x32x128x256xf32, #tpu.memory_space<vmem>>, vector<1x1x128x128xf32>,
    %swap3A_42 = arith.constant 0 : index
    %swap3A_43 = arith.constant 2 : index
    %swap3A_44 = arith.constant 0 : index
    %swap3A_45 = arith.constant 0 : index
    %swap3A_46 = vector.load %arg4[%swap3A_42, %swap3A_43, %swap3A_44, %swap3A_45] : memref<1x32x128x256xf32, #tpu.memory_space<vmem>>, vector<1x1x128x128xf32>
    %swap3A_47 = vector.shape_cast %swap3A_46 : vector<1x1x128x128xf32> to vector<128x128xf32>
    %swap3A_48 = vector.shape_cast %get3A_1 : vector<128x128xf32> to vector<1x1x128x128xf32>
    tpu.vector_store %arg4[%swap3A_42, %swap3A_43, %swap3A_44, %swap3A_45], %swap3A_48 {strides = array<i32>} : memref<1x32x128x256xf32, #tpu.memory_space<vmem>>, vector<1x1x128x128xf32>,
    %get3A_49 = arith.constant 2 : index
    %get3A_50 = arith.constant 0 : index
    %get3A_51 = vector.load %arg3[%get3A_49, %get3A_50] : memref<32x128xf32, #tpu.memory_space<vmem>>, vector<1x128xf32>
    %get3A_52 = vector.shape_cast %get3A_51 : vector<1x128xf32> to vector<128xf32>
    %broadcast_in_dim3A_53 = vector.shape_cast %get3A_52 : vector<128xf32> to vector<1x128xf32>
    %broadcast_in_dim3A_54 = vector.shape_cast %broadcast_in_dim3A_53 : vector<1x128xf32> to vector<1x128xf32>
    %broadcast_in_dim3A_55 = vector.broadcast %broadcast_in_dim3A_54 : vector<1x128xf32> to vector<128x128xf32>
    %swap3A_56 = arith.constant 0 : index
    %swap3A_57 = arith.constant 2 : index
    %swap3A_58 = arith.constant 0 : index
    %swap3A_59 = arith.constant 128 : index
    %swap3A_60 = vector.load %arg4[%swap3A_56, %swap3A_57, %swap3A_58, %swap3A_59] : memref<1x32x128x256xf32, #tpu.memory_space<vmem>>, vector<1x1x128x128xf32>
    %swap3A_61 = vector.shape_cast %swap3A_60 : vector<1x1x128x128xf32> to vector<128x128xf32>
    %swap3A_62 = vector.shape_cast %broadcast_in_dim3A_55 : vector<128x128xf32> to vector<1x1x128x128xf32>
    tpu.vector_store %arg4[%swap3A_56, %swap3A_57, %swap3A_58, %swap3A_59], %swap3A_62 {strides = array<i32>} : memref<1x32x128x256xf32, #tpu.memory_space<vmem>>, vector<1x1x128x128xf32>,
    %swap3A_63 = arith.constant 0 : index
    %swap3A_64 = arith.constant 3 : index
    %swap3A_65 = arith.constant 0 : index
    %swap3A_66 = arith.constant 0 : index
    %swap3A_67 = vector.load %arg4[%swap3A_63, %swap3A_64, %swap3A_65, %swap3A_66] : memref<1x32x128x256xf32, #tpu.memory_space<vmem>>, vector<1x1x128x128xf32>
    %swap3A_68 = vector.shape_cast %swap3A_67 : vector<1x1x128x128xf32> to vector<128x128xf32>
    %swap3A_69 = vector.shape_cast %get3A_1 : vector<128x128xf32> to vector<1x1x128x128xf32>
    tpu.vector_store %arg4[%swap3A_63, %swap3A_64, %swap3A_65, %swap3A_66], %swap3A_69 {strides = array<i32>} : memref<1x32x128x256xf32, #tpu.memory_space<vmem>>, vector<1x1x128x128xf32>,
    %get3A_70 = arith.constant 3 : index
    %get3A_71 = arith.constant 0 : index
    %get3A_72 = vector.load %arg3[%get3A_70, %get3A_71] : memref<32x128xf32, #tpu.memory_space<vmem>>, vector<1x128xf32>
    %get3A_73 = vector.shape_cast %get3A_72 : vector<1x128xf32> to vector<128xf32>
    %broadcast_in_dim3A_74 = vector.shape_cast %get3A_73 : vector<128xf32> to vector<1x128xf32>
    %broadcast_in_dim3A_75 = vector.shape_cast %broadcast_in_dim3A_74 : vector<1x128xf32> to vector<1x128xf32>
    %broadcast_in_dim3A_76 = vector.broadcast %broadcast_in_dim3A_75 : vector<1x128xf32> to vector<128x128xf32>
    %swap3A_77 = arith.constant 0 : index
    %swap3A_78 = arith.constant 3 : index
    %swap3A_79 = arith.constant 0 : index
    %swap3A_80 = arith.constant 128 : index
    %swap3A_81 = vector.load %arg4[%swap3A_77, %swap3A_78, %swap3A_79, %swap3A_80] : memref<1x32x128x256xf32, #tpu.memory_space<vmem>>, vector<1x1x128x128xf32>
    %swap3A_82 = vector.shape_cast %swap3A_81 : vector<1x1x128x128xf32> to vector<128x128xf32>
    %swap3A_83 = vector.shape_cast %broadcast_in_dim3A_76 : vector<128x128xf32> to vector<1x1x128x128xf32>
    tpu.vector_store %arg4[%swap3A_77, %swap3A_78, %swap3A_79, %swap3A_80], %swap3A_83 {strides = array<i32>} : memref<1x32x128x256xf32, #tpu.memory_space<vmem>>, vector<1x1x128x128xf32>,
    %swap3A_84 = arith.constant 0 : index
    %swap3A_85 = arith.constant 4 : index
    %swap3A_86 = arith.constant 0 : index
    %swap3A_87 = arith.constant 0 : index
    %swap3A_88 = vector.load %arg4[%swap3A_84, %swap3A_85, %swap3A_86, %swap3A_87] : memref<1x32x128x256xf32, #tpu.memory_space<vmem>>, vector<1x1x128x128xf32>
    %swap3A_89 = vector.shape_cast %swap3A_88 : vector<1x1x128x128xf32> to vector<128x128xf32>
    %swap3A_90 = vector.shape_cast %get3A_1 : vector<128x128xf32> to vector<1x1x128x128xf32>
    tpu.vector_store %arg4[%swap3A_84, %swap3A_85, %swap3A_86, %swap3A_87], %swap3A_90 {strides = array<i32>} : memref<1x32x128x256xf32, #tpu.memory_space<vmem>>, vector<1x1x128x128xf32>,
    %get3A_91 = arith.constant 4 : index
    %get3A_92 = arith.constant 0 : index
    %get3A_93 = vector.load %arg3[%get3A_91, %get3A_92] : memref<32x128xf32, #tpu.memory_space<vmem>>, vector<1x128xf32>
    %get3A_94 = vector.shape_cast %get3A_93 : vector<1x128xf32> to vector<128xf32>
    %broadcast_in_dim3A_95 = vector.shape_cast %get3A_94 : vector<128xf32> to vector<1x128xf32>
    %broadcast_in_dim3A_96 = vector.shape_cast %broadcast_in_dim3A_95 : vector<1x128xf32> to vector<1x128xf32>
    %broadcast_in_dim3A_97 = vector.broadcast %broadcast_in_dim3A_96 : vector<1x128xf32> to vector<128x128xf32>
    %swap3A_98 = arith.constant 0 : index
    %swap3A_99 = arith.constant 4 : index
    %swap3A_100 = arith.constant 0 : index
    %swap3A_101 = arith.constant 128 : index
    %swap3A_102 = vector.load %arg4[%swap3A_98, %swap3A_99, %swap3A_100, %swap3A_101] : memref<1x32x128x256xf32, #tpu.memory_space<vmem>>, vector<1x1x128x128xf32>
    %swap3A_103 = vector.shape_cast %swap3A_102 : vector<1x1x128x128xf32> to vector<128x128xf32>
    %swap3A_104 = vector.shape_cast %broadcast_in_dim3A_97 : vector<128x128xf32> to vector<1x1x128x128xf32>
    tpu.vector_store %arg4[%swap3A_98, %swap3A_99, %swap3A_100, %swap3A_101], %swap3A_104 {strides = array<i32>} : memref<1x32x128x256xf32, #tpu.memory_space<vmem>>, vector<1x1x128x128xf32>,
    %swap3A_105 = arith.constant 0 : index
    %swap3A_106 = arith.constant 5 : index
    %swap3A_107 = arith.constant 0 : index
    %swap3A_108 = arith.constant 0 : index
    %swap3A_109 = vector.load %arg4[%swap3A_105, %swap3A_106, %swap3A_107, %swap3A_108] : memref<1x32x128x256xf32, #tpu.memory_space<vmem>>, vector<1x1x128x128xf32>
    %swap3A_110 = vector.shape_cast %swap3A_109 : vector<1x1x128x128xf32> to vector<128x128xf32>
    %swap3A_111 = vector.shape_cast %get3A_1 : vector<128x128xf32> to vector<1x1x128x128xf32>
    tpu.vector_store %arg4[%swap3A_105, %swap3A_106, %swap3A_107, %swap3A_108], %swap3A_111 {strides = array<i32>} : memref<1x32x128x256xf32, #tpu.memory_space<vmem>>, vector<1x1x128x128xf32>,
    %get3A_112 = arith.constant 5 : index
    %get3A_113 = arith.constant 0 : index
    %get3A_114 = vector.load %arg3[%get3A_112, %get3A_113] : memref<32x128xf32, #tpu.memory_space<vmem>>, vector<1x128xf32>
    %get3A_115 = vector.shape_cast %get3A_114 : vector<1x128xf32> to vector<128xf32>
    %broadcast_in_dim3A_116 = vector.shape_cast %get3A_115 : vector<128xf32> to vector<1x128xf32>
    %broadcast_in_dim3A_117 = vector.shape_cast %broadcast_in_dim3A_116 : vector<1x128xf32> to vector<1x128xf32>
    %broadcast_in_dim3A_118 = vector.broadcast %broadcast_in_dim3A_117 : vector<1x128xf32> to vector<128x128xf32>
    %swap3A_119 = arith.constant 0 : index
    %swap3A_120 = arith.constant 5 : index
    %swap3A_121 = arith.constant 0 : index
    %swap3A_122 = arith.constant 128 : index
    %swap3A_123 = vector.load %arg4[%swap3A_119, %swap3A_120, %swap3A_121, %swap3A_122] : memref<1x32x128x256xf32, #tpu.memory_space<vmem>>, vector<1x1x128x128xf32>
    %swap3A_124 = vector.shape_cast %swap3A_123 : vector<1x1x128x128xf32> to vector<128x128xf32>
    %swap3A_125 = vector.shape_cast %broadcast_in_dim3A_118 : vector<128x128xf32> to vector<1x1x128x128xf32>
    tpu.vector_store %arg4[%swap3A_119, %swap3A_120, %swap3A_121, %swap3A_122], %swap3A_125 {strides = array<i32>} : memref<1x32x128x256xf32, #tpu.memory_space<vmem>>, vector<1x1x128x128xf32>,
    %swap3A_126 = arith.constant 0 : index
    %swap3A_127 = arith.constant 6 : index
    %swap3A_128 = arith.constant 0 : index
    %swap3A_129 = arith.constant 0 : index
    %swap3A_130 = vector.load %arg4[%swap3A_126, %swap3A_127, %swap3A_128, %swap3A_129] : memref<1x32x128x256xf32, #tpu.memory_space<vmem>>, vector<1x1x128x128xf32>
    %swap3A_131 = vector.shape_cast %swap3A_130 : vector<1x1x128x128xf32> to vector<128x128xf32>
    %swap3A_132 = vector.shape_cast %get3A_1 : vector<128x128xf32> to vector<1x1x128x128xf32>
    tpu.vector_store %arg4[%swap3A_126, %swap3A_127, %swap3A_128, %swap3A_129], %swap3A_132 {strides = array<i32>} : memref<1x32x128x256xf32, #tpu.memory_space<vmem>>, vector<1x1x128x128xf32>,
    %get3A_133 = arith.constant 6 : index
    %get3A_134 = arith.constant 0 : index
    %get3A_135 = vector.load %arg3[%get3A_133, %get3A_134] : memref<32x128xf32, #tpu.memory_space<vmem>>, vector<1x128xf32>
    %get3A_136 = vector.shape_cast %get3A_135 : vector<1x128xf32> to vector<128xf32>
    %broadcast_in_dim3A_137 = vector.shape_cast %get3A_136 : vector<128xf32> to vector<1x128xf32>
    %broadcast_in_dim3A_138 = vector.shape_cast %broadcast_in_dim3A_137 : vector<1x128xf32> to vector<1x128xf32>
    %broadcast_in_dim3A_139 = vector.broadcast %broadcast_in_dim3A_138 : vector<1x128xf32> to vector<128x128xf32>
    %swap3A_140 = arith.constant 0 : index
    %swap3A_141 = arith.constant 6 : index
    %swap3A_142 = arith.constant 0 : index
    %swap3A_143 = arith.constant 128 : index
    %swap3A_144 = vector.load %arg4[%swap3A_140, %swap3A_141, %swap3A_142, %swap3A_143] : memref<1x32x128x256xf32, #tpu.memory_space<vmem>>, vector<1x1x128x128xf32>
    %swap3A_145 = vector.shape_cast %swap3A_144 : vector<1x1x128x128xf32> to vector<128x128xf32>
    %swap3A_146 = vector.shape_cast %broadcast_in_dim3A_139 : vector<128x128xf32> to vector<1x1x128x128xf32>
    tpu.vector_store %arg4[%swap3A_140, %swap3A_141, %swap3A_142, %swap3A_143], %swap3A_146 {strides = array<i32>} : memref<1x32x128x256xf32, #tpu.memory_space<vmem>>, vector<1x1x128x128xf32>,
    %swap3A_147 = arith.constant 0 : index
    %swap3A_148 = arith.constant 7 : index
    %swap3A_149 = arith.constant 0 : index
    %swap3A_150 = arith.constant 0 : index
    %swap3A_151 = vector.load %arg4[%swap3A_147, %swap3A_148, %swap3A_149, %swap3A_150] : memref<1x32x128x256xf32, #tpu.memory_space<vmem>>, vector<1x1x128x128xf32>
    %swap3A_152 = vector.shape_cast %swap3A_151 : vector<1x1x128x128xf32> to vector<128x128xf32>
    %swap3A_153 = vector.shape_cast %get3A_1 : vector<128x128xf32> to vector<1x1x128x128xf32>
    tpu.vector_store %arg4[%swap3A_147, %swap3A_148, %swap3A_149, %swap3A_150], %swap3A_153 {strides = array<i32>} : memref<1x32x128x256xf32, #tpu.memory_space<vmem>>, vector<1x1x128x128xf32>,
    %get3A_154 = arith.constant 7 : index
    %get3A_155 = arith.constant 0 : index
    %get3A_156 = vector.load %arg3[%get3A_154, %get3A_155] : memref<32x128xf32, #tpu.memory_space<vmem>>, vector<1x128xf32>
    %get3A_157 = vector.shape_cast %get3A_156 : vector<1x128xf32> to vector<128xf32>
    %broadcast_in_dim3A_158 = vector.shape_cast %get3A_157 : vector<128xf32> to vector<1x128xf32>
    %broadcast_in_dim3A_159 = vector.shape_cast %broadcast_in_dim3A_158 : vector<1x128xf32> to vector<1x128xf32>
    %broadcast_in_dim3A_160 = vector.broadcast %broadcast_in_dim3A_159 : vector<1x128xf32> to vector<128x128xf32>
    %swap3A_161 = arith.constant 0 : index
    %swap3A_162 = arith.constant 7 : index
    %swap3A_163 = arith.constant 0 : index
    %swap3A_164 = arith.constant 128 : index
    %swap3A_165 = vector.load %arg4[%swap3A_161, %swap3A_162, %swap3A_163, %swap3A_164] : memref<1x32x128x256xf32, #tpu.memory_space<vmem>>, vector<1x1x128x128xf32>
    %swap3A_166 = vector.shape_cast %swap3A_165 : vector<1x1x128x128xf32> to vector<128x128xf32>
    %swap3A_167 = vector.shape_cast %broadcast_in_dim3A_160 : vector<128x128xf32> to vector<1x1x128x128xf32>
    tpu.vector_store %arg4[%swap3A_161, %swap3A_162, %swap3A_163, %swap3A_164], %swap3A_167 {strides = array<i32>} : memref<1x32x128x256xf32, #tpu.memory_space<vmem>>, vector<1x1x128x128xf32>,
    %swap3A_168 = arith.constant 0 : index
    %swap3A_169 = arith.constant 8 : index
    %swap3A_170 = arith.constant 0 : index
    %swap3A_171 = arith.constant 0 : index
    %swap3A_172 = vector.load %arg4[%swap3A_168, %swap3A_169, %swap3A_170, %swap3A_171] : memref<1x32x128x256xf32, #tpu.memory_space<vmem>>, vector<1x1x128x128xf32>
    %swap3A_173 = vector.shape_cast %swap3A_172 : vector<1x1x128x128xf32> to vector<128x128xf32>
    %swap3A_174 = vector.shape_cast %get3A_1 : vector<128x128xf32> to vector<1x1x128x128xf32>
    tpu.vector_store %arg4[%swap3A_168, %swap3A_169, %swap3A_170, %swap3A_171], %swap3A_174 {strides = array<i32>} : memref<1x32x128x256xf32, #tpu.memory_space<vmem>>, vector<1x1x128x128xf32>,
    %get3A_175 = arith.constant 8 : index
    %get3A_176 = arith.constant 0 : index
    %get3A_177 = vector.load %arg3[%get3A_175, %get3A_176] : memref<32x128xf32, #tpu.memory_space<vmem>>, vector<1x128xf32>
    %get3A_178 = vector.shape_cast %get3A_177 : vector<1x128xf32> to vector<128xf32>
    %broadcast_in_dim3A_179 = vector.shape_cast %get3A_178 : vector<128xf32> to vector<1x128xf32>
    %broadcast_in_dim3A_180 = vector.shape_cast %broadcast_in_dim3A_179 : vector<1x128xf32> to vector<1x128xf32>
    %broadcast_in_dim3A_181 = vector.broadcast %broadcast_in_dim3A_180 : vector<1x128xf32> to vector<128x128xf32>
    %swap3A_182 = arith.constant 0 : index
    %swap3A_183 = arith.constant 8 : index
    %swap3A_184 = arith.constant 0 : index
    %swap3A_185 = arith.constant 128 : index
    %swap3A_186 = vector.load %arg4[%swap3A_182, %swap3A_183, %swap3A_184, %swap3A_185] : memref<1x32x128x256xf32, #tpu.memory_space<vmem>>, vector<1x1x128x128xf32>
    %swap3A_187 = vector.shape_cast %swap3A_186 : vector<1x1x128x128xf32> to vector<128x128xf32>
    %swap3A_188 = vector.shape_cast %broadcast_in_dim3A_181 : vector<128x128xf32> to vector<1x1x128x128xf32>
    tpu.vector_store %arg4[%swap3A_182, %swap3A_183, %swap3A_184, %swap3A_185], %swap3A_188 {strides = array<i32>} : memref<1x32x128x256xf32, #tpu.memory_space<vmem>>, vector<1x1x128x128xf32>,
    %swap3A_189 = arith.constant 0 : index
    %swap3A_190 = arith.constant 9 : index
    %swap3A_191 = arith.constant 0 : index
    %swap3A_192 = arith.constant 0 : index
    %swap3A_193 = vector.load %arg4[%swap3A_189, %swap3A_190, %swap3A_191, %swap3A_192] : memref<1x32x128x256xf32, #tpu.memory_space<vmem>>, vector<1x1x128x128xf32>
    %swap3A_194 = vector.shape_cast %swap3A_193 : vector<1x1x128x128xf32> to vector<128x128xf32>
    %swap3A_195 = vector.shape_cast %get3A_1 : vector<128x128xf32> to vector<1x1x128x128xf32>
    tpu.vector_store %arg4[%swap3A_189, %swap3A_190, %swap3A_191, %swap3A_192], %swap3A_195 {strides = array<i32>} : memref<1x32x128x256xf32, #tpu.memory_space<vmem>>, vector<1x1x128x128xf32>,
    %get3A_196 = arith.constant 9 : index
    %get3A_197 = arith.constant 0 : index
    %get3A_198 = vector.load %arg3[%get3A_196, %get3A_197] : memref<32x128xf32, #tpu.memory_space<vmem>>, vector<1x128xf32>
    %get3A_199 = vector.shape_cast %get3A_198 : vector<1x128xf32> to vector<128xf32>
    %broadcast_in_dim3A_200 = vector.shape_cast %get3A_199 : vector<128xf32> to vector<1x128xf32>
    %broadcast_in_dim3A_201 = vector.shape_cast %broadcast_in_dim3A_200 : vector<1x128xf32> to vector<1x128xf32>
    %broadcast_in_dim3A_202 = vector.broadcast %broadcast_in_dim3A_201 : vector<1x128xf32> to vector<128x128xf32>
    %swap3A_203 = arith.constant 0 : index
    %swap3A_204 = arith.constant 9 : index
    %swap3A_205 = arith.constant 0 : index
    %swap3A_206 = arith.constant 128 : index
    %swap3A_207 = vector.load %arg4[%swap3A_203, %swap3A_204, %swap3A_205, %swap3A_206] : memref<1x32x128x256xf32, #tpu.memory_space<vmem>>, vector<1x1x128x128xf32>
    %swap3A_208 = vector.shape_cast %swap3A_207 : vector<1x1x128x128xf32> to vector<128x128xf32>
    %swap3A_209 = vector.shape_cast %broadcast_in_dim3A_202 : vector<128x128xf32> to vector<1x1x128x128xf32>
    tpu.vector_store %arg4[%swap3A_203, %swap3A_204, %swap3A_205, %swap3A_206], %swap3A_209 {strides = array<i32>} : memref<1x32x128x256xf32, #tpu.memory_space<vmem>>, vector<1x1x128x128xf32>,
    %swap3A_210 = arith.constant 0 : index
    %swap3A_211 = arith.constant 10 : index
    %swap3A_212 = arith.constant 0 : index
    %swap3A_213 = arith.constant 0 : index
    %swap3A_214 = vector.load %arg4[%swap3A_210, %swap3A_211, %swap3A_212, %swap3A_213] : memref<1x32x128x256xf32, #tpu.memory_space<vmem>>, vector<1x1x128x128xf32>
    %swap3A_215 = vector.shape_cast %swap3A_214 : vector<1x1x128x128xf32> to vector<128x128xf32>
    %swap3A_216 = vector.shape_cast %get3A_1 : vector<128x128xf32> to vector<1x1x128x128xf32>
    tpu.vector_store %arg4[%swap3A_210, %swap3A_211, %swap3A_212, %swap3A_213], %swap3A_216 {strides = array<i32>} : memref<1x32x128x256xf32, #tpu.memory_space<vmem>>, vector<1x1x128x128xf32>,
    %get3A_217 = arith.constant 10 : index
    %get3A_218 = arith.constant 0 : index
    %get3A_219 = vector.load %arg3[%get3A_217, %get3A_218] : memref<32x128xf32, #tpu.memory_space<vmem>>, vector<1x128xf32>
    %get3A_220 = vector.shape_cast %get3A_219 : vector<1x128xf32> to vector<128xf32>
    %broadcast_in_dim3A_221 = vector.shape_cast %get3A_220 : vector<128xf32> to vector<1x128xf32>
    %broadcast_in_dim3A_222 = vector.shape_cast %broadcast_in_dim3A_221 : vector<1x128xf32> to vector<1x128xf32>
    %broadcast_in_dim3A_223 = vector.broadcast %broadcast_in_dim3A_222 : vector<1x128xf32> to vector<128x128xf32>
    %swap3A_224 = arith.constant 0 : index
    %swap3A_225 = arith.constant 10 : index
    %swap3A_226 = arith.constant 0 : index
    %swap3A_227 = arith.constant 128 : index
    %swap3A_228 = vector.load %arg4[%swap3A_224, %swap3A_225, %swap3A_226, %swap3A_227] : memref<1x32x128x256xf32, #tpu.memory_space<vmem>>, vector<1x1x128x128xf32>
    %swap3A_229 = vector.shape_cast %swap3A_228 : vector<1x1x128x128xf32> to vector<128x128xf32>
    %swap3A_230 = vector.shape_cast %broadcast_in_dim3A_223 : vector<128x128xf32> to vector<1x1x128x128xf32>
    tpu.vector_store %arg4[%swap3A_224, %swap3A_225, %swap3A_226, %swap3A_227], %swap3A_230 {strides = array<i32>} : memref<1x32x128x256xf32, #tpu.memory_space<vmem>>, vector<1x1x128x128xf32>,
    %swap3A_231 = arith.constant 0 : index
    %swap3A_232 = arith.constant 11 : index
    %swap3A_233 = arith.constant 0 : index
    %swap3A_234 = arith.constant 0 : index
    %swap3A_235 = vector.load %arg4[%swap3A_231, %swap3A_232, %swap3A_233, %swap3A_234] : memref<1x32x128x256xf32, #tpu.memory_space<vmem>>, vector<1x1x128x128xf32>
    %swap3A_236 = vector.shape_cast %swap3A_235 : vector<1x1x128x128xf32> to vector<128x128xf32>
    %swap3A_237 = vector.shape_cast %get3A_1 : vector<128x128xf32> to vector<1x1x128x128xf32>
    tpu.vector_store %arg4[%swap3A_231, %swap3A_232, %swap3A_233, %swap3A_234], %swap3A_237 {strides = array<i32>} : memref<1x32x128x256xf32, #tpu.memory_space<vmem>>, vector<1x1x128x128xf32>,
    %get3A_238 = arith.constant 11 : index
    %get3A_239 = arith.constant 0 : index
    %get3A_240 = vector.load %arg3[%get3A_238, %get3A_239] : memref<32x128xf32, #tpu.memory_space<vmem>>, vector<1x128xf32>
    %get3A_241 = vector.shape_cast %get3A_240 : vector<1x128xf32> to vector<128xf32>
    %broadcast_in_dim3A_242 = vector.shape_cast %get3A_241 : vector<128xf32> to vector<1x128xf32>
    %broadcast_in_dim3A_243 = vector.shape_cast %broadcast_in_dim3A_242 : vector<1x128xf32> to vector<1x128xf32>
    %broadcast_in_dim3A_244 = vector.broadcast %broadcast_in_dim3A_243 : vector<1x128xf32> to vector<128x128xf32>
    %swap3A_245 = arith.constant 0 : index
    %swap3A_246 = arith.constant 11 : index
    %swap3A_247 = arith.constant 0 : index
    %swap3A_248 = arith.constant 128 : index
    %swap3A_249 = vector.load %arg4[%swap3A_245, %swap3A_246, %swap3A_247, %swap3A_248] : memref<1x32x128x256xf32, #tpu.memory_space<vmem>>, vector<1x1x128x128xf32>
    %swap3A_250 = vector.shape_cast %swap3A_249 : vector<1x1x128x128xf32> to vector<128x128xf32>
    %swap3A_251 = vector.shape_cast %broadcast_in_dim3A_244 : vector<128x128xf32> to vector<1x1x128x128xf32>
    tpu.vector_store %arg4[%swap3A_245, %swap3A_246, %swap3A_247, %swap3A_248], %swap3A_251 {strides = array<i32>} : memref<1x32x128x256xf32, #tpu.memory_space<vmem>>, vector<1x1x128x128xf32>,
    %swap3A_252 = arith.constant 0 : index
    %swap3A_253 = arith.constant 12 : index
    %swap3A_254 = arith.constant 0 : index
    %swap3A_255 = arith.constant 0 : index
    %swap3A_256 = vector.load %arg4[%swap3A_252, %swap3A_253, %swap3A_254, %swap3A_255] : memref<1x32x128x256xf32, #tpu.memory_space<vmem>>, vector<1x1x128x128xf32>
    %swap3A_257 = vector.shape_cast %swap3A_256 : vector<1x1x128x128xf32> to vector<128x128xf32>
    %swap3A_258 = vector.shape_cast %get3A_1 : vector<128x128xf32> to vector<1x1x128x128xf32>
    tpu.vector_store %arg4[%swap3A_252, %swap3A_253, %swap3A_254, %swap3A_255], %swap3A_258 {strides = array<i32>} : memref<1x32x128x256xf32, #tpu.memory_space<vmem>>, vector<1x1x128x128xf32>,
    %get3A_259 = arith.constant 12 : index
    %get3A_260 = arith.constant 0 : index
    %get3A_261 = vector.load %arg3[%get3A_259, %get3A_260] : memref<32x128xf32, #tpu.memory_space<vmem>>, vector<1x128xf32>
    %get3A_262 = vector.shape_cast %get3A_261 : vector<1x128xf32> to vector<128xf32>
    %broadcast_in_dim3A_263 = vector.shape_cast %get3A_262 : vector<128xf32> to vector<1x128xf32>
    %broadcast_in_dim3A_264 = vector.shape_cast %broadcast_in_dim3A_263 : vector<1x128xf32> to vector<1x128xf32>
    %broadcast_in_dim3A_265 = vector.broadcast %broadcast_in_dim3A_264 : vector<1x128xf32> to vector<128x128xf32>
    %swap3A_266 = arith.constant 0 : index
    %swap3A_267 = arith.constant 12 : index
    %swap3A_268 = arith.constant 0 : index
    %swap3A_269 = arith.constant 128 : index
    %swap3A_270 = vector.load %arg4[%swap3A_266, %swap3A_267, %swap3A_268, %swap3A_269] : memref<1x32x128x256xf32, #tpu.memory_space<vmem>>, vector<1x1x128x128xf32>
    %swap3A_271 = vector.shape_cast %swap3A_270 : vector<1x1x128x128xf32> to vector<128x128xf32>
    %swap3A_272 = vector.shape_cast %broadcast_in_dim3A_265 : vector<128x128xf32> to vector<1x1x128x128xf32>
    tpu.vector_store %arg4[%swap3A_266, %swap3A_267, %swap3A_268, %swap3A_269], %swap3A_272 {strides = array<i32>} : memref<1x32x128x256xf32, #tpu.memory_space<vmem>>, vector<1x1x128x128xf32>,
    %swap3A_273 = arith.constant 0 : index
    %swap3A_274 = arith.constant 13 : index
    %swap3A_275 = arith.constant 0 : index
    %swap3A_276 = arith.constant 0 : index
    %swap3A_277 = vector.load %arg4[%swap3A_273, %swap3A_274, %swap3A_275, %swap3A_276] : memref<1x32x128x256xf32, #tpu.memory_space<vmem>>, vector<1x1x128x128xf32>
    %swap3A_278 = vector.shape_cast %swap3A_277 : vector<1x1x128x128xf32> to vector<128x128xf32>
    %swap3A_279 = vector.shape_cast %get3A_1 : vector<128x128xf32> to vector<1x1x128x128xf32>
    tpu.vector_store %arg4[%swap3A_273, %swap3A_274, %swap3A_275, %swap3A_276], %swap3A_279 {strides = array<i32>} : memref<1x32x128x256xf32, #tpu.memory_space<vmem>>, vector<1x1x128x128xf32>,
    %get3A_280 = arith.constant 13 : index
    %get3A_281 = arith.constant 0 : index
    %get3A_282 = vector.load %arg3[%get3A_280, %get3A_281] : memref<32x128xf32, #tpu.memory_space<vmem>>, vector<1x128xf32>
    %get3A_283 = vector.shape_cast %get3A_282 : vector<1x128xf32> to vector<128xf32>
    %broadcast_in_dim3A_284 = vector.shape_cast %get3A_283 : vector<128xf32> to vector<1x128xf32>
    %broadcast_in_dim3A_285 = vector.shape_cast %broadcast_in_dim3A_284 : vector<1x128xf32> to vector<1x128xf32>
    %broadcast_in_dim3A_286 = vector.broadcast %broadcast_in_dim3A_285 : vector<1x128xf32> to vector<128x128xf32>
    %swap3A_287 = arith.constant 0 : index
    %swap3A_288 = arith.constant 13 : index
    %swap3A_289 = arith.constant 0 : index
    %swap3A_290 = arith.constant 128 : index
    %swap3A_291 = vector.load %arg4[%swap3A_287, %swap3A_288, %swap3A_289, %swap3A_290] : memref<1x32x128x256xf32, #tpu.memory_space<vmem>>, vector<1x1x128x128xf32>
    %swap3A_292 = vector.shape_cast %swap3A_291 : vector<1x1x128x128xf32> to vector<128x128xf32>
    %swap3A_293 = vector.shape_cast %broadcast_in_dim3A_286 : vector<128x128xf32> to vector<1x1x128x128xf32>
    tpu.vector_store %arg4[%swap3A_287, %swap3A_288, %swap3A_289, %swap3A_290], %swap3A_293 {strides = array<i32>} : memref<1x32x128x256xf32, #tpu.memory_space<vmem>>, vector<1x1x128x128xf32>,
    %swap3A_294 = arith.constant 0 : index
    %swap3A_295 = arith.constant 14 : index
    %swap3A_296 = arith.constant 0 : index
    %swap3A_297 = arith.constant 0 : index
    %swap3A_298 = vector.load %arg4[%swap3A_294, %swap3A_295, %swap3A_296, %swap3A_297] : memref<1x32x128x256xf32, #tpu.memory_space<vmem>>, vector<1x1x128x128xf32>
    %swap3A_299 = vector.shape_cast %swap3A_298 : vector<1x1x128x128xf32> to vector<128x128xf32>
    %swap3A_300 = vector.shape_cast %get3A_1 : vector<128x128xf32> to vector<1x1x128x128xf32>
    tpu.vector_store %arg4[%swap3A_294, %swap3A_295, %swap3A_296, %swap3A_297], %swap3A_300 {strides = array<i32>} : memref<1x32x128x256xf32, #tpu.memory_space<vmem>>, vector<1x1x128x128xf32>,
    %get3A_301 = arith.constant 14 : index
    %get3A_302 = arith.constant 0 : index
    %get3A_303 = vector.load %arg3[%get3A_301, %get3A_302] : memref<32x128xf32, #tpu.memory_space<vmem>>, vector<1x128xf32>
    %get3A_304 = vector.shape_cast %get3A_303 : vector<1x128xf32> to vector<128xf32>
    %broadcast_in_dim3A_305 = vector.shape_cast %get3A_304 : vector<128xf32> to vector<1x128xf32>
    %broadcast_in_dim3A_306 = vector.shape_cast %broadcast_in_dim3A_305 : vector<1x128xf32> to vector<1x128xf32>
    %broadcast_in_dim3A_307 = vector.broadcast %broadcast_in_dim3A_306 : vector<1x128xf32> to vector<128x128xf32>
    %swap3A_308 = arith.constant 0 : index
    %swap3A_309 = arith.constant 14 : index
    %swap3A_310 = arith.constant 0 : index
    %swap3A_311 = arith.constant 128 : index
    %swap3A_312 = vector.load %arg4[%swap3A_308, %swap3A_309, %swap3A_310, %swap3A_311] : memref<1x32x128x256xf32, #tpu.memory_space<vmem>>, vector<1x1x128x128xf32>
    %swap3A_313 = vector.shape_cast %swap3A_312 : vector<1x1x128x128xf32> to vector<128x128xf32>
    %swap3A_314 = vector.shape_cast %broadcast_in_dim3A_307 : vector<128x128xf32> to vector<1x1x128x128xf32>
    tpu.vector_store %arg4[%swap3A_308, %swap3A_309, %swap3A_310, %swap3A_311], %swap3A_314 {strides = array<i32>} : memref<1x32x128x256xf32, #tpu.memory_space<vmem>>, vector<1x1x128x128xf32>,
    %swap3A_315 = arith.constant 0 : index
    %swap3A_316 = arith.constant 15 : index
    %swap3A_317 = arith.constant 0 : index
    %swap3A_318 = arith.constant 0 : index
    %swap3A_319 = vector.load %arg4[%swap3A_315, %swap3A_316, %swap3A_317, %swap3A_318] : memref<1x32x128x256xf32, #tpu.memory_space<vmem>>, vector<1x1x128x128xf32>
    %swap3A_320 = vector.shape_cast %swap3A_319 : vector<1x1x128x128xf32> to vector<128x128xf32>
    %swap3A_321 = vector.shape_cast %get3A_1 : vector<128x128xf32> to vector<1x1x128x128xf32>
    tpu.vector_store %arg4[%swap3A_315, %swap3A_316, %swap3A_317, %swap3A_318], %swap3A_321 {strides = array<i32>} : memref<1x32x128x256xf32, #tpu.memory_space<vmem>>, vector<1x1x128x128xf32>,
    %get3A_322 = arith.constant 15 : index
    %get3A_323 = arith.constant 0 : index
    %get3A_324 = vector.load %arg3[%get3A_322, %get3A_323] : memref<32x128xf32, #tpu.memory_space<vmem>>, vector<1x128xf32>
    %get3A_325 = vector.shape_cast %get3A_324 : vector<1x128xf32> to vector<128xf32>
    %broadcast_in_dim3A_326 = vector.shape_cast %get3A_325 : vector<128xf32> to vector<1x128xf32>
    %broadcast_in_dim3A_327 = vector.shape_cast %broadcast_in_dim3A_326 : vector<1x128xf32> to vector<1x128xf32>
    %broadcast_in_dim3A_328 = vector.broadcast %broadcast_in_dim3A_327 : vector<1x128xf32> to vector<128x128xf32>
    %swap3A_329 = arith.constant 0 : index
    %swap3A_330 = arith.constant 15 : index
    %swap3A_331 = arith.constant 0 : index
    %swap3A_332 = arith.constant 128 : index
    %swap3A_333 = vector.load %arg4[%swap3A_329, %swap3A_330, %swap3A_331, %swap3A_332] : memref<1x32x128x256xf32, #tpu.memory_space<vmem>>, vector<1x1x128x128xf32>
    %swap3A_334 = vector.shape_cast %swap3A_333 : vector<1x1x128x128xf32> to vector<128x128xf32>
    %swap3A_335 = vector.shape_cast %broadcast_in_dim3A_328 : vector<128x128xf32> to vector<1x1x128x128xf32>
    tpu.vector_store %arg4[%swap3A_329, %swap3A_330, %swap3A_331, %swap3A_332], %swap3A_335 {strides = array<i32>} : memref<1x32x128x256xf32, #tpu.memory_space<vmem>>, vector<1x1x128x128xf32>,
    %swap3A_336 = arith.constant 0 : index
    %swap3A_337 = arith.constant 16 : index
    %swap3A_338 = arith.constant 0 : index
    %swap3A_339 = arith.constant 0 : index
    %swap3A_340 = vector.load %arg4[%swap3A_336, %swap3A_337, %swap3A_338, %swap3A_339] : memref<1x32x128x256xf32, #tpu.memory_space<vmem>>, vector<1x1x128x128xf32>
    %swap3A_341 = vector.shape_cast %swap3A_340 : vector<1x1x128x128xf32> to vector<128x128xf32>
    %swap3A_342 = vector.shape_cast %get3A_1 : vector<128x128xf32> to vector<1x1x128x128xf32>
    tpu.vector_store %arg4[%swap3A_336, %swap3A_337, %swap3A_338, %swap3A_339], %swap3A_342 {strides = array<i32>} : memref<1x32x128x256xf32, #tpu.memory_space<vmem>>, vector<1x1x128x128xf32>,
    %get3A_343 = arith.constant 16 : index
    %get3A_344 = arith.constant 0 : index
    %get3A_345 = vector.load %arg3[%get3A_343, %get3A_344] : memref<32x128xf32, #tpu.memory_space<vmem>>, vector<1x128xf32>
    %get3A_346 = vector.shape_cast %get3A_345 : vector<1x128xf32> to vector<128xf32>
    %broadcast_in_dim3A_347 = vector.shape_cast %get3A_346 : vector<128xf32> to vector<1x128xf32>
    %broadcast_in_dim3A_348 = vector.shape_cast %broadcast_in_dim3A_347 : vector<1x128xf32> to vector<1x128xf32>
    %broadcast_in_dim3A_349 = vector.broadcast %broadcast_in_dim3A_348 : vector<1x128xf32> to vector<128x128xf32>
    %swap3A_350 = arith.constant 0 : index
    %swap3A_351 = arith.constant 16 : index
    %swap3A_352 = arith.constant 0 : index
    %swap3A_353 = arith.constant 128 : index
    %swap3A_354 = vector.load %arg4[%swap3A_350, %swap3A_351, %swap3A_352, %swap3A_353] : memref<1x32x128x256xf32, #tpu.memory_space<vmem>>, vector<1x1x128x128xf32>
    %swap3A_355 = vector.shape_cast %swap3A_354 : vector<1x1x128x128xf32> to vector<128x128xf32>
    %swap3A_356 = vector.shape_cast %broadcast_in_dim3A_349 : vector<128x128xf32> to vector<1x1x128x128xf32>
    tpu.vector_store %arg4[%swap3A_350, %swap3A_351, %swap3A_352, %swap3A_353], %swap3A_356 {strides = array<i32>} : memref<1x32x128x256xf32, #tpu.memory_space<vmem>>, vector<1x1x128x128xf32>,
    %swap3A_357 = arith.constant 0 : index
    %swap3A_358 = arith.constant 17 : index
    %swap3A_359 = arith.constant 0 : index
    %swap3A_360 = arith.constant 0 : index
    %swap3A_361 = vector.load %arg4[%swap3A_357, %swap3A_358, %swap3A_359, %swap3A_360] : memref<1x32x128x256xf32, #tpu.memory_space<vmem>>, vector<1x1x128x128xf32>
    %swap3A_362 = vector.shape_cast %swap3A_361 : vector<1x1x128x128xf32> to vector<128x128xf32>
    %swap3A_363 = vector.shape_cast %get3A_1 : vector<128x128xf32> to vector<1x1x128x128xf32>
    tpu.vector_store %arg4[%swap3A_357, %swap3A_358, %swap3A_359, %swap3A_360], %swap3A_363 {strides = array<i32>} : memref<1x32x128x256xf32, #tpu.memory_space<vmem>>, vector<1x1x128x128xf32>,
    %get3A_364 = arith.constant 17 : index
    %get3A_365 = arith.constant 0 : index
    %get3A_366 = vector.load %arg3[%get3A_364, %get3A_365] : memref<32x128xf32, #tpu.memory_space<vmem>>, vector<1x128xf32>
    %get3A_367 = vector.shape_cast %get3A_366 : vector<1x128xf32> to vector<128xf32>
    %broadcast_in_dim3A_368 = vector.shape_cast %get3A_367 : vector<128xf32> to vector<1x128xf32>
    %broadcast_in_dim3A_369 = vector.shape_cast %broadcast_in_dim3A_368 : vector<1x128xf32> to vector<1x128xf32>
    %broadcast_in_dim3A_370 = vector.broadcast %broadcast_in_dim3A_369 : vector<1x128xf32> to vector<128x128xf32>
    %swap3A_371 = arith.constant 0 : index
    %swap3A_372 = arith.constant 17 : index
    %swap3A_373 = arith.constant 0 : index
    %swap3A_374 = arith.constant 128 : index
    %swap3A_375 = vector.load %arg4[%swap3A_371, %swap3A_372, %swap3A_373, %swap3A_374] : memref<1x32x128x256xf32, #tpu.memory_space<vmem>>, vector<1x1x128x128xf32>
    %swap3A_376 = vector.shape_cast %swap3A_375 : vector<1x1x128x128xf32> to vector<128x128xf32>
    %swap3A_377 = vector.shape_cast %broadcast_in_dim3A_370 : vector<128x128xf32> to vector<1x1x128x128xf32>
    tpu.vector_store %arg4[%swap3A_371, %swap3A_372, %swap3A_373, %swap3A_374], %swap3A_377 {strides = array<i32>} : memref<1x32x128x256xf32, #tpu.memory_space<vmem>>, vector<1x1x128x128xf32>,
    %swap3A_378 = arith.constant 0 : index
    %swap3A_379 = arith.constant 18 : index
    %swap3A_380 = arith.constant 0 : index
    %swap3A_381 = arith.constant 0 : index
    %swap3A_382 = vector.load %arg4[%swap3A_378, %swap3A_379, %swap3A_380, %swap3A_381] : memref<1x32x128x256xf32, #tpu.memory_space<vmem>>, vector<1x1x128x128xf32>
    %swap3A_383 = vector.shape_cast %swap3A_382 : vector<1x1x128x128xf32> to vector<128x128xf32>
    %swap3A_384 = vector.shape_cast %get3A_1 : vector<128x128xf32> to vector<1x1x128x128xf32>
    tpu.vector_store %arg4[%swap3A_378, %swap3A_379, %swap3A_380, %swap3A_381], %swap3A_384 {strides = array<i32>} : memref<1x32x128x256xf32, #tpu.memory_space<vmem>>, vector<1x1x128x128xf32>,
    %get3A_385 = arith.constant 18 : index
    %get3A_386 = arith.constant 0 : index
    %get3A_387 = vector.load %arg3[%get3A_385, %get3A_386] : memref<32x128xf32, #tpu.memory_space<vmem>>, vector<1x128xf32>
    %get3A_388 = vector.shape_cast %get3A_387 : vector<1x128xf32> to vector<128xf32>
    %broadcast_in_dim3A_389 = vector.shape_cast %get3A_388 : vector<128xf32> to vector<1x128xf32>
    %broadcast_in_dim3A_390 = vector.shape_cast %broadcast_in_dim3A_389 : vector<1x128xf32> to vector<1x128xf32>
    %broadcast_in_dim3A_391 = vector.broadcast %broadcast_in_dim3A_390 : vector<1x128xf32> to vector<128x128xf32>
    %swap3A_392 = arith.constant 0 : index
    %swap3A_393 = arith.constant 18 : index
    %swap3A_394 = arith.constant 0 : index
    %swap3A_395 = arith.constant 128 : index
    %swap3A_396 = vector.load %arg4[%swap3A_392, %swap3A_393, %swap3A_394, %swap3A_395] : memref<1x32x128x256xf32, #tpu.memory_space<vmem>>, vector<1x1x128x128xf32>
    %swap3A_397 = vector.shape_cast %swap3A_396 : vector<1x1x128x128xf32> to vector<128x128xf32>
    %swap3A_398 = vector.shape_cast %broadcast_in_dim3A_391 : vector<128x128xf32> to vector<1x1x128x128xf32>
    tpu.vector_store %arg4[%swap3A_392, %swap3A_393, %swap3A_394, %swap3A_395], %swap3A_398 {strides = array<i32>} : memref<1x32x128x256xf32, #tpu.memory_space<vmem>>, vector<1x1x128x128xf32>,
    %swap3A_399 = arith.constant 0 : index
    %swap3A_400 = arith.constant 19 : index
    %swap3A_401 = arith.constant 0 : index
    %swap3A_402 = arith.constant 0 : index
    %swap3A_403 = vector.load %arg4[%swap3A_399, %swap3A_400, %swap3A_401, %swap3A_402] : memref<1x32x128x256xf32, #tpu.memory_space<vmem>>, vector<1x1x128x128xf32>
    %swap3A_404 = vector.shape_cast %swap3A_403 : vector<1x1x128x128xf32> to vector<128x128xf32>
    %swap3A_405 = vector.shape_cast %get3A_1 : vector<128x128xf32> to vector<1x1x128x128xf32>
    tpu.vector_store %arg4[%swap3A_399, %swap3A_400, %swap3A_401, %swap3A_402], %swap3A_405 {strides = array<i32>} : memref<1x32x128x256xf32, #tpu.memory_space<vmem>>, vector<1x1x128x128xf32>,
    %get3A_406 = arith.constant 19 : index
    %get3A_407 = arith.constant 0 : index
    %get3A_408 = vector.load %arg3[%get3A_406, %get3A_407] : memref<32x128xf32, #tpu.memory_space<vmem>>, vector<1x128xf32>
    %get3A_409 = vector.shape_cast %get3A_408 : vector<1x128xf32> to vector<128xf32>
    %broadcast_in_dim3A_410 = vector.shape_cast %get3A_409 : vector<128xf32> to vector<1x128xf32>
    %broadcast_in_dim3A_411 = vector.shape_cast %broadcast_in_dim3A_410 : vector<1x128xf32> to vector<1x128xf32>
    %broadcast_in_dim3A_412 = vector.broadcast %broadcast_in_dim3A_411 : vector<1x128xf32> to vector<128x128xf32>
    %swap3A_413 = arith.constant 0 : index
    %swap3A_414 = arith.constant 19 : index
    %swap3A_415 = arith.constant 0 : index
    %swap3A_416 = arith.constant 128 : index
    %swap3A_417 = vector.load %arg4[%swap3A_413, %swap3A_414, %swap3A_415, %swap3A_416] : memref<1x32x128x256xf32, #tpu.memory_space<vmem>>, vector<1x1x128x128xf32>
    %swap3A_418 = vector.shape_cast %swap3A_417 : vector<1x1x128x128xf32> to vector<128x128xf32>
    %swap3A_419 = vector.shape_cast %broadcast_in_dim3A_412 : vector<128x128xf32> to vector<1x1x128x128xf32>
    tpu.vector_store %arg4[%swap3A_413, %swap3A_414, %swap3A_415, %swap3A_416], %swap3A_419 {strides = array<i32>} : memref<1x32x128x256xf32, #tpu.memory_space<vmem>>, vector<1x1x128x128xf32>,
    %swap3A_420 = arith.constant 0 : index
    %swap3A_421 = arith.constant 20 : index
    %swap3A_422 = arith.constant 0 : index
    %swap3A_423 = arith.constant 0 : index
    %swap3A_424 = vector.load %arg4[%swap3A_420, %swap3A_421, %swap3A_422, %swap3A_423] : memref<1x32x128x256xf32, #tpu.memory_space<vmem>>, vector<1x1x128x128xf32>
    %swap3A_425 = vector.shape_cast %swap3A_424 : vector<1x1x128x128xf32> to vector<128x128xf32>
    %swap3A_426 = vector.shape_cast %get3A_1 : vector<128x128xf32> to vector<1x1x128x128xf32>
    tpu.vector_store %arg4[%swap3A_420, %swap3A_421, %swap3A_422, %swap3A_423], %swap3A_426 {strides = array<i32>} : memref<1x32x128x256xf32, #tpu.memory_space<vmem>>, vector<1x1x128x128xf32>,
    %get3A_427 = arith.constant 20 : index
    %get3A_428 = arith.constant 0 : index
    %get3A_429 = vector.load %arg3[%get3A_427, %get3A_428] : memref<32x128xf32, #tpu.memory_space<vmem>>, vector<1x128xf32>
    %get3A_430 = vector.shape_cast %get3A_429 : vector<1x128xf32> to vector<128xf32>
    %broadcast_in_dim3A_431 = vector.shape_cast %get3A_430 : vector<128xf32> to vector<1x128xf32>
    %broadcast_in_dim3A_432 = vector.shape_cast %broadcast_in_dim3A_431 : vector<1x128xf32> to vector<1x128xf32>
    %broadcast_in_dim3A_433 = vector.broadcast %broadcast_in_dim3A_432 : vector<1x128xf32> to vector<128x128xf32>
    %swap3A_434 = arith.constant 0 : index
    %swap3A_435 = arith.constant 20 : index
    %swap3A_436 = arith.constant 0 : index
    %swap3A_437 = arith.constant 128 : index
    %swap3A_438 = vector.load %arg4[%swap3A_434, %swap3A_435, %swap3A_436, %swap3A_437] : memref<1x32x128x256xf32, #tpu.memory_space<vmem>>, vector<1x1x128x128xf32>
    %swap3A_439 = vector.shape_cast %swap3A_438 : vector<1x1x128x128xf32> to vector<128x128xf32>
    %swap3A_440 = vector.shape_cast %broadcast_in_dim3A_433 : vector<128x128xf32> to vector<1x1x128x128xf32>
    tpu.vector_store %arg4[%swap3A_434, %swap3A_435, %swap3A_436, %swap3A_437], %swap3A_440 {strides = array<i32>} : memref<1x32x128x256xf32, #tpu.memory_space<vmem>>, vector<1x1x128x128xf32>,
    %swap3A_441 = arith.constant 0 : index
    %swap3A_442 = arith.constant 21 : index
    %swap3A_443 = arith.constant 0 : index
    %swap3A_444 = arith.constant 0 : index
    %swap3A_445 = vector.load %arg4[%swap3A_441, %swap3A_442, %swap3A_443, %swap3A_444] : memref<1x32x128x256xf32, #tpu.memory_space<vmem>>, vector<1x1x128x128xf32>
    %swap3A_446 = vector.shape_cast %swap3A_445 : vector<1x1x128x128xf32> to vector<128x128xf32>
    %swap3A_447 = vector.shape_cast %get3A_1 : vector<128x128xf32> to vector<1x1x128x128xf32>
    tpu.vector_store %arg4[%swap3A_441, %swap3A_442, %swap3A_443, %swap3A_444], %swap3A_447 {strides = array<i32>} : memref<1x32x128x256xf32, #tpu.memory_space<vmem>>, vector<1x1x128x128xf32>,
    %get3A_448 = arith.constant 21 : index
    %get3A_449 = arith.constant 0 : index
    %get3A_450 = vector.load %arg3[%get3A_448, %get3A_449] : memref<32x128xf32, #tpu.memory_space<vmem>>, vector<1x128xf32>
    %get3A_451 = vector.shape_cast %get3A_450 : vector<1x128xf32> to vector<128xf32>
    %broadcast_in_dim3A_452 = vector.shape_cast %get3A_451 : vector<128xf32> to vector<1x128xf32>
    %broadcast_in_dim3A_453 = vector.shape_cast %broadcast_in_dim3A_452 : vector<1x128xf32> to vector<1x128xf32>
    %broadcast_in_dim3A_454 = vector.broadcast %broadcast_in_dim3A_453 : vector<1x128xf32> to vector<128x128xf32>
    %swap3A_455 = arith.constant 0 : index
    %swap3A_456 = arith.constant 21 : index
    %swap3A_457 = arith.constant 0 : index
    %swap3A_458 = arith.constant 128 : index
    %swap3A_459 = vector.load %arg4[%swap3A_455, %swap3A_456, %swap3A_457, %swap3A_458] : memref<1x32x128x256xf32, #tpu.memory_space<vmem>>, vector<1x1x128x128xf32>
    %swap3A_460 = vector.shape_cast %swap3A_459 : vector<1x1x128x128xf32> to vector<128x128xf32>
    %swap3A_461 = vector.shape_cast %broadcast_in_dim3A_454 : vector<128x128xf32> to vector<1x1x128x128xf32>
    tpu.vector_store %arg4[%swap3A_455, %swap3A_456, %swap3A_457, %swap3A_458], %swap3A_461 {strides = array<i32>} : memref<1x32x128x256xf32, #tpu.memory_space<vmem>>, vector<1x1x128x128xf32>,
    %swap3A_462 = arith.constant 0 : index
    %swap3A_463 = arith.constant 22 : index
    %swap3A_464 = arith.constant 0 : index
    %swap3A_465 = arith.constant 0 : index
    %swap3A_466 = vector.load %arg4[%swap3A_462, %swap3A_463, %swap3A_464, %swap3A_465] : memref<1x32x128x256xf32, #tpu.memory_space<vmem>>, vector<1x1x128x128xf32>
    %swap3A_467 = vector.shape_cast %swap3A_466 : vector<1x1x128x128xf32> to vector<128x128xf32>
    %swap3A_468 = vector.shape_cast %get3A_1 : vector<128x128xf32> to vector<1x1x128x128xf32>
    tpu.vector_store %arg4[%swap3A_462, %swap3A_463, %swap3A_464, %swap3A_465], %swap3A_468 {strides = array<i32>} : memref<1x32x128x256xf32, #tpu.memory_space<vmem>>, vector<1x1x128x128xf32>,
    %get3A_469 = arith.constant 22 : index
    %get3A_470 = arith.constant 0 : index
    %get3A_471 = vector.load %arg3[%get3A_469, %get3A_470] : memref<32x128xf32, #tpu.memory_space<vmem>>, vector<1x128xf32>
    %get3A_472 = vector.shape_cast %get3A_471 : vector<1x128xf32> to vector<128xf32>
    %broadcast_in_dim3A_473 = vector.shape_cast %get3A_472 : vector<128xf32> to vector<1x128xf32>
    %broadcast_in_dim3A_474 = vector.shape_cast %broadcast_in_dim3A_473 : vector<1x128xf32> to vector<1x128xf32>
    %broadcast_in_dim3A_475 = vector.broadcast %broadcast_in_dim3A_474 : vector<1x128xf32> to vector<128x128xf32>
    %swap3A_476 = arith.constant 0 : index
    %swap3A_477 = arith.constant 22 : index
    %swap3A_478 = arith.constant 0 : index
    %swap3A_479 = arith.constant 128 : index
    %swap3A_480 = vector.load %arg4[%swap3A_476, %swap3A_477, %swap3A_478, %swap3A_479] : memref<1x32x128x256xf32, #tpu.memory_space<vmem>>, vector<1x1x128x128xf32>
    %swap3A_481 = vector.shape_cast %swap3A_480 : vector<1x1x128x128xf32> to vector<128x128xf32>
    %swap3A_482 = vector.shape_cast %broadcast_in_dim3A_475 : vector<128x128xf32> to vector<1x1x128x128xf32>
    tpu.vector_store %arg4[%swap3A_476, %swap3A_477, %swap3A_478, %swap3A_479], %swap3A_482 {strides = array<i32>} : memref<1x32x128x256xf32, #tpu.memory_space<vmem>>, vector<1x1x128x128xf32>,
    %swap3A_483 = arith.constant 0 : index
    %swap3A_484 = arith.constant 23 : index
    %swap3A_485 = arith.constant 0 : index
    %swap3A_486 = arith.constant 0 : index
    %swap3A_487 = vector.load %arg4[%swap3A_483, %swap3A_484, %swap3A_485, %swap3A_486] : memref<1x32x128x256xf32, #tpu.memory_space<vmem>>, vector<1x1x128x128xf32>
    %swap3A_488 = vector.shape_cast %swap3A_487 : vector<1x1x128x128xf32> to vector<128x128xf32>
    %swap3A_489 = vector.shape_cast %get3A_1 : vector<128x128xf32> to vector<1x1x128x128xf32>
    tpu.vector_store %arg4[%swap3A_483, %swap3A_484, %swap3A_485, %swap3A_486], %swap3A_489 {strides = array<i32>} : memref<1x32x128x256xf32, #tpu.memory_space<vmem>>, vector<1x1x128x128xf32>,
    %get3A_490 = arith.constant 23 : index
    %get3A_491 = arith.constant 0 : index
    %get3A_492 = vector.load %arg3[%get3A_490, %get3A_491] : memref<32x128xf32, #tpu.memory_space<vmem>>, vector<1x128xf32>
    %get3A_493 = vector.shape_cast %get3A_492 : vector<1x128xf32> to vector<128xf32>
    %broadcast_in_dim3A_494 = vector.shape_cast %get3A_493 : vector<128xf32> to vector<1x128xf32>
    %broadcast_in_dim3A_495 = vector.shape_cast %broadcast_in_dim3A_494 : vector<1x128xf32> to vector<1x128xf32>
    %broadcast_in_dim3A_496 = vector.broadcast %broadcast_in_dim3A_495 : vector<1x128xf32> to vector<128x128xf32>
    %swap3A_497 = arith.constant 0 : index
    %swap3A_498 = arith.constant 23 : index
    %swap3A_499 = arith.constant 0 : index
    %swap3A_500 = arith.constant 128 : index
    %swap3A_501 = vector.load %arg4[%swap3A_497, %swap3A_498, %swap3A_499, %swap3A_500] : memref<1x32x128x256xf32, #tpu.memory_space<vmem>>, vector<1x1x128x128xf32>
    %swap3A_502 = vector.shape_cast %swap3A_501 : vector<1x1x128x128xf32> to vector<128x128xf32>
    %swap3A_503 = vector.shape_cast %broadcast_in_dim3A_496 : vector<128x128xf32> to vector<1x1x128x128xf32>
    tpu.vector_store %arg4[%swap3A_497, %swap3A_498, %swap3A_499, %swap3A_500], %swap3A_503 {strides = array<i32>} : memref<1x32x128x256xf32, #tpu.memory_space<vmem>>, vector<1x1x128x128xf32>,
    %swap3A_504 = arith.constant 0 : index
    %swap3A_505 = arith.constant 24 : index
    %swap3A_506 = arith.constant 0 : index
    %swap3A_507 = arith.constant 0 : index
    %swap3A_508 = vector.load %arg4[%swap3A_504, %swap3A_505, %swap3A_506, %swap3A_507] : memref<1x32x128x256xf32, #tpu.memory_space<vmem>>, vector<1x1x128x128xf32>
    %swap3A_509 = vector.shape_cast %swap3A_508 : vector<1x1x128x128xf32> to vector<128x128xf32>
    %swap3A_510 = vector.shape_cast %get3A_1 : vector<128x128xf32> to vector<1x1x128x128xf32>
    tpu.vector_store %arg4[%swap3A_504, %swap3A_505, %swap3A_506, %swap3A_507], %swap3A_510 {strides = array<i32>} : memref<1x32x128x256xf32, #tpu.memory_space<vmem>>, vector<1x1x128x128xf32>,
    %get3A_511 = arith.constant 24 : index
    %get3A_512 = arith.constant 0 : index
    %get3A_513 = vector.load %arg3[%get3A_511, %get3A_512] : memref<32x128xf32, #tpu.memory_space<vmem>>, vector<1x128xf32>
    %get3A_514 = vector.shape_cast %get3A_513 : vector<1x128xf32> to vector<128xf32>
    %broadcast_in_dim3A_515 = vector.shape_cast %get3A_514 : vector<128xf32> to vector<1x128xf32>
    %broadcast_in_dim3A_516 = vector.shape_cast %broadcast_in_dim3A_515 : vector<1x128xf32> to vector<1x128xf32>
    %broadcast_in_dim3A_517 = vector.broadcast %broadcast_in_dim3A_516 : vector<1x128xf32> to vector<128x128xf32>
    %swap3A_518 = arith.constant 0 : index
    %swap3A_519 = arith.constant 24 : index
    %swap3A_520 = arith.constant 0 : index
    %swap3A_521 = arith.constant 128 : index
    %swap3A_522 = vector.load %arg4[%swap3A_518, %swap3A_519, %swap3A_520, %swap3A_521] : memref<1x32x128x256xf32, #tpu.memory_space<vmem>>, vector<1x1x128x128xf32>
    %swap3A_523 = vector.shape_cast %swap3A_522 : vector<1x1x128x128xf32> to vector<128x128xf32>
    %swap3A_524 = vector.shape_cast %broadcast_in_dim3A_517 : vector<128x128xf32> to vector<1x1x128x128xf32>
    tpu.vector_store %arg4[%swap3A_518, %swap3A_519, %swap3A_520, %swap3A_521], %swap3A_524 {strides = array<i32>} : memref<1x32x128x256xf32, #tpu.memory_space<vmem>>, vector<1x1x128x128xf32>,
    %swap3A_525 = arith.constant 0 : index
    %swap3A_526 = arith.constant 25 : index
    %swap3A_527 = arith.constant 0 : index
    %swap3A_528 = arith.constant 0 : index
    %swap3A_529 = vector.load %arg4[%swap3A_525, %swap3A_526, %swap3A_527, %swap3A_528] : memref<1x32x128x256xf32, #tpu.memory_space<vmem>>, vector<1x1x128x128xf32>
    %swap3A_530 = vector.shape_cast %swap3A_529 : vector<1x1x128x128xf32> to vector<128x128xf32>
    %swap3A_531 = vector.shape_cast %get3A_1 : vector<128x128xf32> to vector<1x1x128x128xf32>
    tpu.vector_store %arg4[%swap3A_525, %swap3A_526, %swap3A_527, %swap3A_528], %swap3A_531 {strides = array<i32>} : memref<1x32x128x256xf32, #tpu.memory_space<vmem>>, vector<1x1x128x128xf32>,
    %get3A_532 = arith.constant 25 : index
    %get3A_533 = arith.constant 0 : index
    %get3A_534 = vector.load %arg3[%get3A_532, %get3A_533] : memref<32x128xf32, #tpu.memory_space<vmem>>, vector<1x128xf32>
    %get3A_535 = vector.shape_cast %get3A_534 : vector<1x128xf32> to vector<128xf32>
    %broadcast_in_dim3A_536 = vector.shape_cast %get3A_535 : vector<128xf32> to vector<1x128xf32>
    %broadcast_in_dim3A_537 = vector.shape_cast %broadcast_in_dim3A_536 : vector<1x128xf32> to vector<1x128xf32>
    %broadcast_in_dim3A_538 = vector.broadcast %broadcast_in_dim3A_537 : vector<1x128xf32> to vector<128x128xf32>
    %swap3A_539 = arith.constant 0 : index
    %swap3A_540 = arith.constant 25 : index
    %swap3A_541 = arith.constant 0 : index
    %swap3A_542 = arith.constant 128 : index
    %swap3A_543 = vector.load %arg4[%swap3A_539, %swap3A_540, %swap3A_541, %swap3A_542] : memref<1x32x128x256xf32, #tpu.memory_space<vmem>>, vector<1x1x128x128xf32>
    %swap3A_544 = vector.shape_cast %swap3A_543 : vector<1x1x128x128xf32> to vector<128x128xf32>
    %swap3A_545 = vector.shape_cast %broadcast_in_dim3A_538 : vector<128x128xf32> to vector<1x1x128x128xf32>
    tpu.vector_store %arg4[%swap3A_539, %swap3A_540, %swap3A_541, %swap3A_542], %swap3A_545 {strides = array<i32>} : memref<1x32x128x256xf32, #tpu.memory_space<vmem>>, vector<1x1x128x128xf32>,
    %swap3A_546 = arith.constant 0 : index
    %swap3A_547 = arith.constant 26 : index
    %swap3A_548 = arith.constant 0 : index
    %swap3A_549 = arith.constant 0 : index
    %swap3A_550 = vector.load %arg4[%swap3A_546, %swap3A_547, %swap3A_548, %swap3A_549] : memref<1x32x128x256xf32, #tpu.memory_space<vmem>>, vector<1x1x128x128xf32>
    %swap3A_551 = vector.shape_cast %swap3A_550 : vector<1x1x128x128xf32> to vector<128x128xf32>
    %swap3A_552 = vector.shape_cast %get3A_1 : vector<128x128xf32> to vector<1x1x128x128xf32>
    tpu.vector_store %arg4[%swap3A_546, %swap3A_547, %swap3A_548, %swap3A_549], %swap3A_552 {strides = array<i32>} : memref<1x32x128x256xf32, #tpu.memory_space<vmem>>, vector<1x1x128x128xf32>,
    %get3A_553 = arith.constant 26 : index
    %get3A_554 = arith.constant 0 : index
    %get3A_555 = vector.load %arg3[%get3A_553, %get3A_554] : memref<32x128xf32, #tpu.memory_space<vmem>>, vector<1x128xf32>
    %get3A_556 = vector.shape_cast %get3A_555 : vector<1x128xf32> to vector<128xf32>
    %broadcast_in_dim3A_557 = vector.shape_cast %get3A_556 : vector<128xf32> to vector<1x128xf32>
    %broadcast_in_dim3A_558 = vector.shape_cast %broadcast_in_dim3A_557 : vector<1x128xf32> to vector<1x128xf32>
    %broadcast_in_dim3A_559 = vector.broadcast %broadcast_in_dim3A_558 : vector<1x128xf32> to vector<128x128xf32>
    %swap3A_560 = arith.constant 0 : index
    %swap3A_561 = arith.constant 26 : index
    %swap3A_562 = arith.constant 0 : index
    %swap3A_563 = arith.constant 128 : index
    %swap3A_564 = vector.load %arg4[%swap3A_560, %swap3A_561, %swap3A_562, %swap3A_563] : memref<1x32x128x256xf32, #tpu.memory_space<vmem>>, vector<1x1x128x128xf32>
    %swap3A_565 = vector.shape_cast %swap3A_564 : vector<1x1x128x128xf32> to vector<128x128xf32>
    %swap3A_566 = vector.shape_cast %broadcast_in_dim3A_559 : vector<128x128xf32> to vector<1x1x128x128xf32>
    tpu.vector_store %arg4[%swap3A_560, %swap3A_561, %swap3A_562, %swap3A_563], %swap3A_566 {strides = array<i32>} : memref<1x32x128x256xf32, #tpu.memory_space<vmem>>, vector<1x1x128x128xf32>,
    %swap3A_567 = arith.constant 0 : index
    %swap3A_568 = arith.constant 27 : index
    %swap3A_569 = arith.constant 0 : index
    %swap3A_570 = arith.constant 0 : index
    %swap3A_571 = vector.load %arg4[%swap3A_567, %swap3A_568, %swap3A_569, %swap3A_570] : memref<1x32x128x256xf32, #tpu.memory_space<vmem>>, vector<1x1x128x128xf32>
    %swap3A_572 = vector.shape_cast %swap3A_571 : vector<1x1x128x128xf32> to vector<128x128xf32>
    %swap3A_573 = vector.shape_cast %get3A_1 : vector<128x128xf32> to vector<1x1x128x128xf32>
    tpu.vector_store %arg4[%swap3A_567, %swap3A_568, %swap3A_569, %swap3A_570], %swap3A_573 {strides = array<i32>} : memref<1x32x128x256xf32, #tpu.memory_space<vmem>>, vector<1x1x128x128xf32>,
    %get3A_574 = arith.constant 27 : index
    %get3A_575 = arith.constant 0 : index
    %get3A_576 = vector.load %arg3[%get3A_574, %get3A_575] : memref<32x128xf32, #tpu.memory_space<vmem>>, vector<1x128xf32>
    %get3A_577 = vector.shape_cast %get3A_576 : vector<1x128xf32> to vector<128xf32>
    %broadcast_in_dim3A_578 = vector.shape_cast %get3A_577 : vector<128xf32> to vector<1x128xf32>
    %broadcast_in_dim3A_579 = vector.shape_cast %broadcast_in_dim3A_578 : vector<1x128xf32> to vector<1x128xf32>
    %broadcast_in_dim3A_580 = vector.broadcast %broadcast_in_dim3A_579 : vector<1x128xf32> to vector<128x128xf32>
    %swap3A_581 = arith.constant 0 : index
    %swap3A_582 = arith.constant 27 : index
    %swap3A_583 = arith.constant 0 : index
    %swap3A_584 = arith.constant 128 : index
    %swap3A_585 = vector.load %arg4[%swap3A_581, %swap3A_582, %swap3A_583, %swap3A_584] : memref<1x32x128x256xf32, #tpu.memory_space<vmem>>, vector<1x1x128x128xf32>
    %swap3A_586 = vector.shape_cast %swap3A_585 : vector<1x1x128x128xf32> to vector<128x128xf32>
    %swap3A_587 = vector.shape_cast %broadcast_in_dim3A_580 : vector<128x128xf32> to vector<1x1x128x128xf32>
    tpu.vector_store %arg4[%swap3A_581, %swap3A_582, %swap3A_583, %swap3A_584], %swap3A_587 {strides = array<i32>} : memref<1x32x128x256xf32, #tpu.memory_space<vmem>>, vector<1x1x128x128xf32>,
    %swap3A_588 = arith.constant 0 : index
    %swap3A_589 = arith.constant 28 : index
    %swap3A_590 = arith.constant 0 : index
    %swap3A_591 = arith.constant 0 : index
    %swap3A_592 = vector.load %arg4[%swap3A_588, %swap3A_589, %swap3A_590, %swap3A_591] : memref<1x32x128x256xf32, #tpu.memory_space<vmem>>, vector<1x1x128x128xf32>
    %swap3A_593 = vector.shape_cast %swap3A_592 : vector<1x1x128x128xf32> to vector<128x128xf32>
    %swap3A_594 = vector.shape_cast %get3A_1 : vector<128x128xf32> to vector<1x1x128x128xf32>
    tpu.vector_store %arg4[%swap3A_588, %swap3A_589, %swap3A_590, %swap3A_591], %swap3A_594 {strides = array<i32>} : memref<1x32x128x256xf32, #tpu.memory_space<vmem>>, vector<1x1x128x128xf32>,
    %get3A_595 = arith.constant 28 : index
    %get3A_596 = arith.constant 0 : index
    %get3A_597 = vector.load %arg3[%get3A_595, %get3A_596] : memref<32x128xf32, #tpu.memory_space<vmem>>, vector<1x128xf32>
    %get3A_598 = vector.shape_cast %get3A_597 : vector<1x128xf32> to vector<128xf32>
    %broadcast_in_dim3A_599 = vector.shape_cast %get3A_598 : vector<128xf32> to vector<1x128xf32>
    %broadcast_in_dim3A_600 = vector.shape_cast %broadcast_in_dim3A_599 : vector<1x128xf32> to vector<1x128xf32>
    %broadcast_in_dim3A_601 = vector.broadcast %broadcast_in_dim3A_600 : vector<1x128xf32> to vector<128x128xf32>
    %swap3A_602 = arith.constant 0 : index
    %swap3A_603 = arith.constant 28 : index
    %swap3A_604 = arith.constant 0 : index
    %swap3A_605 = arith.constant 128 : index
    %swap3A_606 = vector.load %arg4[%swap3A_602, %swap3A_603, %swap3A_604, %swap3A_605] : memref<1x32x128x256xf32, #tpu.memory_space<vmem>>, vector<1x1x128x128xf32>
    %swap3A_607 = vector.shape_cast %swap3A_606 : vector<1x1x128x128xf32> to vector<128x128xf32>
    %swap3A_608 = vector.shape_cast %broadcast_in_dim3A_601 : vector<128x128xf32> to vector<1x1x128x128xf32>
    tpu.vector_store %arg4[%swap3A_602, %swap3A_603, %swap3A_604, %swap3A_605], %swap3A_608 {strides = array<i32>} : memref<1x32x128x256xf32, #tpu.memory_space<vmem>>, vector<1x1x128x128xf32>,
    %swap3A_609 = arith.constant 0 : index
    %swap3A_610 = arith.constant 29 : index
    %swap3A_611 = arith.constant 0 : index
    %swap3A_612 = arith.constant 0 : index
    %swap3A_613 = vector.load %arg4[%swap3A_609, %swap3A_610, %swap3A_611, %swap3A_612] : memref<1x32x128x256xf32, #tpu.memory_space<vmem>>, vector<1x1x128x128xf32>
    %swap3A_614 = vector.shape_cast %swap3A_613 : vector<1x1x128x128xf32> to vector<128x128xf32>
    %swap3A_615 = vector.shape_cast %get3A_1 : vector<128x128xf32> to vector<1x1x128x128xf32>
    tpu.vector_store %arg4[%swap3A_609, %swap3A_610, %swap3A_611, %swap3A_612], %swap3A_615 {strides = array<i32>} : memref<1x32x128x256xf32, #tpu.memory_space<vmem>>, vector<1x1x128x128xf32>,
    %get3A_616 = arith.constant 29 : index
    %get3A_617 = arith.constant 0 : index
    %get3A_618 = vector.load %arg3[%get3A_616, %get3A_617] : memref<32x128xf32, #tpu.memory_space<vmem>>, vector<1x128xf32>
    %get3A_619 = vector.shape_cast %get3A_618 : vector<1x128xf32> to vector<128xf32>
    %broadcast_in_dim3A_620 = vector.shape_cast %get3A_619 : vector<128xf32> to vector<1x128xf32>
    %broadcast_in_dim3A_621 = vector.shape_cast %broadcast_in_dim3A_620 : vector<1x128xf32> to vector<1x128xf32>
    %broadcast_in_dim3A_622 = vector.broadcast %broadcast_in_dim3A_621 : vector<1x128xf32> to vector<128x128xf32>
    %swap3A_623 = arith.constant 0 : index
    %swap3A_624 = arith.constant 29 : index
    %swap3A_625 = arith.constant 0 : index
    %swap3A_626 = arith.constant 128 : index
    %swap3A_627 = vector.load %arg4[%swap3A_623, %swap3A_624, %swap3A_625, %swap3A_626] : memref<1x32x128x256xf32, #tpu.memory_space<vmem>>, vector<1x1x128x128xf32>
    %swap3A_628 = vector.shape_cast %swap3A_627 : vector<1x1x128x128xf32> to vector<128x128xf32>
    %swap3A_629 = vector.shape_cast %broadcast_in_dim3A_622 : vector<128x128xf32> to vector<1x1x128x128xf32>
    tpu.vector_store %arg4[%swap3A_623, %swap3A_624, %swap3A_625, %swap3A_626], %swap3A_629 {strides = array<i32>} : memref<1x32x128x256xf32, #tpu.memory_space<vmem>>, vector<1x1x128x128xf32>,
    %swap3A_630 = arith.constant 0 : index
    %swap3A_631 = arith.constant 30 : index
    %swap3A_632 = arith.constant 0 : index
    %swap3A_633 = arith.constant 0 : index
    %swap3A_634 = vector.load %arg4[%swap3A_630, %swap3A_631, %swap3A_632, %swap3A_633] : memref<1x32x128x256xf32, #tpu.memory_space<vmem>>, vector<1x1x128x128xf32>
    %swap3A_635 = vector.shape_cast %swap3A_634 : vector<1x1x128x128xf32> to vector<128x128xf32>
    %swap3A_636 = vector.shape_cast %get3A_1 : vector<128x128xf32> to vector<1x1x128x128xf32>
    tpu.vector_store %arg4[%swap3A_630, %swap3A_631, %swap3A_632, %swap3A_633], %swap3A_636 {strides = array<i32>} : memref<1x32x128x256xf32, #tpu.memory_space<vmem>>, vector<1x1x128x128xf32>,
    %get3A_637 = arith.constant 30 : index
    %get3A_638 = arith.constant 0 : index
    %get3A_639 = vector.load %arg3[%get3A_637, %get3A_638] : memref<32x128xf32, #tpu.memory_space<vmem>>, vector<1x128xf32>
    %get3A_640 = vector.shape_cast %get3A_639 : vector<1x128xf32> to vector<128xf32>
    %broadcast_in_dim3A_641 = vector.shape_cast %get3A_640 : vector<128xf32> to vector<1x128xf32>
    %broadcast_in_dim3A_642 = vector.shape_cast %broadcast_in_dim3A_641 : vector<1x128xf32> to vector<1x128xf32>
    %broadcast_in_dim3A_643 = vector.broadcast %broadcast_in_dim3A_642 : vector<1x128xf32> to vector<128x128xf32>
    %swap3A_644 = arith.constant 0 : index
    %swap3A_645 = arith.constant 30 : index
    %swap3A_646 = arith.constant 0 : index
    %swap3A_647 = arith.constant 128 : index
    %swap3A_648 = vector.load %arg4[%swap3A_644, %swap3A_645, %swap3A_646, %swap3A_647] : memref<1x32x128x256xf32, #tpu.memory_space<vmem>>, vector<1x1x128x128xf32>
    %swap3A_649 = vector.shape_cast %swap3A_648 : vector<1x1x128x128xf32> to vector<128x128xf32>
    %swap3A_650 = vector.shape_cast %broadcast_in_dim3A_643 : vector<128x128xf32> to vector<1x1x128x128xf32>
    tpu.vector_store %arg4[%swap3A_644, %swap3A_645, %swap3A_646, %swap3A_647], %swap3A_650 {strides = array<i32>} : memref<1x32x128x256xf32, #tpu.memory_space<vmem>>, vector<1x1x128x128xf32>,
    %swap3A_651 = arith.constant 0 : index
    %swap3A_652 = arith.constant 31 : index
    %swap3A_653 = arith.constant 0 : index
    %swap3A_654 = arith.constant 0 : index
    %swap3A_655 = vector.load %arg4[%swap3A_651, %swap3A_652, %swap3A_653, %swap3A_654] : memref<1x32x128x256xf32, #tpu.memory_space<vmem>>, vector<1x1x128x128xf32>
    %swap3A_656 = vector.shape_cast %swap3A_655 : vector<1x1x128x128xf32> to vector<128x128xf32>
    %swap3A_657 = vector.shape_cast %get3A_1 : vector<128x128xf32> to vector<1x1x128x128xf32>
    tpu.vector_store %arg4[%swap3A_651, %swap3A_652, %swap3A_653, %swap3A_654], %swap3A_657 {strides = array<i32>} : memref<1x32x128x256xf32, #tpu.memory_space<vmem>>, vector<1x1x128x128xf32>,
    %get3A_658 = arith.constant 31 : index
    %get3A_659 = arith.constant 0 : index
    %get3A_660 = vector.load %arg3[%get3A_658, %get3A_659] : memref<32x128xf32, #tpu.memory_space<vmem>>, vector<1x128xf32>
    %get3A_661 = vector.shape_cast %get3A_660 : vector<1x128xf32> to vector<128xf32>
    %broadcast_in_dim3A_662 = vector.shape_cast %get3A_661 : vector<128xf32> to vector<1x128xf32>
    %broadcast_in_dim3A_663 = vector.shape_cast %broadcast_in_dim3A_662 : vector<1x128xf32> to vector<1x128xf32>
    %broadcast_in_dim3A_664 = vector.broadcast %broadcast_in_dim3A_663 : vector<1x128xf32> to vector<128x128xf32>
    %swap3A_665 = arith.constant 0 : index
    %swap3A_666 = arith.constant 31 : index
    %swap3A_667 = arith.constant 0 : index
    %swap3A_668 = arith.constant 128 : index
    %swap3A_669 = vector.load %arg4[%swap3A_665, %swap3A_666, %swap3A_667, %swap3A_668] : memref<1x32x128x256xf32, #tpu.memory_space<vmem>>, vector<1x1x128x128xf32>
    %swap3A_670 = vector.shape_cast %swap3A_669 : vector<1x1x128x128xf32> to vector<128x128xf32>
    %swap3A_671 = vector.shape_cast %broadcast_in_dim3A_664 : vector<128x128xf32> to vector<1x1x128x128xf32>
    tpu.vector_store %arg4[%swap3A_665, %swap3A_666, %swap3A_667, %swap3A_668], %swap3A_671 {strides = array<i32>} : memref<1x32x128x256xf32, #tpu.memory_space<vmem>>, vector<1x1x128x128xf32>,
    return
  }
  func.func @transform_0(%arg0: i32, %arg1: i32) -> (i32, i32) {
    %c0_i32 = arith.constant 0 : i32
    %c0_i32_0 = arith.constant 0 : i32
    %c0_i32_1 = arith.constant 0 : i32
    return %c0_i32, %c0_i32_0 : i32, i32
  }
  func.func @transform_1(%arg0: i32, %arg1: i32) -> (i32, i32) {
    %c0_i32 = arith.constant 0 : i32
    %c0_i32_0 = arith.constant 0 : i32
    return %arg1, %c0_i32 : i32, i32
  }
  func.func @transform_2(%arg0: i32, %arg1: i32) -> (i32, i32, i32, i32) {
    %c0_i32 = arith.constant 0 : i32
    %c0_i32_0 = arith.constant 0 : i32
    %c0_i32_1 = arith.constant 0 : i32
    return %arg0, %arg1, %c0_i32, %c0_i32_0 : i32, i32, i32, i32
  }
}

</mosaic_0001>

<sc_bundles>
// kernel: kernel.6.cloned.1.call-start
scs
__scs_entry_jumppad:
0x0: {  	(pc) =	sbr.rel $0x88, $3  }
0x1: {  	(tag) =	ssettag $0x0;
	lr =	simm.s32 $0x1  }
0x2: {  	[smem:$0x3F9E] =	sst lr;
	_ =	strace $0xD0000000  }
0x3: {  	_ = 	snop  }
0x4: {  	_ = 	snop  }
0x5: {  	_ = 	snop  }
0x6: {  	_ = 	snop  }
0x7: {  	_ = 	snop  }
__scs_overlays_trampoline_lowered:
0x8: {  	[smem:$0x3FAD] =	sst s0  }
0x9: {  	[smem:$0x3FAE] =	sst s1  }
0xa: {  	[smem:$0x3FAF] =	sst s2  }
0xb: {  	[smem:$0x3FB0] =	sst s3  }
0xc: {  	[smem:$0x3FB1] =	sst s4  }
0xd: {  	[smem:$0x3FB2] =	sst s5  }
0xe: {  	[smem:$0x3FB3] =	sst s6  }
0xf: {  	[smem:$0x3FB4] =	sst s7  }
0x10: {  	[smem:$0x3FB5] =	sst s8  }
0x11: {  	[smem:$0x3FB6] =	sst s9;
	s0 =	simm.s32 @!p0 $0x0  }
0x12: {  	s1 =	sld [smem:$0x3F9C];
	s0 =	simm.s32 @p0 $0x1  }
0x13: {  	[smem:$0x3FB7] =	sst s0;
	s0 =	simm.s32 @!p1 $0x0  }
0x14: {  	s2 =	sld [smem:$0x3F9B];
	s0 =	simm.s32 @p1 $0x1  }
0x15: {  	[smem:$0x3FB8] =	sst s0;
	s0 =	simm.s32 @!p2 $0x0  }
0x16: {  	s3 =	sld [smem:$0x3FDB];
	s0 =	simm.s32 @p2 $0x1  }
0x17: {  	s4 =	simm.s32 $0x1BF5;
	[smem:$0x3FBA] =	sst s0  }
0x18: {  	s0 =	sld [smem:$0x3F9D];
	_ =	swait.ge [sflag:s4], $0x0  }
0x19: {  	s7 =	sld [smem:$0x3F9E]  }
0x1a: {  	s8 =	sadd.s32 $0xFFFFE003, lr  }
0x1b: {  	s9 =	sadd.s32 $0xFFFFFEF7, lr;
	s5 =	simm.s32 $0xFFFFFFFF;
	p2 =	slt.u32 s8, $0xFFFFF086  }
0x1c: {  	p1 =	slt.u32 s9, $0xF7A;
	s5 =	simm.s32 @!p2 $0x0  }
0x1d: {  	s5 =	simm.s32 @p1 $0x1;
	p0 =	seq.s32 s7, s2  }
0x1e: {  	s7 =	smul.u32 @!p0 $0xF7A, s2;
	p2 =	seq.s32 @!p0 s5, $0x0  }
0x1f: {  	s9 =	smul.u32 $0xF7A, s1;
	s8 =	simm.s32 @!p0 $0x1BF5;
	p2 =	por !p2, p0  }
0x20: {  	[sflag:s8] =	ssyncset.s32 @!p0 $0xFFFFF086;
	s6 =	sadd.s32 @!p0 s3, s7;
	s7 =	simm.s32 @!p0 $0x108  }
0x21: {  	s3 =	sadd.s32 s3, s9;
	s6 =	sadd.s32 @!p0 $0x88, s6;
	s7 =	simm.s32 @p2 $0x1082  }
0x22: {  	[simem:s7], [sflag:s8] =	dma.local @!p0 [hbm:s6], $0xF7A  }
0x23: {  	s9 =	sor.u32 $0xD0000000, s2;
	s6 =	simm.s32 $0x108;
	_ =	swait.ge @!p0 [sflag:s8], $0x0  }
0x24: {  	s3 =	sadd.s32 $0x88, s3;
	s6 =	simm.s32 @!p1 $0x1082;
	[sflag:s4] =	ssyncset.s32 $0xFFFFF086  }
0x25: {  	[simem:s6], [sflag:s4] =	dma.local [hbm:s3], $0xF7A  }
0x26: {  	[smem:$0x3F9E] =	sst s1;
	(tag) =	ssettag s2;
	_ =	strace s9  }
0x27: {  	s1 =	sld [smem:$0x3FAE]  }
0x28: {  	s2 =	sld [smem:$0x3FAF]  }
0x29: {  	s4 =	sld [smem:$0x3FB1]  }
0x2a: {  	p0 =	seq.s32 s5, $0x0;
	s5 =	sld [smem:$0x3FB2]  }
0x2b: {  	s6 =	sld [smem:$0x3FB3]  }
0x2c: {  	s7 =	sld [smem:$0x3FB4]  }
0x2d: {  	s3 =	simm.s32 $0x108;
	s8 =	sld [smem:$0x3FB5]  }
0x2e: {  	s3 =	simm.s32 @!p0 $0x1082;
	s9 =	sld [smem:$0x3FB6]  }
0x2f: {  	lr =	sadd.s32 s0, s3;
	s0 =	sld [smem:$0x3FAD]  }
0x30: {  	s3 =	sld [smem:$0x3FB0]  }
0x31: {  	[smem:$0x3FB9] =	sst s10  }
0x32: {  	s10 =	sld [smem:$0x3FB7];
	_ =	sdelay $0x3  }
0x33: {  	p0 =	seq.s32 s10, $0x1;
	s10 =	sld [smem:$0x3FB9];
	_ =	sdelay $0x3  }
0x34: {  	[smem:$0x3FB9] =	sst s10  }
0x35: {  	s10 =	sld [smem:$0x3FB8];
	_ =	sdelay $0x3  }
0x36: {  	p1 =	seq.s32 s10, $0x1;
	s10 =	sld [smem:$0x3FB9];
	_ =	sdelay $0x3  }
0x37: {  	[smem:$0x3FB9] =	sst s10  }
0x38: {  	s10 =	sld [smem:$0x3FBA]  }
0x39: {  	_ = 	snop;
	(pc) =	sbr.ind lr, $3  }
0x3a: {  	_ = 	snop  }
0x3b: {  	_ = 	snop  }
0x3c: {  	p2 =	seq.s32 s10, $0x1;
	s10 =	sld [smem:$0x3FB9]  }
0x3d: {  	_ =	shalt  }
0x3e: {  	_ =	shalt  }
0x3f: {  	_ =	shalt  }
0x40: {  	_ =	shalt  }
0x41: {  	_ =	shalt  }
0x42: {  	_ =	shalt  }
0x43: {  	_ =	shalt  }
0x44: {  	_ =	shalt  }
0x45: {  	_ =	shalt  }
0x46: {  	_ =	shalt  }
0x47: {  	_ =	shalt  }
0x48: {  	_ =	shalt  }
0x49: {  	_ =	shalt  }
0x4a: {  	_ =	shalt  }
0x4b: {  	_ =	shalt  }
0x4c: {  	_ =	shalt  }
0x4d: {  	_ =	shalt  }
0x4e: {  	_ =	shalt  }
0x4f: {  	_ =	shalt  }
0x50: {  	_ =	shalt  }
0x51: {  	_ =	shalt  }
0x52: {  	_ =	shalt  }
0x53: {  	_ =	shalt  }
0x54: {  	_ =	shalt  }
0x55: {  	_ =	shalt  }
0x56: {  	_ =	shalt  }
0x57: {  	_ =	shalt  }
0x58: {  	_ =	shalt  }
0x59: {  	_ =	shalt  }
0x5a: {  	_ =	shalt  }
0x5b: {  	_ =	shalt  }
0x5c: {  	_ =	shalt  }
0x5d: {  	_ =	shalt  }
0x5e: {  	_ =	shalt  }
0x5f: {  	_ =	shalt  }
0x60: {  	_ =	shalt  }
0x61: {  	_ =	shalt  }
0x62: {  	_ =	shalt  }
0x63: {  	_ =	shalt  }
0x64: {  	_ =	shalt  }
0x65: {  	_ =	shalt  }
0x66: {  	_ =	shalt  }
0x67: {  	_ =	shalt  }
0x68: {  	_ =	shalt  }
0x69: {  	_ =	shalt  }
0x6a: {  	_ =	shalt  }
0x6b: {  	_ =	shalt  }
0x6c: {  	_ =	shalt  }
0x6d: {  	_ =	shalt  }
0x6e: {  	_ =	shalt  }
0x6f: {  	_ =	shalt  }
0x70: {  	_ =	shalt  }
0x71: {  	_ =	shalt  }
0x72: {  	_ =	shalt  }
0x73: {  	_ =	shalt  }
0x74: {  	_ =	shalt  }
0x75: {  	_ =	shalt  }
0x76: {  	_ =	shalt  }
0x77: {  	_ =	shalt  }
0x78: {  	_ =	shalt  }
0x79: {  	_ =	shalt  }
0x7a: {  	_ =	shalt  }
0x7b: {  	_ =	shalt  }
0x7c: {  	_ =	shalt  }
0x7d: {  	_ =	shalt  }
0x7e: {  	_ =	shalt  }
0x7f: {  	_ =	shalt  }
0x80: {  	_ =	shalt  }
0x81: {  	_ =	shalt  }
0x82: {  	_ =	shalt  }
0x83: {  	_ =	shalt  }
0x84: {  	_ =	shalt  }
0x85: {  	_ =	shalt  }
0x86: {  	_ =	shalt  }
0x87: {  	_ =	shalt  }
.Lfunc_end0:
.L_simem_size_0:
called_computation_lowered:
.L_overlay_start_0:
0x88: {  	s0 =	sld [smem:$0x3FD9]  }
0x89: {  	s1 =	sld [smem:$0x3FFE];
	_ =	sdelay $0x3  }
0x8a: {  	s0 =	sadd.s32 s1, s0  }
0x8b: {  	[smem:$0x3FC5] =	sst s0  }
0x8c: {  	_ = 	snop  }
0x8d: {  	s0 =	sld [smem:$0x3FD0]  }
0x8e: {  	s14 =	sld [smem:$0x3FC9]  }
0x8f: {  	s2 =	sld [smem:$0x3FC8]  }
0x90: {  	s4 =	simm.s32 $0xA;
	s5 =	simm.s32 $0x10;
	s3 =	sld [smem:$0x3FC7]  }
0x91: {  	[smem:s5], [sflag:s4] =	dma.local [hbm:s0], $0x1  }
0x92: {  	_ =	swait.eq [sflag:s4], $0x1  }
0x93: {  	[sflag:s4] =	ssyncset.done $0x0  }
0x94: {  	[sflag:s4] =	ssyncadd.s32 $0xFFFFFFFF  }
0x95: {  	s15 =	sld [smem:$0x10];
	(tm) =	ssettm $0x1  }
0x96: {  	s16 =	sld [smem:$0x3FFB];
	_ =	sdelay $0x3  }
0x97: {  	_ =	strace s16  }
0x98: {  	s4 =	sld [smem:$0x3FFC];
	_ =	sdelay $0x3  }
0x99: {  	_ =	strace s4  }
0x9a: {  	s4 =	sld [smem:$0x3FFD];
	_ =	sdelay $0x3  }
0x9b: {  	_ =	strace s4  }
0x9c: {  	_ =	strace $0x8FFFFFFF  }
0x9d: {  	s17 =	sld [smem:$0x3FDB];
	_ =	sdelay $0x1  }
0x9e: {  	s18 =	simm.s32 $_scs_section_size  }
0x9f: {  	s6 =	simm.s32 $_size__tile_overlayer_lowered;
	s7 =	simm.s32 $_tile_overlayer_lowered  }
0xa0: {  	s21 =	simm.s32 $0x1BFF;
	s20 =	sshll.u32 s7, $0x1;
	s4 =	sadd.s32 s18, s17  }
0xa1: {  	s8 =	simm.s32 $0x0;
	s19 =	sshll.u32 s6, $0x1;
	s6 =	sadd.s32 s20, s4  }
0xa2: {  	[timem:s8], [sflag:s21] =	dma.local [hbm:s6], s19  }
0xa3: {  	_ =	swait.ge [sflag:s21], s19  }
0xa4: {  	s5 =	ssub.s32 $0x0, s19;
	[sflag:s21] =	ssyncset.done $0x0  }
0xa5: {  	[sflag:s21] =	ssyncadd.s32 s5;
	_ =	sdelay $0x1  }
0xa6: {  	s22 =	simm.s32 $0x1B8B  }
0xa7: {  	_ =	swait.ge [sflag:s22], $0x1  }
0xa8: {  	[sflag:s22] =	ssyncset.done $0x0  }
0xa9: {  	s23 =	simm.s32 $0x1B8E;
	[sflag:s22] =	ssyncadd.s32 $0xFFFFFFFF  }
0xaa: {  	s24 =	simm.s32 $execute0_lowered;
	[smem:$0x3FD2] =	sst s23  }
0xab: {  	s5 =	sshll.u32 s24, $0x1;
	_ =	strace $0x80000046;
	[dreg:$0x1] =	wrdreg $0xFFFFFFFF  }
0xac: {  	s25 =	simm.s32 $_size_execute0_lowered;
	s4 =	sadd.s32 s4, s5;
	[dreg:$0x0] =	wrdreg $0x0  }
0xad: {  	s5 =	sshll.u32 s25, $0x1;
	[dreg:$0x2] =	wrdreg s4  }
0xae: {  	[dreg:$0x3] =	wrdreg s5  }
0xaf: {  	[dreg:$0x4] =	wrdreg $0xC0  }
0xb0: {  	_ =	task [dreg:s8], $0x5FFFF  }
0xb1: {  	[dreg:$0x1] =	wrdreg $0xFFFFFFFF  }
0xb2: {  	[dreg:$0x0] =	wrdreg $0x60  }
0xb3: {  	[dreg:$0x2] =	wrdreg s14  }
0xb4: {  	[dreg:$0x3] =	wrdreg s2  }
0xb5: {  	[dreg:$0x4] =	wrdreg s3  }
0xb6: {  	[dreg:$0x5] =	wrdreg s15  }
0xb7: {  	[dreg:$0x6] =	wrdreg $0x9  }
0xb8: {  	_ =	task.clear_ibuf [dreg:s8], $0x7FFFF;
	_ =	strace $0x90000046  }
0xb9: {  	s26 =	simm.s32 $0x9;
	_ =	strace $0x80000048  }
0xba: {  	_ =	swait.ge [sflag:s26], $0x1  }
0xbb: {  	[sflag:s26] =	ssyncadd.s32 $0xFFFFFFFF  }
0xbc: {  	_ =	strace $0x90000048  }
0xbd: {  	_ =	sfence  }
0xbe: {  	s28 =	sld [smem:$0x0];
	_ =	sdelay $0x1  }
0xbf: {  	s29 =	srdreg.scid  }
0xc0: {  	s30 =	sshll.u32 s29, $0xD;
	s31 =	sshrl.u32 s29, $0x2  }
0xc1: {  	s1 =	sand.u32 $0x1, s29;
	s2 =	sand.u32 $0x4000, s30;
	s0 =	sadd.s32 s31, s28  }
0xc2: {  	s1 =	sor.u32 s2, s1;
	s0 =	sshll.u32 s0, $0x11  }
0xc3: {  	s0 =	sor.u32 s0, s1  }
0xc4: {  	s0 =	sadd.s32 $0x8F2B, s0  }
0xc5: {  	[sflag:s0] =	ssyncadd.remote.s32 $0x1  }
0xc6: {  	_ =	sfence.sel $0xFFFF  }
0xc7: {  	[dreg:$0x0] =	wrdreg $0xFFFFFFFF;
	(pc) =	sbr.abs _section_cstart, $3  }
0xc8: {  	[dreg:$0x1] =	wrdreg $0xFFFFFFFF  }
0xc9: {  	_ =	task.clear_ibuf [dreg:s8], $0x2FFFF;
	_ =	strace $0x9FFFFFFF  }
0xca: {  	(tm) =	ssettm $0x7FFFFFFF  }
0xcb: {  	_ =	shalt  }
tec
execute0_lowered:
.L_overlay_start_1:
0x0: {  	(tag) =	ssettag $0x1  }
0x1: {  	s3 =	rddreg [dreg:$0x0]  }
0x2: {  	s1 =	rddreg [dreg:$0x1]  }
0x3: {  	s4 =	rddreg [dreg:$0x2]  }
0x4: {  	s2 =	rddreg [dreg:$0x3];
	s5 =	simm.s32 $0x0  }
0x5: {  	[smem:$0x7FF] =	sst s5  }
0x6: {  	s0 =	rddreg [dreg:$0x4];
	s6 =	simm.s32 $0x3;
	_ =	strace $0x80000047  }
0x7: {  	[tilespmem:s5], [sflag:$0x3] =	stream.linear.gather [hbm4b:s1+s5], $0x4000, $0x38;
	[tilespmem:$0x14500] =	vst v63  }
0x8: {  	s1 =	stileid.u32;
	_ =	swait.ge [sflag:s6], $0x4000  }
0x9: {  	s7 =	sshll.u32 s1, $0x7;
	[sflag:s6] =	ssyncset.done $0x0  }
0xa: {  	s28 =	simm.s32 $0x4000;
	s4 =	sadd.s32 s4, s7;
	[sflag:s6] =	ssyncadd.s32 $0xFFFFC000  }
0xb: {  	[tilespmem:s28], [sflag:$0x3] =	stream.linear.gather [hbm4b:s4+s5], $0x400, $0x38;
	[tilespmem:$0x14500] =	vst v63  }
0xc: {  	_ =	swait.ge [sflag:s6], $0x400  }
0xd: {  	s29 =	simm.s32 $0x80;
	[sflag:s6] =	ssyncset.done $0x0  }
0xe: {  	s30 =	simm.s32 $0x200;
	s31 =	simm.s32 $0x4400;
	[sflag:s6] =	ssyncadd.s32 $0xFFFFFC00  }
0xf: {  	[tilespmem:s31], [sflag:$0x3] =	stream.strided.gather [hbm4b:s3+s29], $0x100, s30, s29, $0x38;
	[tilespmem:$0x14500] =	vst v63  }
0x10: {  	_ =	swait.ge [sflag:s6], $0x100  }
0x11: {  	[sflag:s6] =	ssyncset.done $0x0  }
0x12: {  	[sflag:s6] =	ssyncadd.s32 $0xFFFFFF00  }
0x13: {  	v14 =	vld [tilespmem:$0x4400]  }
0x14: {  	v15 =	vld [tilespmem:$0x4410]  }
0x15: {  	v13 =	vld [tilespmem:$0x4420]  }
0x16: {  	v12 =	vld [tilespmem:$0x4430]  }
0x17: {  	v11 =	vld [tilespmem:$0x4440]  }
0x18: {  	v10 =	vld [tilespmem:$0x4450]  }
0x19: {  	v9 =	vld [tilespmem:$0x4460]  }
0x1a: {  	v8 =	vld [tilespmem:$0x4470]  }
0x1b: {  	v6 =	vld [tilespmem:$0x4480]  }
0x1c: {  	v5 =	vld [tilespmem:$0x4490]  }
0x1d: {  	v4 =	vld [tilespmem:$0x44A0]  }
0x1e: {  	v3 =	vld [tilespmem:$0x44B0]  }
0x1f: {  	v2 =	vld [tilespmem:$0x44C0]  }
0x20: {  	v1 =	vld [tilespmem:$0x44D0]  }
0x21: {  	v0 =	vld [tilespmem:$0x44E0]  }
0x22: {  	s3 =	simm.s32 $0x0;
	v7 =	vld [tilespmem:$0x44F0]  }
0x23: {  	v19 =	vld [tilespmem:s3+$0x0]  }
0x24: {  	v21 =	vld [tilespmem:s3+$0x10]  }
0x25: {  	v20 =	vld [tilespmem:s3+$0x20]  }
0x26: {  	v18 =	vld [tilespmem:s3+$0x30]  }
0x27: {  	v16 =	vld [tilespmem:s3+$0x40]  }
0x28: {  	v17 =	vld [tilespmem:s3+$0x50];
	v22 =	vadd.f32 v19, v14  }
0x29: {  	s4 =	simm.s32 $0x200;
	v21 =	vadd.f32 v21, v15;
	v19 =	vld [tilespmem:s3+$0x60]  }
.LBB2_1:
0x2a: {  	s5 =	sshra.s32 s4, $0x2;
	p0 =	sne.s32 s4, $0xFE00;
	[tilespmem:s3+$0x0] =	vst v22;
	v20 =	vadd.f32 v20, v13;
	v22 =	vld [tilespmem:s3+$0x70]  }
0x2b: {  	v23 =	vld [tilespmem:s5+$0x0];
	[tilespmem:s3+$0x10] =	vst v21;
	v18 =	vadd.f32 v18, v12  }
0x2c: {  	v21 =	vld [tilespmem:s5+$0x10];
	[tilespmem:s3+$0x20] =	vst v20;
	v16 =	vadd.f32 v16, v11  }
.Ltmp0:
0x2d: {  	v20 =	vld [tilespmem:s5+$0x20];
	[tilespmem:s3+$0x30] =	vst v18;
	v17 =	vadd.f32 v17, v10;
	(pc) =	sbr.rel @p0 .LBB2_1-.Ltmp0, $4  }
0x2e: {  	v18 =	vld [tilespmem:s5+$0x30];
	[tilespmem:s3+$0x40] =	vst v16;
	v19 =	vadd.f32 v19, v9  }
0x2f: {  	v16 =	vld [tilespmem:s5+$0x40];
	[tilespmem:s3+$0x50] =	vst v17;
	v24 =	vadd.f32 v22, v8  }
0x30: {  	v22 =	vadd.f32 v23, v14;
	v17 =	vld [tilespmem:s5+$0x50];
	[tilespmem:s3+$0x60] =	vst v19  }
0x31: {  	s4 =	sadd.s32 $0x200, s4;
	v21 =	vadd.f32 v21, v15;
	v19 =	vld [tilespmem:s5+$0x60];
	[tilespmem:s3+$0x70] =	vst v24;
	s3 =	smov.u32 s5  }
0x32: {  	[tilespmem:s3+$0x0] =	vst v22;
	v13 =	vadd.f32 v20, v13;
	v14 =	vld [tilespmem:s3+$0x70]  }
0x33: {  	[tilespmem:s3+$0x10] =	vst v21;
	v12 =	vadd.f32 v18, v12  }
0x34: {  	[tilespmem:s3+$0x20] =	vst v13;
	v11 =	vadd.f32 v16, v11  }
0x35: {  	[tilespmem:s3+$0x30] =	vst v12;
	v10 =	vadd.f32 v17, v10  }
0x36: {  	[tilespmem:s3+$0x40] =	vst v11;
	v9 =	vadd.f32 v19, v9  }
0x37: {  	[tilespmem:s3+$0x50] =	vst v10;
	v8 =	vadd.f32 v14, v8  }
0x38: {  	[tilespmem:s3+$0x60] =	vst v9  }
0x39: {  	[tilespmem:s3+$0x70] =	vst v8  }
0x3a: {  	v8 =	vld [tilespmem:$0x4000]  }
0x3b: {  	v9 =	vld [tilespmem:$0x4010]  }
0x3c: {  	s4 =	simm.s32 $0x40;
	v10 =	vld [tilespmem:$0x4020]  }
0x3d: {  	v12 =	vld [tilespmem:s4+$0xFFFFFFC0]  }
0x3e: {  	v11 =	vld [tilespmem:$0x4030]  }
0x3f: {  	s3 =	simm.s32 $0x0;
	v13 =	vld [tilespmem:$0x4040]  }
0x40: {  	v14 =	vld [tilespmem:$0x4050];
	s5 =	sand.u32 $0x7800, s3;
	s6 =	sand.u32 $0x380, s3  }
0x41: {  	v15 =	vld [tilespmem:$0x4060];
	s5 =	sor.u32 s6, s5  }
0x42: {  	v16 =	vld [tilespmem:$0x4070];
	[tilespmem:s5+$0x4500] =	vst v12  }
0x43: {  	v12 =	vld [tilespmem:s4+$0xFFFFFFD0];
	_ =	sdelay $0x4  }
0x44: {  	[tilespmem:s5+$0x4510] =	vst v12  }
0x45: {  	v12 =	vld [tilespmem:s4+$0xFFFFFFE0];
	_ =	sdelay $0x4  }
0x46: {  	[tilespmem:s5+$0x4520] =	vst v12  }
0x47: {  	v12 =	vld [tilespmem:s4+$0xFFFFFFF0];
	_ =	sdelay $0x4  }
0x48: {  	[tilespmem:s5+$0x4530] =	vst v12  }
0x49: {  	v12 =	vld [tilespmem:s4+$0x0];
	_ =	sdelay $0x4  }
0x4a: {  	[tilespmem:s5+$0x4540] =	vst v12  }
0x4b: {  	v12 =	vld [tilespmem:s4+$0x10];
	_ =	sdelay $0x4  }
0x4c: {  	[tilespmem:s5+$0x4550] =	vst v12  }
0x4d: {  	v12 =	vld [tilespmem:s4+$0x20];
	_ =	sdelay $0x3  }
0x4e: {  	v8 =	vadd.f32 v8, v6  }
0x4f: {  	v9 =	vadd.f32 v9, v5;
	[tilespmem:s5+$0x4560] =	vst v12  }
0x50: {  	v10 =	vadd.f32 v10, v4;
	v17 =	vld [tilespmem:s4+$0x30];
	[tilespmem:s5+$0x4900] =	vst v8  }
0x51: {  	v11 =	vadd.f32 v11, v3;
	[tilespmem:s5+$0x4910] =	vst v9  }
0x52: {  	v12 =	vadd.f32 v13, v2;
	[tilespmem:s5+$0x4920] =	vst v10  }
0x53: {  	v13 =	vadd.f32 v14, v1;
	[tilespmem:s5+$0x4930] =	vst v11  }
0x54: {  	v14 =	vadd.f32 v15, v0;
	[tilespmem:s5+$0x4940] =	vst v12  }
0x55: {  	v15 =	vadd.f32 v16, v7;
	[tilespmem:s5+$0x4950] =	vst v13  }
0x56: {  	[tilespmem:s5+$0x4960] =	vst v14  }
0x57: {  	[tilespmem:s5+$0x4970] =	vst v15  }
0x58: {  	s4 =	simm.s32 $0xC0;
	[tilespmem:s5+$0x4570] =	vst v17  }
0x59: {  	s6 =	simm.s32 $0x100;
	s5 =	simm.s32 $0x80;
	v16 =	vld [tilespmem:s4+$0xFFFFFFC0]  }
.LBB2_3:
0x5a: {  	p0 =	sne.s32 s6, $0x3F80  }
0x5b: {  	s3 =	sadd.s32 $0x100, s3  }
0x5c: {  	s8 =	sand.u32 $0x380, s5;
	s5 =	smov.u32 s6;
	s7 =	sand.u32 $0x7800, s3  }
0x5d: {  	s7 =	sor.u32 s8, s7  }
0x5e: {  	[tilespmem:s7+$0x4500] =	vst v16  }
0x5f: {  	v16 =	vld [tilespmem:s4+$0xFFFFFFD0];
	_ =	sdelay $0x4  }
0x60: {  	[tilespmem:s7+$0x4510] =	vst v16  }
0x61: {  	v16 =	vld [tilespmem:s4+$0xFFFFFFE0];
	_ =	sdelay $0x4  }
0x62: {  	[tilespmem:s7+$0x4520] =	vst v16  }
0x63: {  	v16 =	vld [tilespmem:s4+$0xFFFFFFF0];
	_ =	sdelay $0x4  }
0x64: {  	[tilespmem:s7+$0x4530] =	vst v16  }
0x65: {  	v16 =	vld [tilespmem:s4+$0x0];
	_ =	sdelay $0x4  }
0x66: {  	[tilespmem:s7+$0x4540] =	vst v16  }
0x67: {  	v16 =	vld [tilespmem:s4+$0x10];
	_ =	sdelay $0x4  }
0x68: {  	[tilespmem:s7+$0x4550] =	vst v16  }
0x69: {  	v16 =	vld [tilespmem:s4+$0x20];
	_ =	sdelay $0x4  }
0x6a: {  	[tilespmem:s7+$0x4560] =	vst v16  }
0x6b: {  	v16 =	vld [tilespmem:s4+$0x30];
	[tilespmem:s7+$0x4900] =	vst v8  }
0x6c: {  	[tilespmem:s7+$0x4910] =	vst v9  }
0x6d: {  	[tilespmem:s7+$0x4920] =	vst v10  }
0x6e: {  	[tilespmem:s7+$0x4930] =	vst v11  }
0x6f: {  	[tilespmem:s7+$0x4940] =	vst v12  }
.Ltmp1:
0x70: {  	[tilespmem:s7+$0x4570] =	vst v16;
	(pc) =	sbr.rel @p0 .LBB2_3-.Ltmp1, $4  }
0x71: {  	[tilespmem:s7+$0x4950] =	vst v13  }
0x72: {  	[tilespmem:s7+$0x4960] =	vst v14  }
0x73: {  	s4 =	sadd.s32 $0x80, s4;
	[tilespmem:s7+$0x4970] =	vst v15  }
0x74: {  	s6 =	sadd.s32 $0x80, s6;
	v16 =	vld [tilespmem:s4+$0xFFFFFFC0]  }
0x75: {  	_ = 	snop  }
0x76: {  	s3 =	sadd.s32 $0x100, s3  }
0x77: {  	s5 =	sand.u32 $0x380, s5;
	s3 =	sand.u32 $0x7800, s3  }
0x78: {  	s5 =	sor.u32 s5, s3  }
0x79: {  	[tilespmem:s5+$0x4500] =	vst v16  }
0x7a: {  	v16 =	vld [tilespmem:s4+$0xFFFFFFD0];
	_ =	sdelay $0x4  }
0x7b: {  	[tilespmem:s5+$0x4510] =	vst v16  }
0x7c: {  	v16 =	vld [tilespmem:s4+$0xFFFFFFE0];
	_ =	sdelay $0x4  }
0x7d: {  	[tilespmem:s5+$0x4520] =	vst v16  }
0x7e: {  	v16 =	vld [tilespmem:s4+$0xFFFFFFF0];
	_ =	sdelay $0x4  }
0x7f: {  	[tilespmem:s5+$0x4530] =	vst v16  }
0x80: {  	v16 =	vld [tilespmem:s4+$0x0];
	_ =	sdelay $0x4  }
0x81: {  	[tilespmem:s5+$0x4540] =	vst v16  }
0x82: {  	v16 =	vld [tilespmem:s4+$0x10];
	_ =	sdelay $0x4  }
0x83: {  	[tilespmem:s5+$0x4550] =	vst v16  }
0x84: {  	v16 =	vld [tilespmem:s4+$0x20];
	_ =	sdelay $0x4  }
0x85: {  	[tilespmem:s5+$0x4560] =	vst v16  }
0x86: {  	v16 =	vld [tilespmem:s4+$0x30];
	[tilespmem:s5+$0x4900] =	vst v8  }
0x87: {  	[tilespmem:s5+$0x4910] =	vst v9  }
0x88: {  	[tilespmem:s5+$0x4920] =	vst v10  }
0x89: {  	[tilespmem:s5+$0x4930] =	vst v11  }
0x8a: {  	[tilespmem:s5+$0x4940] =	vst v12  }
0x8b: {  	[tilespmem:s5+$0x4950] =	vst v13  }
0x8c: {  	[tilespmem:s5+$0x4960] =	vst v14  }
0x8d: {  	s3 =	sshll.u32 s1, $0xF;
	[tilespmem:s5+$0x4970] =	vst v15  }
0x8e: {  	s6 =	simm.s32 $0x4500;
	s29 =	sadd.s32 s2, s3;
	s4 =	simm.s32 $0x0;
	[tilespmem:s5+$0x4570] =	vst v16  }
0x8f: {  	[hbm4b:s29+s4] =	stream.linear.scatter [tilespmem:s6], [sflag:$0x1], $0x8000, $0x38;
	[tilespmem:$0x14500] =	vst v63  }
0x90: {  	s5 =	sadd.s32 $0x80000, s29  }
0x91: {  	[hbm4b:s5+s4] =	stream.linear.scatter [tilespmem:s6], [sflag:$0x1], $0x8000, $0x38;
	[tilespmem:$0x14500] =	vst v63  }
0x92: {  	v8 =	vld [tilespmem:$0x4080]  }
0x93: {  	v9 =	vld [tilespmem:$0x4090]  }
0x94: {  	s30 =	simm.s32 $0x40;
	v10 =	vld [tilespmem:$0x40A0]  }
0x95: {  	v12 =	vld [tilespmem:s30+$0xFFFFFFC0]  }
0x96: {  	v11 =	vld [tilespmem:$0x40B0]  }
0x97: {  	v13 =	vld [tilespmem:$0x40C0]  }
0x98: {  	s31 =	sand.u32 $0x7800, s4;
	s7 =	sand.u32 $0x380, s4;
	v14 =	vld [tilespmem:$0x40D0]  }
0x99: {  	s6 =	sor.u32 s7, s31;
	v15 =	vld [tilespmem:$0x40E0]  }
0x9a: {  	v16 =	vld [tilespmem:$0x40F0];
	[tilespmem:s6+$0xC500] =	vst v12  }
0x9b: {  	v12 =	vld [tilespmem:s30+$0xFFFFFFD0];
	_ =	sdelay $0x4  }
0x9c: {  	[tilespmem:s6+$0xC510] =	vst v12  }
0x9d: {  	v12 =	vld [tilespmem:s30+$0xFFFFFFE0];
	_ =	sdelay $0x4  }
0x9e: {  	[tilespmem:s6+$0xC520] =	vst v12  }
0x9f: {  	v12 =	vld [tilespmem:s30+$0xFFFFFFF0];
	_ =	sdelay $0x4  }
0xa0: {  	[tilespmem:s6+$0xC530] =	vst v12  }
0xa1: {  	v12 =	vld [tilespmem:s30+$0x0];
	_ =	sdelay $0x4  }
0xa2: {  	[tilespmem:s6+$0xC540] =	vst v12  }
0xa3: {  	v12 =	vld [tilespmem:s30+$0x10];
	_ =	sdelay $0x4  }
0xa4: {  	[tilespmem:s6+$0xC550] =	vst v12  }
0xa5: {  	v12 =	vld [tilespmem:s30+$0x20];
	_ =	sdelay $0x3  }
0xa6: {  	v8 =	vadd.f32 v8, v6  }
0xa7: {  	v9 =	vadd.f32 v9, v5;
	[tilespmem:s6+$0xC560] =	vst v12  }
0xa8: {  	v10 =	vadd.f32 v10, v4;
	v17 =	vld [tilespmem:s30+$0x30];
	[tilespmem:s6+$0xC900] =	vst v8  }
0xa9: {  	v11 =	vadd.f32 v11, v3;
	[tilespmem:s6+$0xC910] =	vst v9  }
0xaa: {  	v12 =	vadd.f32 v13, v2;
	[tilespmem:s6+$0xC920] =	vst v10  }
0xab: {  	v13 =	vadd.f32 v14, v1;
	[tilespmem:s6+$0xC930] =	vst v11  }
0xac: {  	v14 =	vadd.f32 v15, v0;
	[tilespmem:s6+$0xC940] =	vst v12  }
0xad: {  	v15 =	vadd.f32 v16, v7;
	[tilespmem:s6+$0xC950] =	vst v13  }
0xae: {  	[tilespmem:s6+$0xC960] =	vst v14  }
0xaf: {  	[tilespmem:s6+$0xC970] =	vst v15  }
0xb0: {  	s5 =	simm.s32 $0xC0;
	[tilespmem:s6+$0xC570] =	vst v17  }
0xb1: {  	s7 =	simm.s32 $0x100;
	s6 =	simm.s32 $0x80;
	v16 =	vld [tilespmem:s5+$0xFFFFFFC0]  }
.LBB2_5:
0xb2: {  	p0 =	sne.s32 s7, $0x3F80  }
0xb3: {  	s4 =	sadd.s32 $0x100, s4  }
0xb4: {  	s9 =	sand.u32 $0x380, s6;
	s6 =	smov.u32 s7;
	s8 =	sand.u32 $0x7800, s4  }
0xb5: {  	s8 =	sor.u32 s9, s8  }
0xb6: {  	[tilespmem:s8+$0xC500] =	vst v16  }
0xb7: {  	v16 =	vld [tilespmem:s5+$0xFFFFFFD0];
	_ =	sdelay $0x4  }
0xb8: {  	[tilespmem:s8+$0xC510] =	vst v16  }
0xb9: {  	v16 =	vld [tilespmem:s5+$0xFFFFFFE0];
	_ =	sdelay $0x4  }
0xba: {  	[tilespmem:s8+$0xC520] =	vst v16  }
0xbb: {  	v16 =	vld [tilespmem:s5+$0xFFFFFFF0];
	_ =	sdelay $0x4  }
0xbc: {  	[tilespmem:s8+$0xC530] =	vst v16  }
0xbd: {  	v16 =	vld [tilespmem:s5+$0x0];
	_ =	sdelay $0x4  }
0xbe: {  	[tilespmem:s8+$0xC540] =	vst v16  }
0xbf: {  	v16 =	vld [tilespmem:s5+$0x10];
	_ =	sdelay $0x4  }
0xc0: {  	[tilespmem:s8+$0xC550] =	vst v16  }
0xc1: {  	v16 =	vld [tilespmem:s5+$0x20];
	_ =	sdelay $0x4  }
0xc2: {  	[tilespmem:s8+$0xC560] =	vst v16  }
0xc3: {  	v16 =	vld [tilespmem:s5+$0x30];
	[tilespmem:s8+$0xC900] =	vst v8  }
0xc4: {  	[tilespmem:s8+$0xC910] =	vst v9  }
0xc5: {  	[tilespmem:s8+$0xC920] =	vst v10  }
0xc6: {  	[tilespmem:s8+$0xC930] =	vst v11  }
0xc7: {  	[tilespmem:s8+$0xC940] =	vst v12  }
.Ltmp2:
0xc8: {  	[tilespmem:s8+$0xC570] =	vst v16;
	(pc) =	sbr.rel @p0 .LBB2_5-.Ltmp2, $4  }
0xc9: {  	[tilespmem:s8+$0xC950] =	vst v13  }
0xca: {  	[tilespmem:s8+$0xC960] =	vst v14  }
0xcb: {  	s5 =	sadd.s32 $0x80, s5;
	[tilespmem:s8+$0xC970] =	vst v15  }
0xcc: {  	s7 =	sadd.s32 $0x80, s7;
	v16 =	vld [tilespmem:s5+$0xFFFFFFC0]  }
0xcd: {  	_ = 	snop  }
0xce: {  	s4 =	sadd.s32 $0x100, s4  }
0xcf: {  	s6 =	sand.u32 $0x380, s6;
	s4 =	sand.u32 $0x7800, s4  }
0xd0: {  	s4 =	sor.u32 s6, s4  }
0xd1: {  	[tilespmem:s4+$0xC500] =	vst v16  }
0xd2: {  	v16 =	vld [tilespmem:s5+$0xFFFFFFD0];
	_ =	sdelay $0x4  }
0xd3: {  	[tilespmem:s4+$0xC510] =	vst v16  }
0xd4: {  	v16 =	vld [tilespmem:s5+$0xFFFFFFE0];
	_ =	sdelay $0x4  }
0xd5: {  	[tilespmem:s4+$0xC520] =	vst v16  }
0xd6: {  	v16 =	vld [tilespmem:s5+$0xFFFFFFF0];
	_ =	sdelay $0x4  }
0xd7: {  	[tilespmem:s4+$0xC530] =	vst v16  }
0xd8: {  	v16 =	vld [tilespmem:s5+$0x0];
	_ =	sdelay $0x4  }
0xd9: {  	[tilespmem:s4+$0xC540] =	vst v16  }
0xda: {  	v16 =	vld [tilespmem:s5+$0x10];
	_ =	sdelay $0x4  }
0xdb: {  	[tilespmem:s4+$0xC550] =	vst v16  }
0xdc: {  	v16 =	vld [tilespmem:s5+$0x20];
	_ =	sdelay $0x4  }
0xdd: {  	[tilespmem:s4+$0xC560] =	vst v16  }
0xde: {  	v16 =	vld [tilespmem:s5+$0x30];
	[tilespmem:s4+$0xC900] =	vst v8  }
0xdf: {  	[tilespmem:s4+$0xC910] =	vst v9  }
0xe0: {  	[tilespmem:s4+$0xC920] =	vst v10  }
0xe1: {  	[tilespmem:s4+$0xC930] =	vst v11  }
0xe2: {  	[tilespmem:s4+$0xC940] =	vst v12  }
0xe3: {  	[tilespmem:s4+$0xC950] =	vst v13  }
0xe4: {  	[tilespmem:s4+$0xC960] =	vst v14  }
0xe5: {  	s2 =	sadd.s32 s3, s2;
	[tilespmem:s4+$0xC970] =	vst v15  }
0xe6: {  	s25 =	simm.s32 $0x0;
	s26 =	simm.s32 $0xC500;
	s3 =	sadd.s32 $0x1000, s2;
	[tilespmem:s4+$0xC570] =	vst v16  }
0xe7: {  	[hbm4b:s3+s25] =	stream.linear.scatter [tilespmem:s26], [sflag:$0x2], $0x8000, $0x38;
	[tilespmem:$0x14500] =	vst v63  }
0xe8: {  	s29 =	simm.s32 $0x1;
	s28 =	sadd.s32 $0x81000, s2  }
0xe9: {  	[hbm4b:s28+s25] =	stream.linear.scatter [tilespmem:s26], [sflag:$0x2], $0x8000, $0x38;
	[tilespmem:$0x14500] =	vst v63  }
0xea: {  	_ =	swait.ge [sflag:s29], $0x8000  }
0xeb: {  	[sflag:s29] =	ssyncset.done $0x0  }
0xec: {  	[sflag:s29] =	ssyncadd.s32 $0xFFFF8000  }
0xed: {  	_ =	swait.ge [sflag:s29], $0x8000  }
0xee: {  	[sflag:s29] =	ssyncset.done $0x0  }
0xef: {  	[sflag:s29] =	ssyncadd.s32 $0xFFFF8000  }
0xf0: {  	v8 =	vld [tilespmem:$0x4170]  }
0xf1: {  	v9 =	vld [tilespmem:$0x4100]  }
0xf2: {  	v10 =	vld [tilespmem:$0x4110]  }
0xf3: {  	v11 =	vld [tilespmem:$0x4120]  }
0xf4: {  	v12 =	vld [tilespmem:$0x4130]  }
0xf5: {  	s30 =	sand.u32 $0x7800, s25;
	s4 =	sand.u32 $0x380, s25;
	v13 =	vld [tilespmem:$0x4140];
	v8 =	vadd.f32 v8, v7  }
0xf6: {  	s3 =	sor.u32 s4, s30;
	v14 =	vld [tilespmem:$0x4150];
	v9 =	vadd.f32 v9, v6  }
0xf7: {  	v15 =	vld [tilespmem:$0x4160];
	v10 =	vadd.f32 v10, v5;
	[tilespmem:s3+$0x4970] =	vst v8  }
0xf8: {  	v11 =	vadd.f32 v11, v4;
	[tilespmem:s3+$0x4900] =	vst v9  }
0xf9: {  	v12 =	vadd.f32 v12, v3;
	[tilespmem:s3+$0x4910] =	vst v10  }
0xfa: {  	v13 =	vadd.f32 v13, v2;
	[tilespmem:s3+$0x4920] =	vst v11  }
0xfb: {  	v14 =	vadd.f32 v14, v1;
	[tilespmem:s3+$0x4930] =	vst v12  }
0xfc: {  	s31 =	simm.s32 $0x100;
	s4 =	simm.s32 $0x80;
	v15 =	vadd.f32 v15, v0;
	[tilespmem:s3+$0x4940] =	vst v13  }
0xfd: {  	s6 =	sand.u32 $0x7800, s31;
	s5 =	simm.s32 $0x200;
	s7 =	sand.u32 $0x380, s4;
	[tilespmem:s3+$0x4950] =	vst v14  }
.LBB2_7:
0xfe: {  	p0 =	sne.s32 s5, $0x7F00;
	[tilespmem:s3+$0x4960] =	vst v15;
	s3 =	sor.u32 s7, s6  }
0xff: {  	[tilespmem:s3+$0x4970] =	vst v8  }
0x100: {  	[tilespmem:s3+$0x4900] =	vst v9  }
.Ltmp3:
0x101: {  	[tilespmem:s3+$0x4910] =	vst v10;
	(pc) =	sbr.rel @p0 .LBB2_7-.Ltmp3, $4  }
0x102: {  	[tilespmem:s3+$0x4920] =	vst v11  }
0x103: {  	[tilespmem:s3+$0x4930] =	vst v12  }
0x104: {  	s4 =	sadd.s32 $0x80, s4;
	[tilespmem:s3+$0x4940] =	vst v13  }
0x105: {  	s6 =	sand.u32 $0x7800, s5;
	s5 =	sadd.s32 $0x100, s5;
	s7 =	sand.u32 $0x380, s4;
	[tilespmem:s3+$0x4950] =	vst v14  }
0x106: {  	s4 =	sor.u32 s7, s6;
	[tilespmem:s3+$0x4960] =	vst v15  }
0x107: {  	[tilespmem:s4+$0x4970] =	vst v8  }
0x108: {  	[tilespmem:s4+$0x4900] =	vst v9  }
0x109: {  	[tilespmem:s4+$0x4910] =	vst v10  }
0x10a: {  	[tilespmem:s4+$0x4920] =	vst v11  }
0x10b: {  	[tilespmem:s4+$0x4930] =	vst v12  }
0x10c: {  	[tilespmem:s4+$0x4940] =	vst v13  }
0x10d: {  	[tilespmem:s4+$0x4950] =	vst v14  }
0x10e: {  	s25 =	sadd.s32 $0x2000, s2;
	s26 =	simm.s32 $0x0;
	s5 =	simm.s32 $0x4500;
	[tilespmem:s4+$0x4960] =	vst v15  }
0x10f: {  	[hbm4b:s25+s26] =	stream.linear.scatter [tilespmem:s5], [sflag:$0x1], $0x8000, $0x38;
	[tilespmem:$0x14500] =	vst v63  }
0x110: {  	s28 =	sadd.s32 $0x82000, s2;
	s29 =	simm.s32 $0x2  }
0x111: {  	[hbm4b:s28+s26] =	stream.linear.scatter [tilespmem:s5], [sflag:$0x1], $0x8000, $0x38;
	[tilespmem:$0x14500] =	vst v63  }
0x112: {  	_ =	swait.ge [sflag:s29], $0x8000  }
0x113: {  	[sflag:s29] =	ssyncset.done $0x0  }
0x114: {  	[sflag:s29] =	ssyncadd.s32 $0xFFFF8000  }
0x115: {  	_ =	swait.ge [sflag:s29], $0x8000  }
0x116: {  	[sflag:s29] =	ssyncset.done $0x0  }
0x117: {  	[sflag:s29] =	ssyncadd.s32 $0xFFFF8000  }
0x118: {  	v8 =	vld [tilespmem:$0x41F0]  }
0x119: {  	v9 =	vld [tilespmem:$0x4180]  }
0x11a: {  	v10 =	vld [tilespmem:$0x4190]  }
0x11b: {  	v11 =	vld [tilespmem:$0x41A0]  }
0x11c: {  	v12 =	vld [tilespmem:$0x41B0]  }
0x11d: {  	s30 =	sand.u32 $0x7800, s26;
	s4 =	sand.u32 $0x380, s26;
	v13 =	vld [tilespmem:$0x41C0];
	v8 =	vadd.f32 v8, v7  }
0x11e: {  	s3 =	sor.u32 s4, s30;
	v14 =	vld [tilespmem:$0x41D0];
	v9 =	vadd.f32 v9, v6  }
0x11f: {  	v15 =	vld [tilespmem:$0x41E0];
	v10 =	vadd.f32 v10, v5;
	[tilespmem:s3+$0xC970] =	vst v8  }
0x120: {  	v11 =	vadd.f32 v11, v4;
	[tilespmem:s3+$0xC900] =	vst v9  }
0x121: {  	v12 =	vadd.f32 v12, v3;
	[tilespmem:s3+$0xC910] =	vst v10  }
0x122: {  	v13 =	vadd.f32 v13, v2;
	[tilespmem:s3+$0xC920] =	vst v11  }
0x123: {  	v14 =	vadd.f32 v14, v1;
	[tilespmem:s3+$0xC930] =	vst v12  }
0x124: {  	s31 =	simm.s32 $0x100;
	s4 =	simm.s32 $0x80;
	v15 =	vadd.f32 v15, v0;
	[tilespmem:s3+$0xC940] =	vst v13  }
0x125: {  	s6 =	sand.u32 $0x7800, s31;
	s7 =	sand.u32 $0x380, s4;
	s5 =	simm.s32 $0x200;
	[tilespmem:s3+$0xC950] =	vst v14  }
.LBB2_9:
0x126: {  	p0 =	sne.s32 s5, $0x7F00;
	[tilespmem:s3+$0xC960] =	vst v15;
	s3 =	sor.u32 s7, s6  }
0x127: {  	[tilespmem:s3+$0xC970] =	vst v8  }
0x128: {  	[tilespmem:s3+$0xC900] =	vst v9  }
.Ltmp4:
0x129: {  	[tilespmem:s3+$0xC910] =	vst v10;
	(pc) =	sbr.rel @p0 .LBB2_9-.Ltmp4, $4  }
0x12a: {  	[tilespmem:s3+$0xC920] =	vst v11  }
0x12b: {  	[tilespmem:s3+$0xC930] =	vst v12  }
0x12c: {  	s4 =	sadd.s32 $0x80, s4;
	[tilespmem:s3+$0xC940] =	vst v13  }
0x12d: {  	s6 =	sand.u32 $0x7800, s5;
	s5 =	sadd.s32 $0x100, s5;
	s7 =	sand.u32 $0x380, s4;
	[tilespmem:s3+$0xC950] =	vst v14  }
0x12e: {  	s4 =	sor.u32 s7, s6;
	[tilespmem:s3+$0xC960] =	vst v15  }
0x12f: {  	[tilespmem:s4+$0xC970] =	vst v8  }
0x130: {  	[tilespmem:s4+$0xC900] =	vst v9  }
0x131: {  	[tilespmem:s4+$0xC910] =	vst v10  }
0x132: {  	[tilespmem:s4+$0xC920] =	vst v11  }
0x133: {  	[tilespmem:s4+$0xC930] =	vst v12  }
0x134: {  	[tilespmem:s4+$0xC940] =	vst v13  }
0x135: {  	[tilespmem:s4+$0xC950] =	vst v14  }
0x136: {  	s25 =	sadd.s32 $0x3000, s2;
	s26 =	simm.s32 $0x0;
	s5 =	simm.s32 $0xC500;
	[tilespmem:s4+$0xC960] =	vst v15  }
0x137: {  	[hbm4b:s25+s26] =	stream.linear.scatter [tilespmem:s5], [sflag:$0x2], $0x8000, $0x38;
	[tilespmem:$0x14500] =	vst v63  }
0x138: {  	s28 =	sadd.s32 $0x83000, s2;
	s29 =	simm.s32 $0x1  }
0x139: {  	[hbm4b:s28+s26] =	stream.linear.scatter [tilespmem:s5], [sflag:$0x2], $0x8000, $0x38;
	[tilespmem:$0x14500] =	vst v63  }
0x13a: {  	_ =	swait.ge [sflag:s29], $0x8000  }
0x13b: {  	[sflag:s29] =	ssyncset.done $0x0  }
0x13c: {  	[sflag:s29] =	ssyncadd.s32 $0xFFFF8000  }
0x13d: {  	_ =	swait.ge [sflag:s29], $0x8000  }
0x13e: {  	[sflag:s29] =	ssyncset.done $0x0  }
0x13f: {  	[sflag:s29] =	ssyncadd.s32 $0xFFFF8000  }
0x140: {  	v8 =	vld [tilespmem:$0x4270]  }
0x141: {  	v9 =	vld [tilespmem:$0x4200]  }
0x142: {  	v10 =	vld [tilespmem:$0x4210]  }
0x143: {  	v11 =	vld [tilespmem:$0x4220]  }
0x144: {  	v12 =	vld [tilespmem:$0x4230]  }
0x145: {  	s30 =	sand.u32 $0x7800, s26;
	s4 =	sand.u32 $0x380, s26;
	v13 =	vld [tilespmem:$0x4240];
	v8 =	vadd.f32 v8, v7  }
0x146: {  	s3 =	sor.u32 s4, s30;
	v14 =	vld [tilespmem:$0x4250];
	v9 =	vadd.f32 v9, v6  }
0x147: {  	v15 =	vld [tilespmem:$0x4260];
	v10 =	vadd.f32 v10, v5;
	[tilespmem:s3+$0x4970] =	vst v8  }
0x148: {  	v11 =	vadd.f32 v11, v4;
	[tilespmem:s3+$0x4900] =	vst v9  }
0x149: {  	v12 =	vadd.f32 v12, v3;
	[tilespmem:s3+$0x4910] =	vst v10  }
0x14a: {  	v13 =	vadd.f32 v13, v2;
	[tilespmem:s3+$0x4920] =	vst v11  }
0x14b: {  	v14 =	vadd.f32 v14, v1;
	[tilespmem:s3+$0x4930] =	vst v12  }
0x14c: {  	s31 =	simm.s32 $0x100;
	s4 =	simm.s32 $0x80;
	v15 =	vadd.f32 v15, v0;
	[tilespmem:s3+$0x4940] =	vst v13  }
0x14d: {  	s6 =	sand.u32 $0x7800, s31;
	s7 =	sand.u32 $0x380, s4;
	s5 =	simm.s32 $0x200;
	[tilespmem:s3+$0x4950] =	vst v14  }
.LBB2_11:
0x14e: {  	p0 =	sne.s32 s5, $0x7F00;
	[tilespmem:s3+$0x4960] =	vst v15;
	s3 =	sor.u32 s7, s6  }
0x14f: {  	[tilespmem:s3+$0x4970] =	vst v8  }
0x150: {  	[tilespmem:s3+$0x4900] =	vst v9  }
.Ltmp5:
0x151: {  	[tilespmem:s3+$0x4910] =	vst v10;
	(pc) =	sbr.rel @p0 .LBB2_11-.Ltmp5, $4  }
0x152: {  	[tilespmem:s3+$0x4920] =	vst v11  }
0x153: {  	[tilespmem:s3+$0x4930] =	vst v12  }
0x154: {  	s4 =	sadd.s32 $0x80, s4;
	[tilespmem:s3+$0x4940] =	vst v13  }
0x155: {  	s6 =	sand.u32 $0x7800, s5;
	s5 =	sadd.s32 $0x100, s5;
	s7 =	sand.u32 $0x380, s4;
	[tilespmem:s3+$0x4950] =	vst v14  }
0x156: {  	s4 =	sor.u32 s7, s6;
	[tilespmem:s3+$0x4960] =	vst v15  }
0x157: {  	[tilespmem:s4+$0x4970] =	vst v8  }
0x158: {  	[tilespmem:s4+$0x4900] =	vst v9  }
0x159: {  	[tilespmem:s4+$0x4910] =	vst v10  }
0x15a: {  	[tilespmem:s4+$0x4920] =	vst v11  }
0x15b: {  	[tilespmem:s4+$0x4930] =	vst v12  }
0x15c: {  	[tilespmem:s4+$0x4940] =	vst v13  }
0x15d: {  	[tilespmem:s4+$0x4950] =	vst v14  }
0x15e: {  	s25 =	sadd.s32 $0x4000, s2;
	s26 =	simm.s32 $0x0;
	s5 =	simm.s32 $0x4500;
	[tilespmem:s4+$0x4960] =	vst v15  }
0x15f: {  	[hbm4b:s25+s26] =	stream.linear.scatter [tilespmem:s5], [sflag:$0x1], $0x8000, $0x38;
	[tilespmem:$0x14500] =	vst v63  }
0x160: {  	s28 =	sadd.s32 $0x84000, s2;
	s29 =	simm.s32 $0x2  }
0x161: {  	[hbm4b:s28+s26] =	stream.linear.scatter [tilespmem:s5], [sflag:$0x1], $0x8000, $0x38;
	[tilespmem:$0x14500] =	vst v63  }
0x162: {  	_ =	swait.ge [sflag:s29], $0x8000  }
0x163: {  	[sflag:s29] =	ssyncset.done $0x0  }
0x164: {  	[sflag:s29] =	ssyncadd.s32 $0xFFFF8000  }
0x165: {  	_ =	swait.ge [sflag:s29], $0x8000  }
0x166: {  	[sflag:s29] =	ssyncset.done $0x0  }
0x167: {  	[sflag:s29] =	ssyncadd.s32 $0xFFFF8000  }
0x168: {  	v8 =	vld [tilespmem:$0x42F0]  }
0x169: {  	v9 =	vld [tilespmem:$0x4280]  }
0x16a: {  	v10 =	vld [tilespmem:$0x4290]  }
0x16b: {  	v11 =	vld [tilespmem:$0x42A0]  }
0x16c: {  	v12 =	vld [tilespmem:$0x42B0]  }
0x16d: {  	s30 =	sand.u32 $0x7800, s26;
	s4 =	sand.u32 $0x380, s26;
	v13 =	vld [tilespmem:$0x42C0];
	v8 =	vadd.f32 v8, v7  }
0x16e: {  	s3 =	sor.u32 s4, s30;
	v14 =	vld [tilespmem:$0x42D0];
	v9 =	vadd.f32 v9, v6  }
0x16f: {  	v15 =	vld [tilespmem:$0x42E0];
	v10 =	vadd.f32 v10, v5;
	[tilespmem:s3+$0xC970] =	vst v8  }
0x170: {  	v11 =	vadd.f32 v11, v4;
	[tilespmem:s3+$0xC900] =	vst v9  }
0x171: {  	v12 =	vadd.f32 v12, v3;
	[tilespmem:s3+$0xC910] =	vst v10  }
0x172: {  	v13 =	vadd.f32 v13, v2;
	[tilespmem:s3+$0xC920] =	vst v11  }
0x173: {  	v14 =	vadd.f32 v14, v1;
	[tilespmem:s3+$0xC930] =	vst v12  }
0x174: {  	s31 =	simm.s32 $0x100;
	s4 =	simm.s32 $0x80;
	v15 =	vadd.f32 v15, v0;
	[tilespmem:s3+$0xC940] =	vst v13  }
0x175: {  	s6 =	sand.u32 $0x7800, s31;
	s7 =	sand.u32 $0x380, s4;
	s5 =	simm.s32 $0x200;
	[tilespmem:s3+$0xC950] =	vst v14  }
.LBB2_13:
0x176: {  	p0 =	sne.s32 s5, $0x7F00;
	[tilespmem:s3+$0xC960] =	vst v15;
	s3 =	sor.u32 s7, s6  }
0x177: {  	[tilespmem:s3+$0xC970] =	vst v8  }
0x178: {  	[tilespmem:s3+$0xC900] =	vst v9  }
.Ltmp6:
0x179: {  	[tilespmem:s3+$0xC910] =	vst v10;
	(pc) =	sbr.rel @p0 .LBB2_13-.Ltmp6, $4  }
0x17a: {  	[tilespmem:s3+$0xC920] =	vst v11  }
0x17b: {  	[tilespmem:s3+$0xC930] =	vst v12  }
0x17c: {  	s4 =	sadd.s32 $0x80, s4;
	[tilespmem:s3+$0xC940] =	vst v13  }
0x17d: {  	s6 =	sand.u32 $0x7800, s5;
	s5 =	sadd.s32 $0x100, s5;
	s7 =	sand.u32 $0x380, s4;
	[tilespmem:s3+$0xC950] =	vst v14  }
0x17e: {  	s4 =	sor.u32 s7, s6;
	[tilespmem:s3+$0xC960] =	vst v15  }
0x17f: {  	[tilespmem:s4+$0xC970] =	vst v8  }
0x180: {  	[tilespmem:s4+$0xC900] =	vst v9  }
0x181: {  	[tilespmem:s4+$0xC910] =	vst v10  }
0x182: {  	[tilespmem:s4+$0xC920] =	vst v11  }
0x183: {  	[tilespmem:s4+$0xC930] =	vst v12  }
0x184: {  	[tilespmem:s4+$0xC940] =	vst v13  }
0x185: {  	[tilespmem:s4+$0xC950] =	vst v14  }
0x186: {  	s25 =	sadd.s32 $0x5000, s2;
	s26 =	simm.s32 $0x0;
	s5 =	simm.s32 $0xC500;
	[tilespmem:s4+$0xC960] =	vst v15  }
0x187: {  	[hbm4b:s25+s26] =	stream.linear.scatter [tilespmem:s5], [sflag:$0x2], $0x8000, $0x38;
	[tilespmem:$0x14500] =	vst v63  }
0x188: {  	s28 =	sadd.s32 $0x85000, s2;
	s29 =	simm.s32 $0x1  }
0x189: {  	[hbm4b:s28+s26] =	stream.linear.scatter [tilespmem:s5], [sflag:$0x2], $0x8000, $0x38;
	[tilespmem:$0x14500] =	vst v63  }
0x18a: {  	_ =	swait.ge [sflag:s29], $0x8000  }
0x18b: {  	[sflag:s29] =	ssyncset.done $0x0  }
0x18c: {  	[sflag:s29] =	ssyncadd.s32 $0xFFFF8000  }
0x18d: {  	_ =	swait.ge [sflag:s29], $0x8000  }
0x18e: {  	[sflag:s29] =	ssyncset.done $0x0  }
0x18f: {  	[sflag:s29] =	ssyncadd.s32 $0xFFFF8000  }
0x190: {  	v8 =	vld [tilespmem:$0x4370]  }
0x191: {  	v9 =	vld [tilespmem:$0x4300]  }
0x192: {  	v10 =	vld [tilespmem:$0x4310]  }
0x193: {  	v11 =	vld [tilespmem:$0x4320]  }
0x194: {  	v12 =	vld [tilespmem:$0x4330]  }
0x195: {  	s30 =	sand.u32 $0x7800, s26;
	s4 =	sand.u32 $0x380, s26;
	v13 =	vld [tilespmem:$0x4340];
	v8 =	vadd.f32 v8, v7  }
0x196: {  	s3 =	sor.u32 s4, s30;
	v14 =	vld [tilespmem:$0x4350];
	v9 =	vadd.f32 v9, v6  }
0x197: {  	v15 =	vld [tilespmem:$0x4360];
	v10 =	vadd.f32 v10, v5;
	[tilespmem:s3+$0x4970] =	vst v8  }
0x198: {  	v11 =	vadd.f32 v11, v4;
	[tilespmem:s3+$0x4900] =	vst v9  }
0x199: {  	v12 =	vadd.f32 v12, v3;
	[tilespmem:s3+$0x4910] =	vst v10  }
0x19a: {  	v13 =	vadd.f32 v13, v2;
	[tilespmem:s3+$0x4920] =	vst v11  }
0x19b: {  	v14 =	vadd.f32 v14, v1;
	[tilespmem:s3+$0x4930] =	vst v12  }
0x19c: {  	s31 =	simm.s32 $0x100;
	s4 =	simm.s32 $0x80;
	v15 =	vadd.f32 v15, v0;
	[tilespmem:s3+$0x4940] =	vst v13  }
0x19d: {  	s6 =	sand.u32 $0x7800, s31;
	s7 =	sand.u32 $0x380, s4;
	s5 =	simm.s32 $0x200;
	[tilespmem:s3+$0x4950] =	vst v14  }
.LBB2_15:
0x19e: {  	p0 =	sne.s32 s5, $0x7F00;
	[tilespmem:s3+$0x4960] =	vst v15;
	s3 =	sor.u32 s7, s6  }
0x19f: {  	[tilespmem:s3+$0x4970] =	vst v8  }
0x1a0: {  	[tilespmem:s3+$0x4900] =	vst v9  }
.Ltmp7:
0x1a1: {  	[tilespmem:s3+$0x4910] =	vst v10;
	(pc) =	sbr.rel @p0 .LBB2_15-.Ltmp7, $4  }
0x1a2: {  	[tilespmem:s3+$0x4920] =	vst v11  }
0x1a3: {  	[tilespmem:s3+$0x4930] =	vst v12  }
0x1a4: {  	s4 =	sadd.s32 $0x80, s4;
	[tilespmem:s3+$0x4940] =	vst v13  }
0x1a5: {  	s6 =	sand.u32 $0x7800, s5;
	s5 =	sadd.s32 $0x100, s5;
	s7 =	sand.u32 $0x380, s4;
	[tilespmem:s3+$0x4950] =	vst v14  }
0x1a6: {  	s4 =	sor.u32 s7, s6;
	[tilespmem:s3+$0x4960] =	vst v15  }
0x1a7: {  	[tilespmem:s4+$0x4970] =	vst v8  }
0x1a8: {  	[tilespmem:s4+$0x4900] =	vst v9  }
0x1a9: {  	[tilespmem:s4+$0x4910] =	vst v10  }
0x1aa: {  	[tilespmem:s4+$0x4920] =	vst v11  }
0x1ab: {  	[tilespmem:s4+$0x4930] =	vst v12  }
0x1ac: {  	[tilespmem:s4+$0x4940] =	vst v13  }
0x1ad: {  	[tilespmem:s4+$0x4950] =	vst v14  }
0x1ae: {  	s25 =	sadd.s32 $0x6000, s2;
	s26 =	simm.s32 $0x0;
	s5 =	simm.s32 $0x4500;
	[tilespmem:s4+$0x4960] =	vst v15  }
0x1af: {  	[hbm4b:s25+s26] =	stream.linear.scatter [tilespmem:s5], [sflag:$0x1], $0x8000, $0x38;
	[tilespmem:$0x14500] =	vst v63  }
0x1b0: {  	s28 =	sadd.s32 $0x86000, s2;
	s29 =	simm.s32 $0x2  }
0x1b1: {  	[hbm4b:s28+s26] =	stream.linear.scatter [tilespmem:s5], [sflag:$0x1], $0x8000, $0x38;
	[tilespmem:$0x14500] =	vst v63  }
0x1b2: {  	_ =	swait.ge [sflag:s29], $0x8000  }
0x1b3: {  	[sflag:s29] =	ssyncset.done $0x0  }
0x1b4: {  	[sflag:s29] =	ssyncadd.s32 $0xFFFF8000  }
0x1b5: {  	_ =	swait.ge [sflag:s29], $0x8000  }
0x1b6: {  	[sflag:s29] =	ssyncset.done $0x0  }
0x1b7: {  	[sflag:s29] =	ssyncadd.s32 $0xFFFF8000  }
0x1b8: {  	v58 =	vld [tilespmem:$0x43F0]  }
0x1b9: {  	v8 =	vld [tilespmem:$0x4380]  }
0x1ba: {  	v59 =	vld [tilespmem:$0x4390]  }
0x1bb: {  	v60 =	vld [tilespmem:$0x43A0]  }
0x1bc: {  	v61 =	vld [tilespmem:$0x43B0]  }
0x1bd: {  	s30 =	sand.u32 $0x7800, s26;
	s4 =	sand.u32 $0x380, s26;
	v62 =	vld [tilespmem:$0x43C0];
	v7 =	vadd.f32 v58, v7  }
0x1be: {  	s3 =	sor.u32 s4, s30;
	v63 =	vld [tilespmem:$0x43D0];
	v6 =	vadd.f32 v8, v6  }
0x1bf: {  	v8 =	vld [tilespmem:$0x43E0];
	v5 =	vadd.f32 v59, v5;
	[tilespmem:s3+$0xC970] =	vst v7  }
0x1c0: {  	v4 =	vadd.f32 v60, v4;
	[tilespmem:s3+$0xC900] =	vst v6  }
0x1c1: {  	v3 =	vadd.f32 v61, v3;
	[tilespmem:s3+$0xC910] =	vst v5  }
0x1c2: {  	v2 =	vadd.f32 v62, v2;
	[tilespmem:s3+$0xC920] =	vst v4  }
0x1c3: {  	v1 =	vadd.f32 v63, v1;
	[tilespmem:s3+$0xC930] =	vst v3  }
0x1c4: {  	s31 =	simm.s32 $0x100;
	s4 =	simm.s32 $0x80;
	[tilespmem:s3+$0xC940] =	vst v2;
	v0 =	vadd.f32 v8, v0  }
0x1c5: {  	s6 =	sand.u32 $0x7800, s31;
	s7 =	sand.u32 $0x380, s4;
	s5 =	simm.s32 $0x200;
	[tilespmem:s3+$0xC950] =	vst v1  }
.LBB2_17:
0x1c6: {  	p0 =	sne.s32 s5, $0x7F00;
	[tilespmem:s3+$0xC960] =	vst v0;
	s3 =	sor.u32 s7, s6  }
0x1c7: {  	[tilespmem:s3+$0xC970] =	vst v7  }
0x1c8: {  	[tilespmem:s3+$0xC900] =	vst v6  }
.Ltmp8:
0x1c9: {  	[tilespmem:s3+$0xC910] =	vst v5;
	(pc) =	sbr.rel @p0 .LBB2_17-.Ltmp8, $4  }
0x1ca: {  	[tilespmem:s3+$0xC920] =	vst v4  }
0x1cb: {  	[tilespmem:s3+$0xC930] =	vst v3  }
0x1cc: {  	s4 =	sadd.s32 $0x80, s4;
	[tilespmem:s3+$0xC940] =	vst v2  }
0x1cd: {  	s6 =	sand.u32 $0x7800, s5;
	s5 =	sadd.s32 $0x100, s5;
	s7 =	sand.u32 $0x380, s4;
	[tilespmem:s3+$0xC950] =	vst v1  }
0x1ce: {  	s4 =	sor.u32 s7, s6;
	[tilespmem:s3+$0xC960] =	vst v0  }
0x1cf: {  	[tilespmem:s4+$0xC970] =	vst v7  }
0x1d0: {  	[tilespmem:s4+$0xC900] =	vst v6  }
0x1d1: {  	[tilespmem:s4+$0xC910] =	vst v5  }
0x1d2: {  	[tilespmem:s4+$0xC920] =	vst v4  }
0x1d3: {  	[tilespmem:s4+$0xC930] =	vst v3  }
0x1d4: {  	[tilespmem:s4+$0xC940] =	vst v2  }
0x1d5: {  	[tilespmem:s4+$0xC950] =	vst v1  }
0x1d6: {  	s26 =	sadd.s32 $0x7000, s2;
	s28 =	simm.s32 $0x0;
	s5 =	simm.s32 $0xC500;
	[tilespmem:s4+$0xC960] =	vst v0  }
0x1d7: {  	[hbm4b:s26+s28] =	stream.linear.scatter [tilespmem:s5], [sflag:$0x2], $0x8000, $0x38;
	[tilespmem:$0x14500] =	vst v63  }
0x1d8: {  	s29 =	sadd.s32 $0x87000, s2;
	s30 =	simm.s32 $0x1  }
0x1d9: {  	[hbm4b:s29+s28] =	stream.linear.scatter [tilespmem:s5], [sflag:$0x2], $0x8000, $0x38;
	[tilespmem:$0x14500] =	vst v63  }
0x1da: {  	_ =	swait.ge [sflag:s30], $0x8000  }
0x1db: {  	[sflag:s30] =	ssyncset.done $0x0  }
0x1dc: {  	[sflag:s30] =	ssyncadd.s32 $0xFFFF8000  }
0x1dd: {  	_ =	swait.ge [sflag:s30], $0x8000  }
0x1de: {  	[sflag:s30] =	ssyncset.done $0x0  }
0x1df: {  	s31 =	simm.s32 $0x2;
	[sflag:s30] =	ssyncadd.s32 $0xFFFF8000  }
0x1e0: {  	_ =	swait.ge [sflag:s31], $0x8000  }
0x1e1: {  	[sflag:s31] =	ssyncset.done $0x0  }
0x1e2: {  	[sflag:s31] =	ssyncadd.s32 $0xFFFF8000  }
0x1e3: {  	_ =	swait.ge [sflag:s31], $0x8000  }
0x1e4: {  	[sflag:s31] =	ssyncset.done $0x0  }
0x1e5: {  	[sflag:s31] =	ssyncadd.s32 $0xFFFF8000  }
0x1e6: {  	_ =	sfence.sel $0x180000  }
0x1e7: {  	[bflag:$0x0] =	sbarrier.arrive $0xFFFF  }
0x1e8: {  	p0 =	sne.s32 s1, $0x0;
	_ =	strace $0x90000047  }
0x1e9: {  	s0 =	sadd.s32 @!p0 $0x100000, s0;
	[bflag:$0x2] =	sbarrier.arrive $0xFFFF  }
0x1ea: {  	[sflag:s0] =	ssyncadd.tile.s32 @!p0 $0x1;
	_ =	shalt  }
.Lfunc_end2:
_tile_overlayer_lowered:
.L_overlay_start_2:
0x1eb: {  	(tag) =	ssettag $0x2  }
0x1ec: {  	s0 =	rddreg [dreg:$0x0];
	s2 =	stileid.u32  }
0x1ed: {  	s1 =	rddreg [dreg:$0x1];
	p0 =	sne.s32 s2, $0x0  }
0x1ee: {  	s3 =	rddreg [dreg:$0x2];
	[bflag:$0x3] =	sbarrier.arrive $0xFFFF;
	s2 =	simm.s32 @!p0 $0x1C03  }
0x1ef: {  	[timem:s3], [sflag:s2] =	dma.local @!p0 [hbm:s0], s1  }
0x1f0: {  	s0 =	simm.s32 @!p0 $0x3  }
0x1f1: {  	_ =	swait.ge @!p0 [sflag:s0], s1  }
0x1f2: {  	s1 =	ssub.s32 @!p0 $0x0, s1;
	[sflag:s0] =	ssyncset.done @!p0 $0x0  }
0x1f3: {  	[sflag:s0] =	ssyncadd.s32 @!p0 s1  }
0x1f4: {  	[bflag:$0x3] =	sbarrier.arrive $0xFFFF  }
0x1f5: {  	_ =	shalt  }

</sc_bundles>
